<compile_context>
chip_gen: v7x
topology: tpu7x:2x2x1
jax: 0.10.2.dev20260603
libtpu: 0.0.44.dev20260713+nightly
codegen_flags: <defaults>
</compile_context>

<pallas_src>
import functools

import jax
import jax.numpy as jnp
from jax import lax
from jax.experimental import pallas as pl
from jax.experimental.pallas import tpu as pltpu
from jax.experimental.pallas import tpu_sc as plsc

N_NODES = 10000
N_EDGES = 320000
D_IN = 128
D_HID = 128
N_CLS = 32

NW = 32
LANES = 128
CHUNKS = 80
SUP = 10
INNER = CHUNKS // SUP
E_PAD = NW * CHUNKS * LANES
N_PAD = 10240
ROWS_PER_TILE = N_PAD // 16

_mesh = plsc.VectorSubcoreMesh(core_axis_name="c", subcore_axis_name="s")


def _make_sc_agg(feat_dim):

    out_types = [jax.ShapeDtypeStruct((2, N_PAD, feat_dim), jnp.float32)]
    half = LANES // 2
    scratch = [
        pltpu.VMEM((INNER, LANES), jnp.int32),
        pltpu.VMEM((INNER, LANES), jnp.int32),
        pltpu.VMEM((LANES, feat_dim), jnp.float32),
        pltpu.VMEM((LANES, feat_dim), jnp.float32),
        pltpu.VMEM_SHARED((N_PAD, feat_dim), jnp.float32),
        pltpu.SemaphoreType.DMA,
        pltpu.SemaphoreType.DMA,
        pltpu.SemaphoreType.DMA,
        pltpu.SemaphoreType.DMA,
        pltpu.SemaphoreType.DMA,
        pltpu.SemaphoreType.DMA,
    ]

    def body(table_hbm, src_hbm, dst_hbm, zeros_hbm,
             out_hbm, srcv, dstv, rows0, rows1, acc, i0, i1, *gsem):
        rowbuf = (rows0, rows1)
        cid = lax.axis_index("c")
        sid = lax.axis_index("s")
        wid = cid * 16 + sid
        r0 = sid * ROWS_PER_TILE
        pltpu.sync_copy(zeros_hbm, acc.at[pl.ds(r0, ROWS_PER_TILE), :])
        plsc.subcore_barrier()

        def fire(c, p):
            for h in range(2):
                pltpu.async_copy(
                    table_hbm.at[srcv.at[c, pl.ds(h * half, half)]],
                    rowbuf[p].at[pl.ds(h * half, half), :],
                    gsem[p * 2 + h])

        def drain(p):
            for h in range(2):
                pltpu.make_async_copy(
                    table_hbm.at[pl.ds(0, half), :],
                    rowbuf[p].at[pl.ds(h * half, half), :],
                    gsem[p * 2 + h]).wait()

        def super_step(k, carry):
            base = wid * CHUNKS + k * INNER
            ha = pltpu.async_copy(src_hbm.at[pl.ds(base, INNER), :], srcv, i0)
            hb = pltpu.async_copy(dst_hbm.at[pl.ds(base, INNER), :], dstv, i1)
            ha.wait()
            hb.wait()
            fire(0, 0)
            fire(1, 1)
            for j in range(INNER):
                p = j & 1
                drain(p)
                pltpu.sync_copy(rowbuf[p], acc.at[dstv.at[j]], add=True)
                if j + 2 < INNER:
                    fire(j + 2, p)
            return carry

        lax.fori_loop(0, SUP, super_step, 0)
        plsc.subcore_barrier()
        pltpu.sync_copy(acc.at[pl.ds(r0, ROWS_PER_TILE), :],
                        out_hbm.at[cid, pl.ds(r0, ROWS_PER_TILE), :])

    return functools.partial(
        pl.kernel, mesh=_mesh, out_type=out_types, scratch_types=scratch
    )(body)


def _sc_deg_kernel(dst_hbm, zeros_hbm, ones_hbm, deg_hbm,
                   dstv, ones, dacc, sem):
    cid = lax.axis_index("c")
    sid = lax.axis_index("s")
    wid = cid * 16 + sid
    r0 = sid * ROWS_PER_TILE
    pltpu.sync_copy(zeros_hbm, dacc.at[pl.ds(r0, ROWS_PER_TILE), :])
    pltpu.sync_copy(ones_hbm, ones)
    plsc.subcore_barrier()

    def step(j, carry):
        pltpu.sync_copy(ones, dacc.at[dstv.at[j]], add=True)
        return carry

    def super_step(k, carry):
        base = wid * CHUNKS + k * INNER
        pltpu.sync_copy(dst_hbm.at[pl.ds(base, INNER), :], dstv)
        lax.fori_loop(0, INNER, step, 0)
        return carry

    lax.fori_loop(0, SUP, super_step, 0)
    plsc.subcore_barrier()
    pltpu.sync_copy(dacc.at[pl.ds(r0, ROWS_PER_TILE), :],
                    deg_hbm.at[cid, pl.ds(r0, ROWS_PER_TILE), :])


_sc_deg = functools.partial(
    pl.kernel, mesh=_mesh,
    out_type=[jax.ShapeDtypeStruct((2, N_PAD, D_IN), jnp.float32)],
    scratch_types=[
        pltpu.VMEM((INNER, LANES), jnp.int32),
        pltpu.VMEM((LANES, D_IN), jnp.float32),
        pltpu.VMEM_SHARED((N_PAD, D_IN), jnp.float32),
        pltpu.SemaphoreType.DMA,
    ],
)(_sc_deg_kernel)


_sc_agg1 = _make_sc_agg(D_IN)
_sc_agg2 = _make_sc_agg(D_HID)

_BLK = 1000
_GRID = N_NODES // _BLK


def _tc1_body(x_ref, s1_ref, deg_ref, ws1_ref, wn1_ref, b1_ref,
              ws2_ref, h_ref, q_ref):
    s = s1_ref[0] + s1_ref[1]
    dg = deg_ref[0] + deg_ref[1]
    hn = s / jnp.maximum(dg, 1.0)
    h1 = jnp.maximum(
        x_ref[...] @ ws1_ref[...] + hn @ wn1_ref[...] + b1_ref[...], 0.0)
    h_ref[...] = h1
    q_ref[...] = h1 @ ws2_ref[...]


def _tc2_body(q_ref, s2_ref, deg_ref, wn2_ref, b2_ref, o_ref):
    s = s2_ref[0] + s2_ref[1]
    dg = deg_ref[0] + deg_ref[1]
    hn = s / jnp.maximum(dg, 1.0)
    o_ref[...] = jax.nn.sigmoid(
        q_ref[...] + hn @ wn2_ref[...] + b2_ref[...])


_tc1 = pl.pallas_call(
    _tc1_body,
    grid=(_GRID,),
    in_specs=[
        pl.BlockSpec((_BLK, D_IN), lambda i: (i, 0)),
        pl.BlockSpec((2, _BLK, D_IN), lambda i: (0, i, 0)),
        pl.BlockSpec((2, _BLK, D_IN), lambda i: (0, i, 0)),
        pl.BlockSpec((D_IN, D_HID), lambda i: (0, 0)),
        pl.BlockSpec((D_IN, D_HID), lambda i: (0, 0)),
        pl.BlockSpec((1, D_HID), lambda i: (0, 0)),
        pl.BlockSpec((D_HID, N_CLS), lambda i: (0, 0)),
    ],
    out_specs=[
        pl.BlockSpec((_BLK, D_HID), lambda i: (i, 0)),
        pl.BlockSpec((_BLK, N_CLS), lambda i: (i, 0)),
    ],
    out_shape=[
        jax.ShapeDtypeStruct((N_NODES, D_HID), jnp.float32),
        jax.ShapeDtypeStruct((N_NODES, N_CLS), jnp.float32),
    ],
)

_tc2 = pl.pallas_call(
    _tc2_body,
    grid=(_GRID,),
    in_specs=[
        pl.BlockSpec((_BLK, N_CLS), lambda i: (i, 0)),
        pl.BlockSpec((2, _BLK, D_HID), lambda i: (0, i, 0)),
        pl.BlockSpec((2, _BLK, D_IN), lambda i: (0, i, 0)),
        pl.BlockSpec((D_HID, N_CLS), lambda i: (0, 0)),
        pl.BlockSpec((1, N_CLS), lambda i: (0, 0)),
    ],
    out_specs=pl.BlockSpec((_BLK, N_CLS), lambda i: (i, 0)),
    out_shape=jax.ShapeDtypeStruct((N_NODES, N_CLS), jnp.float32),
)


def kernel(x, edge_index, W_self1, W_neigh1, b1, W_self2, W_neigh2, b2):
    src = edge_index[0].astype(jnp.int32)
    dst = edge_index[1].astype(jnp.int32)
    pad = E_PAD - N_EDGES
    srcf = jnp.concatenate([src, jnp.zeros((pad,), jnp.int32)])
    dstf = jnp.concatenate([dst, jnp.full((pad,), N_NODES, jnp.int32)])
    srcp = srcf.reshape(NW * CHUNKS, LANES)
    dstp = dstf.reshape(NW * CHUNKS, LANES)
    zeros_w = jnp.zeros((ROWS_PER_TILE, D_IN), jnp.float32)
    ones_w = jnp.ones((LANES, D_IN), jnp.float32)

    (deg,) = _sc_deg(dstp, zeros_w, ones_w)
    (s1,) = _sc_agg1(x, srcp, dstp, zeros_w)
    h1, q2 = _tc1(x, s1, deg, W_self1, W_neigh1, b1.reshape(1, D_HID), W_self2)
    (s2,) = _sc_agg2(h1, srcp, dstp, zeros_w)
    return _tc2(q2, s2, deg, W_neigh2, b2.reshape(1, N_CLS))

# --- scband reference (transcript-rebuilt; emitter-appended) ---
"""Pipeline reference for scband-gnnsage-dev-5446018532030 (READ-ONLY COPY).

The authoritative reference and input builder live on the scoring server;
editing this copy changes nothing except your own understanding.
"""

import jax, jax.numpy as jnp
import numpy as np

N_NODES = 10000
N_EDGES = 320000
D_IN = 128
D_HID = 128
N_CLS = 32


def setup_inputs(seed: int = 0) -> dict:
    key = jax.random.key(seed)
    ks = jax.random.split(key, 9)
    x = jax.random.normal(ks[0], (N_NODES, D_IN), dtype=jnp.float32)
    edge_index = jax.random.randint(ks[1], (2, N_EDGES), 0, N_NODES, dtype=jnp.int64)
    W_self1 = jax.random.normal(ks[2], (D_IN, D_HID), dtype=jnp.float32) * 0.05
    W_neigh1 = jax.random.normal(ks[3], (D_IN, D_HID), dtype=jnp.float32) * 0.05
    b1 = jnp.zeros((D_HID,), dtype=jnp.float32)
    W_self2 = jax.random.normal(ks[4], (D_HID, N_CLS), dtype=jnp.float32) * 0.05
    W_neigh2 = jax.random.normal(ks[5], (D_HID, N_CLS), dtype=jnp.float32) * 0.05
    b2 = jnp.zeros((N_CLS,), dtype=jnp.float32)
    return {"x": x, "edge_index": edge_index, "W_self1": W_self1, "W_neigh1": W_neigh1,
            "b1": b1, "W_self2": W_self2, "W_neigh2": W_neigh2, "b2": b2}


def _sage_conv(h, src, dst, n_nodes, W_self, W_neigh, b, activation):
    # mean aggregation over in-neighbors: gather src feats, scatter-add by dst, divide by in-degree
    msg = jnp.take(h, src, axis=0)
    summed = jax.ops.segment_sum(msg, dst, num_segments=n_nodes)
    deg = jax.ops.segment_sum(jnp.ones((src.shape[0],), dtype=h.dtype), dst, num_segments=n_nodes)
    deg = jnp.maximum(deg, 1.0)
    h_neigh = summed / deg[:, None]
    out = h @ W_self + h_neigh @ W_neigh + b
    if activation is not None:
        out = activation(out)
    return out


def reference(x, edge_index, W_self1, W_neigh1, b1, W_self2, W_neigh2, b2):
    src = edge_index[0]
    dst = edge_index[1]
    n = x.shape[0]
    h = _sage_conv(x, src, dst, n, W_self1, W_neigh1, b1, jax.nn.relu)
    # dropout p=0.0 -> identity
    h = _sage_conv(h, src, dst, n, W_self2, W_neigh2, b2, None)
    return jax.nn.sigmoid(h)

if __name__ == "__main__":
    import jax
    _d = setup_inputs()
    print(jax.jit(kernel)(*tuple(_d.values())))

</pallas_src>

<mosaic_0001>
#map = affine_map<(d0, d1) -> (0, 0)>
#map1 = affine_map<(d0, d1) -> (0, 0, 0)>
module attributes {stable_mosaic.version = 14 : i64} {
  func.func @_sc_deg_kernel(%arg0: i32, %arg1: i32, %arg2: memref<2560x128xi32, #tpu.memory_space<hbm>>, %arg3: memref<640x128xf32, #tpu.memory_space<hbm>>, %arg4: memref<128x128xf32, #tpu.memory_space<hbm>>, %arg5: memref<2x10240x128xf32, #tpu.memory_space<hbm>>, %arg6: memref<8x128xi32, #tpu.memory_space<vmem>>, %arg7: memref<128x128xf32, #tpu.memory_space<vmem>>, %arg8: memref<10240x128xf32, #tpu.memory_space<vmem_shared>>, %arg9: memref<!tpu.dma_semaphore, #tpu.memory_space<semaphore_mem>>) attributes {dimension_semantics = [#tpu.dimension_semantics<core_parallel>, #tpu.dimension_semantics<subcore_parallel>], iteration_bounds = array<i64: 2, 16>, scalar_prefetch = 0 : i64, scratch_operands = 4 : i64, tpu.core_type = #tpu.core_type<sc_vector_subcore>, window_params = [{transform_indices = #map}, {transform_indices = #map}, {transform_indices = #map}, {transform_indices = #map1}]} {
    %mul3A = arith.constant 16 : i32
    %mul3A_0 = arith.muli %arg0, %mul3A : i32
    %add3A = arith.addi %mul3A_0, %arg1 : i32
    %mul3A_1 = arith.constant 640 : i32
    %mul3A_2 = arith.muli %arg1, %mul3A_1 : i32
    "tpu.region"() ({
      %run_scoped3A = tpu.sem_alloc : memref<!tpu.dma_semaphore, #tpu.memory_space<semaphore_mem>>
      %dma_start3A = arith.constant 0 : i32
      %dma_start3A_9 = tpu.memref_slice %arg8[%mul3A_2, %dma_start3A] : memref<10240x128xf32, #tpu.memory_space<vmem_shared>> -> memref<640x128xf32, #tpu.memory_space<vmem_shared>>
      tpu.enqueue_dma source(%arg3 : memref<640x128xf32, #tpu.memory_space<hbm>>) target(%dma_start3A_9 : memref<640x128xf32, #tpu.memory_space<vmem_shared>>) target_semaphore(%run_scoped3A : memref<!tpu.dma_semaphore, #tpu.memory_space<semaphore_mem>>)
      %dma_wait3A = arith.constant 0 : i32
      %dma_wait3A_10 = tpu.memref_slice %arg8[%mul3A_2, %dma_wait3A] : memref<10240x128xf32, #tpu.memory_space<vmem_shared>> -> memref<640x128xf32, #tpu.memory_space<vmem_shared>>
      tpu.wait_dma2 semaphore(%run_scoped3A : memref<!tpu.dma_semaphore, #tpu.memory_space<semaphore_mem>>) src(%arg3 : memref<640x128xf32, #tpu.memory_space<hbm>>) dst(%dma_wait3A_10 : memref<640x128xf32, #tpu.memory_space<vmem_shared>>)
      tpu.yield
    }) : () -> ()
    "tpu.region"() ({
      %run_scoped3A = tpu.sem_alloc : memref<!tpu.dma_semaphore, #tpu.memory_space<semaphore_mem>>
      tpu.enqueue_dma source(%arg4 : memref<128x128xf32, #tpu.memory_space<hbm>>) target(%arg7 : memref<128x128xf32, #tpu.memory_space<vmem>>) target_semaphore(%run_scoped3A : memref<!tpu.dma_semaphore, #tpu.memory_space<semaphore_mem>>)
      tpu.wait_dma2 semaphore(%run_scoped3A : memref<!tpu.dma_semaphore, #tpu.memory_space<semaphore_mem>>) src(%arg4 : memref<128x128xf32, #tpu.memory_space<hbm>>) dst(%arg7 : memref<128x128xf32, #tpu.memory_space<vmem>>)
      tpu.yield
    }) : () -> ()
    %barrier3A = arith.constant 0 : index
    tpu.barrier barrier_id(%barrier3A)
    %scan3A = arith.constant 0 : i32
    %scan3A_3 = arith.constant 0 : i32
    %scan3A_4 = arith.constant 10 : i32
    %scan3A_5 = arith.addi %scan3A_3, %scan3A_4 : i32
    %scan3A_6 = arith.constant 1 : i32
    scf.for %scan3A_9 = %scan3A_3 to %scan3A_5 step %scan3A_6  : i32 {
      %mul3A_10 = arith.constant 80 : i32
      %mul3A_11 = arith.muli %add3A, %mul3A_10 : i32
      %mul3A_12 = arith.constant 8 : i32
      %mul3A_13 = arith.muli %scan3A_9, %mul3A_12 : i32
      %add3A_14 = arith.addi %mul3A_11, %mul3A_13 : i32
      "tpu.region"() ({
        %run_scoped3A = tpu.sem_alloc : memref<!tpu.dma_semaphore, #tpu.memory_space<semaphore_mem>>
        %dma_start3A = arith.constant 0 : i32
        %dma_start3A_21 = tpu.memref_slice %arg2[%add3A_14, %dma_start3A] : memref<2560x128xi32, #tpu.memory_space<hbm>> -> memref<8x128xi32, #tpu.memory_space<hbm>>
        %dma_start3A_22 = arith.constant 0 : i32
        %dma_start3A_23 = tpu.memref_slice %arg2[%add3A_14, %dma_start3A_22] : memref<2560x128xi32, #tpu.memory_space<hbm>> -> memref<8x128xi32, #tpu.memory_space<hbm>>
        tpu.enqueue_dma source(%dma_start3A_23 : memref<8x128xi32, #tpu.memory_space<hbm>>) target(%arg6 : memref<8x128xi32, #tpu.memory_space<vmem>>) target_semaphore(%run_scoped3A : memref<!tpu.dma_semaphore, #tpu.memory_space<semaphore_mem>>)
        %dma_wait3A = arith.constant 0 : i32
        %dma_wait3A_24 = tpu.memref_slice %arg2[%add3A_14, %dma_wait3A] : memref<2560x128xi32, #tpu.memory_space<hbm>> -> memref<8x128xi32, #tpu.memory_space<hbm>>
        %dma_wait3A_25 = arith.constant 0 : i32
        %dma_wait3A_26 = tpu.memref_slice %arg2[%add3A_14, %dma_wait3A_25] : memref<2560x128xi32, #tpu.memory_space<hbm>> -> memref<8x128xi32, #tpu.memory_space<hbm>>
        tpu.wait_dma2 semaphore(%run_scoped3A : memref<!tpu.dma_semaphore, #tpu.memory_space<semaphore_mem>>) src(%dma_wait3A_26 : memref<8x128xi32, #tpu.memory_space<hbm>>) dst(%arg6 : memref<8x128xi32, #tpu.memory_space<vmem>>)
        tpu.yield
      }) : () -> ()
      %scan3A_15 = arith.constant 0 : i32
      %scan3A_16 = arith.constant 0 : i32
      %scan3A_17 = arith.constant 8 : i32
      %scan3A_18 = arith.addi %scan3A_16, %scan3A_17 : i32
      %scan3A_19 = arith.constant 1 : i32
      scf.for %scan3A_21 = %scan3A_16 to %scan3A_18 step %scan3A_19  : i32 {
        "tpu.region"() ({
          %run_scoped3A = tpu.sem_alloc : memref<!tpu.dma_semaphore, #tpu.memory_space<semaphore_mem>>
          %dma_start3A = arith.constant 0 : i32
          %dma_start3A_22 = tpu.memref_slice %arg6[%scan3A_21, %dma_start3A] : memref<8x128xi32, #tpu.memory_space<vmem>> -> memref<1x128xi32, #tpu.memory_space<vmem>>
          %dma_start3A_23 = tpu.memref_squeeze %dma_start3A_22 : memref<1x128xi32, #tpu.memory_space<vmem>> -> memref<128xi32, #tpu.memory_space<vmem>>
          %dma_start3A_24 = arith.constant 0 : i32
          %dma_start3A_25 = arith.constant 0 : i32
          %dma_start3A_26 = tpu.memref_slice %arg8[%dma_start3A_24, %dma_start3A_25] : memref<10240x128xf32, #tpu.memory_space<vmem_shared>> -> memref<10240x128xf32, #tpu.memory_space<vmem_shared>>
          tpu.enqueue_indirect_dma source(%arg7 : memref<128x128xf32, #tpu.memory_space<vmem>>) target(%dma_start3A_26 : memref<10240x128xf32, #tpu.memory_space<vmem_shared>>) offsets(%dma_start3A_23 : memref<128xi32, #tpu.memory_space<vmem>>) semaphore(%run_scoped3A : memref<!tpu.dma_semaphore, #tpu.memory_space<semaphore_mem>>) {add = true}
          %dma_wait3A = arith.constant 0 : i32
          %dma_wait3A_27 = tpu.memref_slice %arg6[%scan3A_21, %dma_wait3A] : memref<8x128xi32, #tpu.memory_space<vmem>> -> memref<1x128xi32, #tpu.memory_space<vmem>>
          %dma_wait3A_28 = tpu.memref_squeeze %dma_wait3A_27 : memref<1x128xi32, #tpu.memory_space<vmem>> -> memref<128xi32, #tpu.memory_space<vmem>>
          %dma_wait3A_29 = arith.constant 0 : i32
          %dma_wait3A_30 = arith.constant 0 : i32
          %dma_wait3A_31 = tpu.memref_slice %arg8[%dma_wait3A_29, %dma_wait3A_30] : memref<10240x128xf32, #tpu.memory_space<vmem_shared>> -> memref<10240x128xf32, #tpu.memory_space<vmem_shared>>
          tpu.wait_indirect_dma semaphore(%run_scoped3A : memref<!tpu.dma_semaphore, #tpu.memory_space<semaphore_mem>>) src(%arg7 : memref<128x128xf32, #tpu.memory_space<vmem>>) dst(%dma_wait3A_31 : memref<10240x128xf32, #tpu.memory_space<vmem_shared>>)
          tpu.yield
        }) : () -> ()
      }
      %scan3A_20 = arith.constant 8 : i32
    }
    %scan3A_7 = arith.constant 10 : i32
    %barrier3A_8 = arith.constant 0 : index
    tpu.barrier barrier_id(%barrier3A_8)
    "tpu.region"() ({
      %run_scoped3A = tpu.sem_alloc : memref<!tpu.dma_semaphore, #tpu.memory_space<semaphore_mem>>
      %dma_start3A = arith.constant 0 : i32
      %dma_start3A_9 = tpu.memref_slice %arg5[%arg0, %mul3A_2, %dma_start3A] : memref<2x10240x128xf32, #tpu.memory_space<hbm>> -> memref<1x640x128xf32, #tpu.memory_space<hbm>>
      %dma_start3A_10 = tpu.memref_squeeze %dma_start3A_9 : memref<1x640x128xf32, #tpu.memory_space<hbm>> -> memref<640x128xf32, #tpu.memory_space<hbm>>
      %dma_start3A_11 = arith.constant 0 : i32
      %dma_start3A_12 = tpu.memref_slice %arg8[%mul3A_2, %dma_start3A_11] : memref<10240x128xf32, #tpu.memory_space<vmem_shared>> -> memref<640x128xf32, #tpu.memory_space<vmem_shared>>
      tpu.enqueue_dma source(%dma_start3A_12 : memref<640x128xf32, #tpu.memory_space<vmem_shared>>) target(%dma_start3A_10 : memref<640x128xf32, #tpu.memory_space<hbm>>) target_semaphore(%run_scoped3A : memref<!tpu.dma_semaphore, #tpu.memory_space<semaphore_mem>>)
      %dma_wait3A = arith.constant 0 : i32
      %dma_wait3A_13 = tpu.memref_slice %arg5[%arg0, %mul3A_2, %dma_wait3A] : memref<2x10240x128xf32, #tpu.memory_space<hbm>> -> memref<1x640x128xf32, #tpu.memory_space<hbm>>
      %dma_wait3A_14 = tpu.memref_squeeze %dma_wait3A_13 : memref<1x640x128xf32, #tpu.memory_space<hbm>> -> memref<640x128xf32, #tpu.memory_space<hbm>>
      %dma_wait3A_15 = arith.constant 0 : i32
      %dma_wait3A_16 = tpu.memref_slice %arg8[%mul3A_2, %dma_wait3A_15] : memref<10240x128xf32, #tpu.memory_space<vmem_shared>> -> memref<640x128xf32, #tpu.memory_space<vmem_shared>>
      tpu.wait_dma2 semaphore(%run_scoped3A : memref<!tpu.dma_semaphore, #tpu.memory_space<semaphore_mem>>) src(%dma_wait3A_16 : memref<640x128xf32, #tpu.memory_space<vmem_shared>>) dst(%dma_wait3A_14 : memref<640x128xf32, #tpu.memory_space<hbm>>)
      tpu.yield
    }) : () -> ()
    return
  }
}

#map = affine_map<(d0, d1) -> (0, 0)>
#map1 = affine_map<(d0, d1) -> (0, 0, 0)>
module attributes {stable_mosaic.version = 14 : i64} {
  func.func @body(%arg0: i32, %arg1: i32, %arg2: memref<10000x128xf32, #tpu.memory_space<hbm>>, %arg3: memref<2560x128xi32, #tpu.memory_space<hbm>>, %arg4: memref<2560x128xi32, #tpu.memory_space<hbm>>, %arg5: memref<640x128xf32, #tpu.memory_space<hbm>>, %arg6: memref<2x10240x128xf32, #tpu.memory_space<hbm>>, %arg7: memref<8x128xi32, #tpu.memory_space<vmem>>, %arg8: memref<8x128xi32, #tpu.memory_space<vmem>>, %arg9: memref<128x128xf32, #tpu.memory_space<vmem>>, %arg10: memref<128x128xf32, #tpu.memory_space<vmem>>, %arg11: memref<10240x128xf32, #tpu.memory_space<vmem_shared>>, %arg12: memref<!tpu.dma_semaphore, #tpu.memory_space<semaphore_mem>>, %arg13: memref<!tpu.dma_semaphore, #tpu.memory_space<semaphore_mem>>, %arg14: memref<!tpu.dma_semaphore, #tpu.memory_space<semaphore_mem>>, %arg15: memref<!tpu.dma_semaphore, #tpu.memory_space<semaphore_mem>>, %arg16: memref<!tpu.dma_semaphore, #tpu.memory_space<semaphore_mem>>, %arg17: memref<!tpu.dma_semaphore, #tpu.memory_space<semaphore_mem>>) attributes {dimension_semantics = [#tpu.dimension_semantics<core_parallel>, #tpu.dimension_semantics<subcore_parallel>], iteration_bounds = array<i64: 2, 16>, scalar_prefetch = 0 : i64, scratch_operands = 11 : i64, tpu.core_type = #tpu.core_type<sc_vector_subcore>, window_params = [{transform_indices = #map}, {transform_indices = #map}, {transform_indices = #map}, {transform_indices = #map}, {transform_indices = #map1}]} {
    %mul3A = arith.constant 16 : i32
    %mul3A_0 = arith.muli %arg0, %mul3A : i32
    %add3A = arith.addi %mul3A_0, %arg1 : i32
    %mul3A_1 = arith.constant 640 : i32
    %mul3A_2 = arith.muli %arg1, %mul3A_1 : i32
    "tpu.region"() ({
      %run_scoped3A = tpu.sem_alloc : memref<!tpu.dma_semaphore, #tpu.memory_space<semaphore_mem>>
      %dma_start3A = arith.constant 0 : i32
      %dma_start3A_9 = tpu.memref_slice %arg11[%mul3A_2, %dma_start3A] : memref<10240x128xf32, #tpu.memory_space<vmem_shared>> -> memref<640x128xf32, #tpu.memory_space<vmem_shared>>
      tpu.enqueue_dma source(%arg5 : memref<640x128xf32, #tpu.memory_space<hbm>>) target(%dma_start3A_9 : memref<640x128xf32, #tpu.memory_space<vmem_shared>>) target_semaphore(%run_scoped3A : memref<!tpu.dma_semaphore, #tpu.memory_space<semaphore_mem>>)
      %dma_wait3A = arith.constant 0 : i32
      %dma_wait3A_10 = tpu.memref_slice %arg11[%mul3A_2, %dma_wait3A] : memref<10240x128xf32, #tpu.memory_space<vmem_shared>> -> memref<640x128xf32, #tpu.memory_space<vmem_shared>>
      tpu.wait_dma2 semaphore(%run_scoped3A : memref<!tpu.dma_semaphore, #tpu.memory_space<semaphore_mem>>) src(%arg5 : memref<640x128xf32, #tpu.memory_space<hbm>>) dst(%dma_wait3A_10 : memref<640x128xf32, #tpu.memory_space<vmem_shared>>)
      tpu.yield
    }) : () -> ()
    %barrier3A = arith.constant 0 : index
    tpu.barrier barrier_id(%barrier3A)
    %scan3A = arith.constant 0 : i32
    %scan3A_3 = arith.constant 0 : i32
    %scan3A_4 = arith.constant 10 : i32
    %scan3A_5 = arith.addi %scan3A_3, %scan3A_4 : i32
    %scan3A_6 = arith.constant 1 : i32
    scf.for %scan3A_9 = %scan3A_3 to %scan3A_5 step %scan3A_6  : i32 {
      %mul3A_10 = arith.constant 80 : i32
      %mul3A_11 = arith.muli %add3A, %mul3A_10 : i32
      %mul3A_12 = arith.constant 8 : i32
      %mul3A_13 = arith.muli %scan3A_9, %mul3A_12 : i32
      %add3A_14 = arith.addi %mul3A_11, %mul3A_13 : i32
      %dma_start3A = arith.constant 0 : i32
      %dma_start3A_15 = tpu.memref_slice %arg3[%add3A_14, %dma_start3A] : memref<2560x128xi32, #tpu.memory_space<hbm>> -> memref<8x128xi32, #tpu.memory_space<hbm>>
      %dma_start3A_16 = arith.constant 0 : i32
      %dma_start3A_17 = tpu.memref_slice %arg3[%add3A_14, %dma_start3A_16] : memref<2560x128xi32, #tpu.memory_space<hbm>> -> memref<8x128xi32, #tpu.memory_space<hbm>>
      tpu.enqueue_dma source(%dma_start3A_17 : memref<8x128xi32, #tpu.memory_space<hbm>>) target(%arg7 : memref<8x128xi32, #tpu.memory_space<vmem>>) target_semaphore(%arg12 : memref<!tpu.dma_semaphore, #tpu.memory_space<semaphore_mem>>)
      %dma_start3A_18 = arith.constant 0 : i32
      %dma_start3A_19 = tpu.memref_slice %arg4[%add3A_14, %dma_start3A_18] : memref<2560x128xi32, #tpu.memory_space<hbm>> -> memref<8x128xi32, #tpu.memory_space<hbm>>
      %dma_start3A_20 = arith.constant 0 : i32
      %dma_start3A_21 = tpu.memref_slice %arg4[%add3A_14, %dma_start3A_20] : memref<2560x128xi32, #tpu.memory_space<hbm>> -> memref<8x128xi32, #tpu.memory_space<hbm>>
      tpu.enqueue_dma source(%dma_start3A_21 : memref<8x128xi32, #tpu.memory_space<hbm>>) target(%arg8 : memref<8x128xi32, #tpu.memory_space<vmem>>) target_semaphore(%arg13 : memref<!tpu.dma_semaphore, #tpu.memory_space<semaphore_mem>>)
      %dma_wait3A = arith.constant 0 : i32
      %dma_wait3A_22 = tpu.memref_slice %arg3[%add3A_14, %dma_wait3A] : memref<2560x128xi32, #tpu.memory_space<hbm>> -> memref<8x128xi32, #tpu.memory_space<hbm>>
      %dma_wait3A_23 = arith.constant 0 : i32
      %dma_wait3A_24 = tpu.memref_slice %arg3[%add3A_14, %dma_wait3A_23] : memref<2560x128xi32, #tpu.memory_space<hbm>> -> memref<8x128xi32, #tpu.memory_space<hbm>>
      tpu.wait_dma2 semaphore(%arg12 : memref<!tpu.dma_semaphore, #tpu.memory_space<semaphore_mem>>) src(%dma_wait3A_24 : memref<8x128xi32, #tpu.memory_space<hbm>>) dst(%arg7 : memref<8x128xi32, #tpu.memory_space<vmem>>)
      %dma_wait3A_25 = arith.constant 0 : i32
      %dma_wait3A_26 = tpu.memref_slice %arg4[%add3A_14, %dma_wait3A_25] : memref<2560x128xi32, #tpu.memory_space<hbm>> -> memref<8x128xi32, #tpu.memory_space<hbm>>
      %dma_wait3A_27 = arith.constant 0 : i32
      %dma_wait3A_28 = tpu.memref_slice %arg4[%add3A_14, %dma_wait3A_27] : memref<2560x128xi32, #tpu.memory_space<hbm>> -> memref<8x128xi32, #tpu.memory_space<hbm>>
      tpu.wait_dma2 semaphore(%arg13 : memref<!tpu.dma_semaphore, #tpu.memory_space<semaphore_mem>>) src(%dma_wait3A_28 : memref<8x128xi32, #tpu.memory_space<hbm>>) dst(%arg8 : memref<8x128xi32, #tpu.memory_space<vmem>>)
      %dma_start3A_29 = arith.constant 0 : i32
      %dma_start3A_30 = arith.constant 0 : i32
      %dma_start3A_31 = arith.constant 0 : i32
      %dma_start3A_32 = tpu.memref_slice %arg9[%dma_start3A_30, %dma_start3A_31] : memref<128x128xf32, #tpu.memory_space<vmem>> -> memref<64x128xf32, #tpu.memory_space<vmem>>
      %dma_start3A_33 = arith.constant 0 : i32
      %dma_start3A_34 = tpu.memref_slice %arg7[%dma_start3A_29, %dma_start3A_33] : memref<8x128xi32, #tpu.memory_space<vmem>> -> memref<1x64xi32, #tpu.memory_space<vmem>>
      %dma_start3A_35 = tpu.memref_squeeze %dma_start3A_34 : memref<1x64xi32, #tpu.memory_space<vmem>> -> memref<64xi32, #tpu.memory_space<vmem>>
      %dma_start3A_36 = arith.constant 0 : i32
      %dma_start3A_37 = arith.constant 0 : i32
      %dma_start3A_38 = tpu.memref_slice %arg2[%dma_start3A_36, %dma_start3A_37] : memref<10000x128xf32, #tpu.memory_space<hbm>> -> memref<10000x128xf32, #tpu.memory_space<hbm>>
      tpu.enqueue_indirect_dma source(%dma_start3A_38 : memref<10000x128xf32, #tpu.memory_space<hbm>>) target(%dma_start3A_32 : memref<64x128xf32, #tpu.memory_space<vmem>>) offsets(%dma_start3A_35 : memref<64xi32, #tpu.memory_space<vmem>>) semaphore(%arg14 : memref<!tpu.dma_semaphore, #tpu.memory_space<semaphore_mem>>)
      %dma_start3A_39 = arith.constant 0 : i32
      %dma_start3A_40 = arith.constant 64 : i32
      %dma_start3A_41 = arith.constant 0 : i32
      %dma_start3A_42 = tpu.memref_slice %arg9[%dma_start3A_40, %dma_start3A_41] : memref<128x128xf32, #tpu.memory_space<vmem>> -> memref<64x128xf32, #tpu.memory_space<vmem>>
      %dma_start3A_43 = arith.constant 64 : i32
      %dma_start3A_44 = tpu.memref_slice %arg7[%dma_start3A_39, %dma_start3A_43] : memref<8x128xi32, #tpu.memory_space<vmem>> -> memref<1x64xi32, #tpu.memory_space<vmem>>
      %dma_start3A_45 = tpu.memref_squeeze %dma_start3A_44 : memref<1x64xi32, #tpu.memory_space<vmem>> -> memref<64xi32, #tpu.memory_space<vmem>>
      %dma_start3A_46 = arith.constant 0 : i32
      %dma_start3A_47 = arith.constant 0 : i32
      %dma_start3A_48 = tpu.memref_slice %arg2[%dma_start3A_46, %dma_start3A_47] : memref<10000x128xf32, #tpu.memory_space<hbm>> -> memref<10000x128xf32, #tpu.memory_space<hbm>>
      tpu.enqueue_indirect_dma source(%dma_start3A_48 : memref<10000x128xf32, #tpu.memory_space<hbm>>) target(%dma_start3A_42 : memref<64x128xf32, #tpu.memory_space<vmem>>) offsets(%dma_start3A_45 : memref<64xi32, #tpu.memory_space<vmem>>) semaphore(%arg15 : memref<!tpu.dma_semaphore, #tpu.memory_space<semaphore_mem>>)
      %dma_start3A_49 = arith.constant 1 : i32
      %dma_start3A_50 = arith.constant 0 : i32
      %dma_start3A_51 = arith.constant 0 : i32
      %dma_start3A_52 = tpu.memref_slice %arg10[%dma_start3A_50, %dma_start3A_51] : memref<128x128xf32, #tpu.memory_space<vmem>> -> memref<64x128xf32, #tpu.memory_space<vmem>>
      %dma_start3A_53 = arith.constant 0 : i32
      %dma_start3A_54 = tpu.memref_slice %arg7[%dma_start3A_49, %dma_start3A_53] : memref<8x128xi32, #tpu.memory_space<vmem>> -> memref<1x64xi32, #tpu.memory_space<vmem>>
      %dma_start3A_55 = tpu.memref_squeeze %dma_start3A_54 : memref<1x64xi32, #tpu.memory_space<vmem>> -> memref<64xi32, #tpu.memory_space<vmem>>
      %dma_start3A_56 = arith.constant 0 : i32
      %dma_start3A_57 = arith.constant 0 : i32
      %dma_start3A_58 = tpu.memref_slice %arg2[%dma_start3A_56, %dma_start3A_57] : memref<10000x128xf32, #tpu.memory_space<hbm>> -> memref<10000x128xf32, #tpu.memory_space<hbm>>
      tpu.enqueue_indirect_dma source(%dma_start3A_58 : memref<10000x128xf32, #tpu.memory_space<hbm>>) target(%dma_start3A_52 : memref<64x128xf32, #tpu.memory_space<vmem>>) offsets(%dma_start3A_55 : memref<64xi32, #tpu.memory_space<vmem>>) semaphore(%arg16 : memref<!tpu.dma_semaphore, #tpu.memory_space<semaphore_mem>>)
      %dma_start3A_59 = arith.constant 1 : i32
      %dma_start3A_60 = arith.constant 64 : i32
      %dma_start3A_61 = arith.constant 0 : i32
      %dma_start3A_62 = tpu.memref_slice %arg10[%dma_start3A_60, %dma_start3A_61] : memref<128x128xf32, #tpu.memory_space<vmem>> -> memref<64x128xf32, #tpu.memory_space<vmem>>
      %dma_start3A_63 = arith.constant 64 : i32
      %dma_start3A_64 = tpu.memref_slice %arg7[%dma_start3A_59, %dma_start3A_63] : memref<8x128xi32, #tpu.memory_space<vmem>> -> memref<1x64xi32, #tpu.memory_space<vmem>>
      %dma_start3A_65 = tpu.memref_squeeze %dma_start3A_64 : memref<1x64xi32, #tpu.memory_space<vmem>> -> memref<64xi32, #tpu.memory_space<vmem>>
      %dma_start3A_66 = arith.constant 0 : i32
      %dma_start3A_67 = arith.constant 0 : i32
      %dma_start3A_68 = tpu.memref_slice %arg2[%dma_start3A_66, %dma_start3A_67] : memref<10000x128xf32, #tpu.memory_space<hbm>> -> memref<10000x128xf32, #tpu.memory_space<hbm>>
      tpu.enqueue_indirect_dma source(%dma_start3A_68 : memref<10000x128xf32, #tpu.memory_space<hbm>>) target(%dma_start3A_62 : memref<64x128xf32, #tpu.memory_space<vmem>>) offsets(%dma_start3A_65 : memref<64xi32, #tpu.memory_space<vmem>>) semaphore(%arg17 : memref<!tpu.dma_semaphore, #tpu.memory_space<semaphore_mem>>)
      %dma_wait3A_69 = arith.constant 0 : i32
      %dma_wait3A_70 = arith.constant 0 : i32
      %dma_wait3A_71 = tpu.memref_slice %arg9[%dma_wait3A_69, %dma_wait3A_70] : memref<128x128xf32, #tpu.memory_space<vmem>> -> memref<64x128xf32, #tpu.memory_space<vmem>>
      %dma_wait3A_72 = arith.constant 0 : i32
      %dma_wait3A_73 = arith.constant 0 : i32
      %dma_wait3A_74 = tpu.memref_slice %arg2[%dma_wait3A_72, %dma_wait3A_73] : memref<10000x128xf32, #tpu.memory_space<hbm>> -> memref<64x128xf32, #tpu.memory_space<hbm>>
      %dma_wait3A_75 = arith.constant 0 : i32
      %dma_wait3A_76 = arith.constant 0 : i32
      %dma_wait3A_77 = tpu.memref_slice %arg9[%dma_wait3A_75, %dma_wait3A_76] : memref<128x128xf32, #tpu.memory_space<vmem>> -> memref<64x128xf32, #tpu.memory_space<vmem>>
      %dma_wait3A_78 = arith.constant 0 : i32
      %dma_wait3A_79 = arith.constant 0 : i32
      %dma_wait3A_80 = tpu.memref_slice %arg2[%dma_wait3A_78, %dma_wait3A_79] : memref<10000x128xf32, #tpu.memory_space<hbm>> -> memref<64x128xf32, #tpu.memory_space<hbm>>
      tpu.wait_dma2 semaphore(%arg14 : memref<!tpu.dma_semaphore, #tpu.memory_space<semaphore_mem>>) src(%dma_wait3A_80 : memref<64x128xf32, #tpu.memory_space<hbm>>) dst(%dma_wait3A_77 : memref<64x128xf32, #tpu.memory_space<vmem>>)
      %dma_wait3A_81 = arith.constant 64 : i32
      %dma_wait3A_82 = arith.constant 0 : i32
      %dma_wait3A_83 = tpu.memref_slice %arg9[%dma_wait3A_81, %dma_wait3A_82] : memref<128x128xf32, #tpu.memory_space<vmem>> -> memref<64x128xf32, #tpu.memory_space<vmem>>
      %dma_wait3A_84 = arith.constant 0 : i32
      %dma_wait3A_85 = arith.constant 0 : i32
      %dma_wait3A_86 = tpu.memref_slice %arg2[%dma_wait3A_84, %dma_wait3A_85] : memref<10000x128xf32, #tpu.memory_space<hbm>> -> memref<64x128xf32, #tpu.memory_space<hbm>>
      %dma_wait3A_87 = arith.constant 64 : i32
      %dma_wait3A_88 = arith.constant 0 : i32
      %dma_wait3A_89 = tpu.memref_slice %arg9[%dma_wait3A_87, %dma_wait3A_88] : memref<128x128xf32, #tpu.memory_space<vmem>> -> memref<64x128xf32, #tpu.memory_space<vmem>>
      %dma_wait3A_90 = arith.constant 0 : i32
      %dma_wait3A_91 = arith.constant 0 : i32
      %dma_wait3A_92 = tpu.memref_slice %arg2[%dma_wait3A_90, %dma_wait3A_91] : memref<10000x128xf32, #tpu.memory_space<hbm>> -> memref<64x128xf32, #tpu.memory_space<hbm>>
      tpu.wait_dma2 semaphore(%arg15 : memref<!tpu.dma_semaphore, #tpu.memory_space<semaphore_mem>>) src(%dma_wait3A_92 : memref<64x128xf32, #tpu.memory_space<hbm>>) dst(%dma_wait3A_89 : memref<64x128xf32, #tpu.memory_space<vmem>>)
      %run_scoped3A = arith.constant 0 : i32
      "tpu.region"() ({
        %run_scoped3A_388 = tpu.sem_alloc : memref<!tpu.dma_semaphore, #tpu.memory_space<semaphore_mem>>
        %dma_start3A_389 = arith.constant 0 : i32
        %dma_start3A_390 = tpu.memref_slice %arg8[%run_scoped3A, %dma_start3A_389] : memref<8x128xi32, #tpu.memory_space<vmem>> -> memref<1x128xi32, #tpu.memory_space<vmem>>
        %dma_start3A_391 = tpu.memref_squeeze %dma_start3A_390 : memref<1x128xi32, #tpu.memory_space<vmem>> -> memref<128xi32, #tpu.memory_space<vmem>>
        %dma_start3A_392 = arith.constant 0 : i32
        %dma_start3A_393 = arith.constant 0 : i32
        %dma_start3A_394 = tpu.memref_slice %arg11[%dma_start3A_392, %dma_start3A_393] : memref<10240x128xf32, #tpu.memory_space<vmem_shared>> -> memref<10240x128xf32, #tpu.memory_space<vmem_shared>>
        tpu.enqueue_indirect_dma source(%arg9 : memref<128x128xf32, #tpu.memory_space<vmem>>) target(%dma_start3A_394 : memref<10240x128xf32, #tpu.memory_space<vmem_shared>>) offsets(%dma_start3A_391 : memref<128xi32, #tpu.memory_space<vmem>>) semaphore(%run_scoped3A_388 : memref<!tpu.dma_semaphore, #tpu.memory_space<semaphore_mem>>) {add = true}
        %dma_wait3A_395 = arith.constant 0 : i32
        %dma_wait3A_396 = tpu.memref_slice %arg8[%run_scoped3A, %dma_wait3A_395] : memref<8x128xi32, #tpu.memory_space<vmem>> -> memref<1x128xi32, #tpu.memory_space<vmem>>
        %dma_wait3A_397 = tpu.memref_squeeze %dma_wait3A_396 : memref<1x128xi32, #tpu.memory_space<vmem>> -> memref<128xi32, #tpu.memory_space<vmem>>
        %dma_wait3A_398 = arith.constant 0 : i32
        %dma_wait3A_399 = arith.constant 0 : i32
        %dma_wait3A_400 = tpu.memref_slice %arg11[%dma_wait3A_398, %dma_wait3A_399] : memref<10240x128xf32, #tpu.memory_space<vmem_shared>> -> memref<10240x128xf32, #tpu.memory_space<vmem_shared>>
        tpu.wait_indirect_dma semaphore(%run_scoped3A_388 : memref<!tpu.dma_semaphore, #tpu.memory_space<semaphore_mem>>) src(%arg9 : memref<128x128xf32, #tpu.memory_space<vmem>>) dst(%dma_wait3A_400 : memref<10240x128xf32, #tpu.memory_space<vmem_shared>>)
        tpu.yield
      }) : () -> ()
      %dma_start3A_93 = arith.constant 2 : i32
      %dma_start3A_94 = arith.constant 0 : i32
      %dma_start3A_95 = arith.constant 0 : i32
      %dma_start3A_96 = tpu.memref_slice %arg9[%dma_start3A_94, %dma_start3A_95] : memref<128x128xf32, #tpu.memory_space<vmem>> -> memref<64x128xf32, #tpu.memory_space<vmem>>
      %dma_start3A_97 = arith.constant 0 : i32
      %dma_start3A_98 = tpu.memref_slice %arg7[%dma_start3A_93, %dma_start3A_97] : memref<8x128xi32, #tpu.memory_space<vmem>> -> memref<1x64xi32, #tpu.memory_space<vmem>>
      %dma_start3A_99 = tpu.memref_squeeze %dma_start3A_98 : memref<1x64xi32, #tpu.memory_space<vmem>> -> memref<64xi32, #tpu.memory_space<vmem>>
      %dma_start3A_100 = arith.constant 0 : i32
      %dma_start3A_101 = arith.constant 0 : i32
      %dma_start3A_102 = tpu.memref_slice %arg2[%dma_start3A_100, %dma_start3A_101] : memref<10000x128xf32, #tpu.memory_space<hbm>> -> memref<10000x128xf32, #tpu.memory_space<hbm>>
      tpu.enqueue_indirect_dma source(%dma_start3A_102 : memref<10000x128xf32, #tpu.memory_space<hbm>>) target(%dma_start3A_96 : memref<64x128xf32, #tpu.memory_space<vmem>>) offsets(%dma_start3A_99 : memref<64xi32, #tpu.memory_space<vmem>>) semaphore(%arg14 : memref<!tpu.dma_semaphore, #tpu.memory_space<semaphore_mem>>)
      %dma_start3A_103 = arith.constant 2 : i32
      %dma_start3A_104 = arith.constant 64 : i32
      %dma_start3A_105 = arith.constant 0 : i32
      %dma_start3A_106 = tpu.memref_slice %arg9[%dma_start3A_104, %dma_start3A_105] : memref<128x128xf32, #tpu.memory_space<vmem>> -> memref<64x128xf32, #tpu.memory_space<vmem>>
      %dma_start3A_107 = arith.constant 64 : i32
      %dma_start3A_108 = tpu.memref_slice %arg7[%dma_start3A_103, %dma_start3A_107] : memref<8x128xi32, #tpu.memory_space<vmem>> -> memref<1x64xi32, #tpu.memory_space<vmem>>
      %dma_start3A_109 = tpu.memref_squeeze %dma_start3A_108 : memref<1x64xi32, #tpu.memory_space<vmem>> -> memref<64xi32, #tpu.memory_space<vmem>>
      %dma_start3A_110 = arith.constant 0 : i32
      %dma_start3A_111 = arith.constant 0 : i32
      %dma_start3A_112 = tpu.memref_slice %arg2[%dma_start3A_110, %dma_start3A_111] : memref<10000x128xf32, #tpu.memory_space<hbm>> -> memref<10000x128xf32, #tpu.memory_space<hbm>>
      tpu.enqueue_indirect_dma source(%dma_start3A_112 : memref<10000x128xf32, #tpu.memory_space<hbm>>) target(%dma_start3A_106 : memref<64x128xf32, #tpu.memory_space<vmem>>) offsets(%dma_start3A_109 : memref<64xi32, #tpu.memory_space<vmem>>) semaphore(%arg15 : memref<!tpu.dma_semaphore, #tpu.memory_space<semaphore_mem>>)
      %dma_wait3A_113 = arith.constant 0 : i32
      %dma_wait3A_114 = arith.constant 0 : i32
      %dma_wait3A_115 = tpu.memref_slice %arg10[%dma_wait3A_113, %dma_wait3A_114] : memref<128x128xf32, #tpu.memory_space<vmem>> -> memref<64x128xf32, #tpu.memory_space<vmem>>
      %dma_wait3A_116 = arith.constant 0 : i32
      %dma_wait3A_117 = arith.constant 0 : i32
      %dma_wait3A_118 = tpu.memref_slice %arg2[%dma_wait3A_116, %dma_wait3A_117] : memref<10000x128xf32, #tpu.memory_space<hbm>> -> memref<64x128xf32, #tpu.memory_space<hbm>>
      %dma_wait3A_119 = arith.constant 0 : i32
      %dma_wait3A_120 = arith.constant 0 : i32
      %dma_wait3A_121 = tpu.memref_slice %arg10[%dma_wait3A_119, %dma_wait3A_120] : memref<128x128xf32, #tpu.memory_space<vmem>> -> memref<64x128xf32, #tpu.memory_space<vmem>>
      %dma_wait3A_122 = arith.constant 0 : i32
      %dma_wait3A_123 = arith.constant 0 : i32
      %dma_wait3A_124 = tpu.memref_slice %arg2[%dma_wait3A_122, %dma_wait3A_123] : memref<10000x128xf32, #tpu.memory_space<hbm>> -> memref<64x128xf32, #tpu.memory_space<hbm>>
      tpu.wait_dma2 semaphore(%arg16 : memref<!tpu.dma_semaphore, #tpu.memory_space<semaphore_mem>>) src(%dma_wait3A_124 : memref<64x128xf32, #tpu.memory_space<hbm>>) dst(%dma_wait3A_121 : memref<64x128xf32, #tpu.memory_space<vmem>>)
      %dma_wait3A_125 = arith.constant 64 : i32
      %dma_wait3A_126 = arith.constant 0 : i32
      %dma_wait3A_127 = tpu.memref_slice %arg10[%dma_wait3A_125, %dma_wait3A_126] : memref<128x128xf32, #tpu.memory_space<vmem>> -> memref<64x128xf32, #tpu.memory_space<vmem>>
      %dma_wait3A_128 = arith.constant 0 : i32
      %dma_wait3A_129 = arith.constant 0 : i32
      %dma_wait3A_130 = tpu.memref_slice %arg2[%dma_wait3A_128, %dma_wait3A_129] : memref<10000x128xf32, #tpu.memory_space<hbm>> -> memref<64x128xf32, #tpu.memory_space<hbm>>
      %dma_wait3A_131 = arith.constant 64 : i32
      %dma_wait3A_132 = arith.constant 0 : i32
      %dma_wait3A_133 = tpu.memref_slice %arg10[%dma_wait3A_131, %dma_wait3A_132] : memref<128x128xf32, #tpu.memory_space<vmem>> -> memref<64x128xf32, #tpu.memory_space<vmem>>
      %dma_wait3A_134 = arith.constant 0 : i32
      %dma_wait3A_135 = arith.constant 0 : i32
      %dma_wait3A_136 = tpu.memref_slice %arg2[%dma_wait3A_134, %dma_wait3A_135] : memref<10000x128xf32, #tpu.memory_space<hbm>> -> memref<64x128xf32, #tpu.memory_space<hbm>>
      tpu.wait_dma2 semaphore(%arg17 : memref<!tpu.dma_semaphore, #tpu.memory_space<semaphore_mem>>) src(%dma_wait3A_136 : memref<64x128xf32, #tpu.memory_space<hbm>>) dst(%dma_wait3A_133 : memref<64x128xf32, #tpu.memory_space<vmem>>)
      %run_scoped3A_137 = arith.constant 1 : i32
      "tpu.region"() ({
        %run_scoped3A_388 = tpu.sem_alloc : memref<!tpu.dma_semaphore, #tpu.memory_space<semaphore_mem>>
        %dma_start3A_389 = arith.constant 0 : i32
        %dma_start3A_390 = tpu.memref_slice %arg8[%run_scoped3A_137, %dma_start3A_389] : memref<8x128xi32, #tpu.memory_space<vmem>> -> memref<1x128xi32, #tpu.memory_space<vmem>>
        %dma_start3A_391 = tpu.memref_squeeze %dma_start3A_390 : memref<1x128xi32, #tpu.memory_space<vmem>> -> memref<128xi32, #tpu.memory_space<vmem>>
        %dma_start3A_392 = arith.constant 0 : i32
        %dma_start3A_393 = arith.constant 0 : i32
        %dma_start3A_394 = tpu.memref_slice %arg11[%dma_start3A_392, %dma_start3A_393] : memref<10240x128xf32, #tpu.memory_space<vmem_shared>> -> memref<10240x128xf32, #tpu.memory_space<vmem_shared>>
        tpu.enqueue_indirect_dma source(%arg10 : memref<128x128xf32, #tpu.memory_space<vmem>>) target(%dma_start3A_394 : memref<10240x128xf32, #tpu.memory_space<vmem_shared>>) offsets(%dma_start3A_391 : memref<128xi32, #tpu.memory_space<vmem>>) semaphore(%run_scoped3A_388 : memref<!tpu.dma_semaphore, #tpu.memory_space<semaphore_mem>>) {add = true}
        %dma_wait3A_395 = arith.constant 0 : i32
        %dma_wait3A_396 = tpu.memref_slice %arg8[%run_scoped3A_137, %dma_wait3A_395] : memref<8x128xi32, #tpu.memory_space<vmem>> -> memref<1x128xi32, #tpu.memory_space<vmem>>
        %dma_wait3A_397 = tpu.memref_squeeze %dma_wait3A_396 : memref<1x128xi32, #tpu.memory_space<vmem>> -> memref<128xi32, #tpu.memory_space<vmem>>
        %dma_wait3A_398 = arith.constant 0 : i32
        %dma_wait3A_399 = arith.constant 0 : i32
        %dma_wait3A_400 = tpu.memref_slice %arg11[%dma_wait3A_398, %dma_wait3A_399] : memref<10240x128xf32, #tpu.memory_space<vmem_shared>> -> memref<10240x128xf32, #tpu.memory_space<vmem_shared>>
        tpu.wait_indirect_dma semaphore(%run_scoped3A_388 : memref<!tpu.dma_semaphore, #tpu.memory_space<semaphore_mem>>) src(%arg10 : memref<128x128xf32, #tpu.memory_space<vmem>>) dst(%dma_wait3A_400 : memref<10240x128xf32, #tpu.memory_space<vmem_shared>>)
        tpu.yield
      }) : () -> ()
      %dma_start3A_138 = arith.constant 3 : i32
      %dma_start3A_139 = arith.constant 0 : i32
      %dma_start3A_140 = arith.constant 0 : i32
      %dma_start3A_141 = tpu.memref_slice %arg10[%dma_start3A_139, %dma_start3A_140] : memref<128x128xf32, #tpu.memory_space<vmem>> -> memref<64x128xf32, #tpu.memory_space<vmem>>
      %dma_start3A_142 = arith.constant 0 : i32
      %dma_start3A_143 = tpu.memref_slice %arg7[%dma_start3A_138, %dma_start3A_142] : memref<8x128xi32, #tpu.memory_space<vmem>> -> memref<1x64xi32, #tpu.memory_space<vmem>>
      %dma_start3A_144 = tpu.memref_squeeze %dma_start3A_143 : memref<1x64xi32, #tpu.memory_space<vmem>> -> memref<64xi32, #tpu.memory_space<vmem>>
      %dma_start3A_145 = arith.constant 0 : i32
      %dma_start3A_146 = arith.constant 0 : i32
      %dma_start3A_147 = tpu.memref_slice %arg2[%dma_start3A_145, %dma_start3A_146] : memref<10000x128xf32, #tpu.memory_space<hbm>> -> memref<10000x128xf32, #tpu.memory_space<hbm>>
      tpu.enqueue_indirect_dma source(%dma_start3A_147 : memref<10000x128xf32, #tpu.memory_space<hbm>>) target(%dma_start3A_141 : memref<64x128xf32, #tpu.memory_space<vmem>>) offsets(%dma_start3A_144 : memref<64xi32, #tpu.memory_space<vmem>>) semaphore(%arg16 : memref<!tpu.dma_semaphore, #tpu.memory_space<semaphore_mem>>)
      %dma_start3A_148 = arith.constant 3 : i32
      %dma_start3A_149 = arith.constant 64 : i32
      %dma_start3A_150 = arith.constant 0 : i32
      %dma_start3A_151 = tpu.memref_slice %arg10[%dma_start3A_149, %dma_start3A_150] : memref<128x128xf32, #tpu.memory_space<vmem>> -> memref<64x128xf32, #tpu.memory_space<vmem>>
      %dma_start3A_152 = arith.constant 64 : i32
      %dma_start3A_153 = tpu.memref_slice %arg7[%dma_start3A_148, %dma_start3A_152] : memref<8x128xi32, #tpu.memory_space<vmem>> -> memref<1x64xi32, #tpu.memory_space<vmem>>
      %dma_start3A_154 = tpu.memref_squeeze %dma_start3A_153 : memref<1x64xi32, #tpu.memory_space<vmem>> -> memref<64xi32, #tpu.memory_space<vmem>>
      %dma_start3A_155 = arith.constant 0 : i32
      %dma_start3A_156 = arith.constant 0 : i32
      %dma_start3A_157 = tpu.memref_slice %arg2[%dma_start3A_155, %dma_start3A_156] : memref<10000x128xf32, #tpu.memory_space<hbm>> -> memref<10000x128xf32, #tpu.memory_space<hbm>>
      tpu.enqueue_indirect_dma source(%dma_start3A_157 : memref<10000x128xf32, #tpu.memory_space<hbm>>) target(%dma_start3A_151 : memref<64x128xf32, #tpu.memory_space<vmem>>) offsets(%dma_start3A_154 : memref<64xi32, #tpu.memory_space<vmem>>) semaphore(%arg17 : memref<!tpu.dma_semaphore, #tpu.memory_space<semaphore_mem>>)
      %dma_wait3A_158 = arith.constant 0 : i32
      %dma_wait3A_159 = arith.constant 0 : i32
      %dma_wait3A_160 = tpu.memref_slice %arg9[%dma_wait3A_158, %dma_wait3A_159] : memref<128x128xf32, #tpu.memory_space<vmem>> -> memref<64x128xf32, #tpu.memory_space<vmem>>
      %dma_wait3A_161 = arith.constant 0 : i32
      %dma_wait3A_162 = arith.constant 0 : i32
      %dma_wait3A_163 = tpu.memref_slice %arg2[%dma_wait3A_161, %dma_wait3A_162] : memref<10000x128xf32, #tpu.memory_space<hbm>> -> memref<64x128xf32, #tpu.memory_space<hbm>>
      %dma_wait3A_164 = arith.constant 0 : i32
      %dma_wait3A_165 = arith.constant 0 : i32
      %dma_wait3A_166 = tpu.memref_slice %arg9[%dma_wait3A_164, %dma_wait3A_165] : memref<128x128xf32, #tpu.memory_space<vmem>> -> memref<64x128xf32, #tpu.memory_space<vmem>>
      %dma_wait3A_167 = arith.constant 0 : i32
      %dma_wait3A_168 = arith.constant 0 : i32
      %dma_wait3A_169 = tpu.memref_slice %arg2[%dma_wait3A_167, %dma_wait3A_168] : memref<10000x128xf32, #tpu.memory_space<hbm>> -> memref<64x128xf32, #tpu.memory_space<hbm>>
      tpu.wait_dma2 semaphore(%arg14 : memref<!tpu.dma_semaphore, #tpu.memory_space<semaphore_mem>>) src(%dma_wait3A_169 : memref<64x128xf32, #tpu.memory_space<hbm>>) dst(%dma_wait3A_166 : memref<64x128xf32, #tpu.memory_space<vmem>>)
      %dma_wait3A_170 = arith.constant 64 : i32
      %dma_wait3A_171 = arith.constant 0 : i32
      %dma_wait3A_172 = tpu.memref_slice %arg9[%dma_wait3A_170, %dma_wait3A_171] : memref<128x128xf32, #tpu.memory_space<vmem>> -> memref<64x128xf32, #tpu.memory_space<vmem>>
      %dma_wait3A_173 = arith.constant 0 : i32
      %dma_wait3A_174 = arith.constant 0 : i32
      %dma_wait3A_175 = tpu.memref_slice %arg2[%dma_wait3A_173, %dma_wait3A_174] : memref<10000x128xf32, #tpu.memory_space<hbm>> -> memref<64x128xf32, #tpu.memory_space<hbm>>
      %dma_wait3A_176 = arith.constant 64 : i32
      %dma_wait3A_177 = arith.constant 0 : i32
      %dma_wait3A_178 = tpu.memref_slice %arg9[%dma_wait3A_176, %dma_wait3A_177] : memref<128x128xf32, #tpu.memory_space<vmem>> -> memref<64x128xf32, #tpu.memory_space<vmem>>
      %dma_wait3A_179 = arith.constant 0 : i32
      %dma_wait3A_180 = arith.constant 0 : i32
      %dma_wait3A_181 = tpu.memref_slice %arg2[%dma_wait3A_179, %dma_wait3A_180] : memref<10000x128xf32, #tpu.memory_space<hbm>> -> memref<64x128xf32, #tpu.memory_space<hbm>>
      tpu.wait_dma2 semaphore(%arg15 : memref<!tpu.dma_semaphore, #tpu.memory_space<semaphore_mem>>) src(%dma_wait3A_181 : memref<64x128xf32, #tpu.memory_space<hbm>>) dst(%dma_wait3A_178 : memref<64x128xf32, #tpu.memory_space<vmem>>)
      %run_scoped3A_182 = arith.constant 2 : i32
      "tpu.region"() ({
        %run_scoped3A_388 = tpu.sem_alloc : memref<!tpu.dma_semaphore, #tpu.memory_space<semaphore_mem>>
        %dma_start3A_389 = arith.constant 0 : i32
        %dma_start3A_390 = tpu.memref_slice %arg8[%run_scoped3A_182, %dma_start3A_389] : memref<8x128xi32, #tpu.memory_space<vmem>> -> memref<1x128xi32, #tpu.memory_space<vmem>>
        %dma_start3A_391 = tpu.memref_squeeze %dma_start3A_390 : memref<1x128xi32, #tpu.memory_space<vmem>> -> memref<128xi32, #tpu.memory_space<vmem>>
        %dma_start3A_392 = arith.constant 0 : i32
        %dma_start3A_393 = arith.constant 0 : i32
        %dma_start3A_394 = tpu.memref_slice %arg11[%dma_start3A_392, %dma_start3A_393] : memref<10240x128xf32, #tpu.memory_space<vmem_shared>> -> memref<10240x128xf32, #tpu.memory_space<vmem_shared>>
        tpu.enqueue_indirect_dma source(%arg9 : memref<128x128xf32, #tpu.memory_space<vmem>>) target(%dma_start3A_394 : memref<10240x128xf32, #tpu.memory_space<vmem_shared>>) offsets(%dma_start3A_391 : memref<128xi32, #tpu.memory_space<vmem>>) semaphore(%run_scoped3A_388 : memref<!tpu.dma_semaphore, #tpu.memory_space<semaphore_mem>>) {add = true}
        %dma_wait3A_395 = arith.constant 0 : i32
        %dma_wait3A_396 = tpu.memref_slice %arg8[%run_scoped3A_182, %dma_wait3A_395] : memref<8x128xi32, #tpu.memory_space<vmem>> -> memref<1x128xi32, #tpu.memory_space<vmem>>
        %dma_wait3A_397 = tpu.memref_squeeze %dma_wait3A_396 : memref<1x128xi32, #tpu.memory_space<vmem>> -> memref<128xi32, #tpu.memory_space<vmem>>
        %dma_wait3A_398 = arith.constant 0 : i32
        %dma_wait3A_399 = arith.constant 0 : i32
        %dma_wait3A_400 = tpu.memref_slice %arg11[%dma_wait3A_398, %dma_wait3A_399] : memref<10240x128xf32, #tpu.memory_space<vmem_shared>> -> memref<10240x128xf32, #tpu.memory_space<vmem_shared>>
        tpu.wait_indirect_dma semaphore(%run_scoped3A_388 : memref<!tpu.dma_semaphore, #tpu.memory_space<semaphore_mem>>) src(%arg9 : memref<128x128xf32, #tpu.memory_space<vmem>>) dst(%dma_wait3A_400 : memref<10240x128xf32, #tpu.memory_space<vmem_shared>>)
        tpu.yield
      }) : () -> ()
      %dma_start3A_183 = arith.constant 4 : i32
      %dma_start3A_184 = arith.constant 0 : i32
      %dma_start3A_185 = arith.constant 0 : i32
      %dma_start3A_186 = tpu.memref_slice %arg9[%dma_start3A_184, %dma_start3A_185] : memref<128x128xf32, #tpu.memory_space<vmem>> -> memref<64x128xf32, #tpu.memory_space<vmem>>
      %dma_start3A_187 = arith.constant 0 : i32
      %dma_start3A_188 = tpu.memref_slice %arg7[%dma_start3A_183, %dma_start3A_187] : memref<8x128xi32, #tpu.memory_space<vmem>> -> memref<1x64xi32, #tpu.memory_space<vmem>>
      %dma_start3A_189 = tpu.memref_squeeze %dma_start3A_188 : memref<1x64xi32, #tpu.memory_space<vmem>> -> memref<64xi32, #tpu.memory_space<vmem>>
      %dma_start3A_190 = arith.constant 0 : i32
      %dma_start3A_191 = arith.constant 0 : i32
      %dma_start3A_192 = tpu.memref_slice %arg2[%dma_start3A_190, %dma_start3A_191] : memref<10000x128xf32, #tpu.memory_space<hbm>> -> memref<10000x128xf32, #tpu.memory_space<hbm>>
      tpu.enqueue_indirect_dma source(%dma_start3A_192 : memref<10000x128xf32, #tpu.memory_space<hbm>>) target(%dma_start3A_186 : memref<64x128xf32, #tpu.memory_space<vmem>>) offsets(%dma_start3A_189 : memref<64xi32, #tpu.memory_space<vmem>>) semaphore(%arg14 : memref<!tpu.dma_semaphore, #tpu.memory_space<semaphore_mem>>)
      %dma_start3A_193 = arith.constant 4 : i32
      %dma_start3A_194 = arith.constant 64 : i32
      %dma_start3A_195 = arith.constant 0 : i32
      %dma_start3A_196 = tpu.memref_slice %arg9[%dma_start3A_194, %dma_start3A_195] : memref<128x128xf32, #tpu.memory_space<vmem>> -> memref<64x128xf32, #tpu.memory_space<vmem>>
      %dma_start3A_197 = arith.constant 64 : i32
      %dma_start3A_198 = tpu.memref_slice %arg7[%dma_start3A_193, %dma_start3A_197] : memref<8x128xi32, #tpu.memory_space<vmem>> -> memref<1x64xi32, #tpu.memory_space<vmem>>
      %dma_start3A_199 = tpu.memref_squeeze %dma_start3A_198 : memref<1x64xi32, #tpu.memory_space<vmem>> -> memref<64xi32, #tpu.memory_space<vmem>>
      %dma_start3A_200 = arith.constant 0 : i32
      %dma_start3A_201 = arith.constant 0 : i32
      %dma_start3A_202 = tpu.memref_slice %arg2[%dma_start3A_200, %dma_start3A_201] : memref<10000x128xf32, #tpu.memory_space<hbm>> -> memref<10000x128xf32, #tpu.memory_space<hbm>>
      tpu.enqueue_indirect_dma source(%dma_start3A_202 : memref<10000x128xf32, #tpu.memory_space<hbm>>) target(%dma_start3A_196 : memref<64x128xf32, #tpu.memory_space<vmem>>) offsets(%dma_start3A_199 : memref<64xi32, #tpu.memory_space<vmem>>) semaphore(%arg15 : memref<!tpu.dma_semaphore, #tpu.memory_space<semaphore_mem>>)
      %dma_wait3A_203 = arith.constant 0 : i32
      %dma_wait3A_204 = arith.constant 0 : i32
      %dma_wait3A_205 = tpu.memref_slice %arg10[%dma_wait3A_203, %dma_wait3A_204] : memref<128x128xf32, #tpu.memory_space<vmem>> -> memref<64x128xf32, #tpu.memory_space<vmem>>
      %dma_wait3A_206 = arith.constant 0 : i32
      %dma_wait3A_207 = arith.constant 0 : i32
      %dma_wait3A_208 = tpu.memref_slice %arg2[%dma_wait3A_206, %dma_wait3A_207] : memref<10000x128xf32, #tpu.memory_space<hbm>> -> memref<64x128xf32, #tpu.memory_space<hbm>>
      %dma_wait3A_209 = arith.constant 0 : i32
      %dma_wait3A_210 = arith.constant 0 : i32
      %dma_wait3A_211 = tpu.memref_slice %arg10[%dma_wait3A_209, %dma_wait3A_210] : memref<128x128xf32, #tpu.memory_space<vmem>> -> memref<64x128xf32, #tpu.memory_space<vmem>>
      %dma_wait3A_212 = arith.constant 0 : i32
      %dma_wait3A_213 = arith.constant 0 : i32
      %dma_wait3A_214 = tpu.memref_slice %arg2[%dma_wait3A_212, %dma_wait3A_213] : memref<10000x128xf32, #tpu.memory_space<hbm>> -> memref<64x128xf32, #tpu.memory_space<hbm>>
      tpu.wait_dma2 semaphore(%arg16 : memref<!tpu.dma_semaphore, #tpu.memory_space<semaphore_mem>>) src(%dma_wait3A_214 : memref<64x128xf32, #tpu.memory_space<hbm>>) dst(%dma_wait3A_211 : memref<64x128xf32, #tpu.memory_space<vmem>>)
      %dma_wait3A_215 = arith.constant 64 : i32
      %dma_wait3A_216 = arith.constant 0 : i32
      %dma_wait3A_217 = tpu.memref_slice %arg10[%dma_wait3A_215, %dma_wait3A_216] : memref<128x128xf32, #tpu.memory_space<vmem>> -> memref<64x128xf32, #tpu.memory_space<vmem>>
      %dma_wait3A_218 = arith.constant 0 : i32
      %dma_wait3A_219 = arith.constant 0 : i32
      %dma_wait3A_220 = tpu.memref_slice %arg2[%dma_wait3A_218, %dma_wait3A_219] : memref<10000x128xf32, #tpu.memory_space<hbm>> -> memref<64x128xf32, #tpu.memory_space<hbm>>
      %dma_wait3A_221 = arith.constant 64 : i32
      %dma_wait3A_222 = arith.constant 0 : i32
      %dma_wait3A_223 = tpu.memref_slice %arg10[%dma_wait3A_221, %dma_wait3A_222] : memref<128x128xf32, #tpu.memory_space<vmem>> -> memref<64x128xf32, #tpu.memory_space<vmem>>
      %dma_wait3A_224 = arith.constant 0 : i32
      %dma_wait3A_225 = arith.constant 0 : i32
      %dma_wait3A_226 = tpu.memref_slice %arg2[%dma_wait3A_224, %dma_wait3A_225] : memref<10000x128xf32, #tpu.memory_space<hbm>> -> memref<64x128xf32, #tpu.memory_space<hbm>>
      tpu.wait_dma2 semaphore(%arg17 : memref<!tpu.dma_semaphore, #tpu.memory_space<semaphore_mem>>) src(%dma_wait3A_226 : memref<64x128xf32, #tpu.memory_space<hbm>>) dst(%dma_wait3A_223 : memref<64x128xf32, #tpu.memory_space<vmem>>)
      %run_scoped3A_227 = arith.constant 3 : i32
      "tpu.region"() ({
        %run_scoped3A_388 = tpu.sem_alloc : memref<!tpu.dma_semaphore, #tpu.memory_space<semaphore_mem>>
        %dma_start3A_389 = arith.constant 0 : i32
        %dma_start3A_390 = tpu.memref_slice %arg8[%run_scoped3A_227, %dma_start3A_389] : memref<8x128xi32, #tpu.memory_space<vmem>> -> memref<1x128xi32, #tpu.memory_space<vmem>>
        %dma_start3A_391 = tpu.memref_squeeze %dma_start3A_390 : memref<1x128xi32, #tpu.memory_space<vmem>> -> memref<128xi32, #tpu.memory_space<vmem>>
        %dma_start3A_392 = arith.constant 0 : i32
        %dma_start3A_393 = arith.constant 0 : i32
        %dma_start3A_394 = tpu.memref_slice %arg11[%dma_start3A_392, %dma_start3A_393] : memref<10240x128xf32, #tpu.memory_space<vmem_shared>> -> memref<10240x128xf32, #tpu.memory_space<vmem_shared>>
        tpu.enqueue_indirect_dma source(%arg10 : memref<128x128xf32, #tpu.memory_space<vmem>>) target(%dma_start3A_394 : memref<10240x128xf32, #tpu.memory_space<vmem_shared>>) offsets(%dma_start3A_391 : memref<128xi32, #tpu.memory_space<vmem>>) semaphore(%run_scoped3A_388 : memref<!tpu.dma_semaphore, #tpu.memory_space<semaphore_mem>>) {add = true}
        %dma_wait3A_395 = arith.constant 0 : i32
        %dma_wait3A_396 = tpu.memref_slice %arg8[%run_scoped3A_227, %dma_wait3A_395] : memref<8x128xi32, #tpu.memory_space<vmem>> -> memref<1x128xi32, #tpu.memory_space<vmem>>
        %dma_wait3A_397 = tpu.memref_squeeze %dma_wait3A_396 : memref<1x128xi32, #tpu.memory_space<vmem>> -> memref<128xi32, #tpu.memory_space<vmem>>
        %dma_wait3A_398 = arith.constant 0 : i32
        %dma_wait3A_399 = arith.constant 0 : i32
        %dma_wait3A_400 = tpu.memref_slice %arg11[%dma_wait3A_398, %dma_wait3A_399] : memref<10240x128xf32, #tpu.memory_space<vmem_shared>> -> memref<10240x128xf32, #tpu.memory_space<vmem_shared>>
        tpu.wait_indirect_dma semaphore(%run_scoped3A_388 : memref<!tpu.dma_semaphore, #tpu.memory_space<semaphore_mem>>) src(%arg10 : memref<128x128xf32, #tpu.memory_space<vmem>>) dst(%dma_wait3A_400 : memref<10240x128xf32, #tpu.memory_space<vmem_shared>>)
        tpu.yield
      }) : () -> ()
      %dma_start3A_228 = arith.constant 5 : i32
      %dma_start3A_229 = arith.constant 0 : i32
      %dma_start3A_230 = arith.constant 0 : i32
      %dma_start3A_231 = tpu.memref_slice %arg10[%dma_start3A_229, %dma_start3A_230] : memref<128x128xf32, #tpu.memory_space<vmem>> -> memref<64x128xf32, #tpu.memory_space<vmem>>
      %dma_start3A_232 = arith.constant 0 : i32
      %dma_start3A_233 = tpu.memref_slice %arg7[%dma_start3A_228, %dma_start3A_232] : memref<8x128xi32, #tpu.memory_space<vmem>> -> memref<1x64xi32, #tpu.memory_space<vmem>>
      %dma_start3A_234 = tpu.memref_squeeze %dma_start3A_233 : memref<1x64xi32, #tpu.memory_space<vmem>> -> memref<64xi32, #tpu.memory_space<vmem>>
      %dma_start3A_235 = arith.constant 0 : i32
      %dma_start3A_236 = arith.constant 0 : i32
      %dma_start3A_237 = tpu.memref_slice %arg2[%dma_start3A_235, %dma_start3A_236] : memref<10000x128xf32, #tpu.memory_space<hbm>> -> memref<10000x128xf32, #tpu.memory_space<hbm>>
      tpu.enqueue_indirect_dma source(%dma_start3A_237 : memref<10000x128xf32, #tpu.memory_space<hbm>>) target(%dma_start3A_231 : memref<64x128xf32, #tpu.memory_space<vmem>>) offsets(%dma_start3A_234 : memref<64xi32, #tpu.memory_space<vmem>>) semaphore(%arg16 : memref<!tpu.dma_semaphore, #tpu.memory_space<semaphore_mem>>)
      %dma_start3A_238 = arith.constant 5 : i32
      %dma_start3A_239 = arith.constant 64 : i32
      %dma_start3A_240 = arith.constant 0 : i32
      %dma_start3A_241 = tpu.memref_slice %arg10[%dma_start3A_239, %dma_start3A_240] : memref<128x128xf32, #tpu.memory_space<vmem>> -> memref<64x128xf32, #tpu.memory_space<vmem>>
      %dma_start3A_242 = arith.constant 64 : i32
      %dma_start3A_243 = tpu.memref_slice %arg7[%dma_start3A_238, %dma_start3A_242] : memref<8x128xi32, #tpu.memory_space<vmem>> -> memref<1x64xi32, #tpu.memory_space<vmem>>
      %dma_start3A_244 = tpu.memref_squeeze %dma_start3A_243 : memref<1x64xi32, #tpu.memory_space<vmem>> -> memref<64xi32, #tpu.memory_space<vmem>>
      %dma_start3A_245 = arith.constant 0 : i32
      %dma_start3A_246 = arith.constant 0 : i32
      %dma_start3A_247 = tpu.memref_slice %arg2[%dma_start3A_245, %dma_start3A_246] : memref<10000x128xf32, #tpu.memory_space<hbm>> -> memref<10000x128xf32, #tpu.memory_space<hbm>>
      tpu.enqueue_indirect_dma source(%dma_start3A_247 : memref<10000x128xf32, #tpu.memory_space<hbm>>) target(%dma_start3A_241 : memref<64x128xf32, #tpu.memory_space<vmem>>) offsets(%dma_start3A_244 : memref<64xi32, #tpu.memory_space<vmem>>) semaphore(%arg17 : memref<!tpu.dma_semaphore, #tpu.memory_space<semaphore_mem>>)
      %dma_wait3A_248 = arith.constant 0 : i32
      %dma_wait3A_249 = arith.constant 0 : i32
      %dma_wait3A_250 = tpu.memref_slice %arg9[%dma_wait3A_248, %dma_wait3A_249] : memref<128x128xf32, #tpu.memory_space<vmem>> -> memref<64x128xf32, #tpu.memory_space<vmem>>
      %dma_wait3A_251 = arith.constant 0 : i32
      %dma_wait3A_252 = arith.constant 0 : i32
      %dma_wait3A_253 = tpu.memref_slice %arg2[%dma_wait3A_251, %dma_wait3A_252] : memref<10000x128xf32, #tpu.memory_space<hbm>> -> memref<64x128xf32, #tpu.memory_space<hbm>>
      %dma_wait3A_254 = arith.constant 0 : i32
      %dma_wait3A_255 = arith.constant 0 : i32
      %dma_wait3A_256 = tpu.memref_slice %arg9[%dma_wait3A_254, %dma_wait3A_255] : memref<128x128xf32, #tpu.memory_space<vmem>> -> memref<64x128xf32, #tpu.memory_space<vmem>>
      %dma_wait3A_257 = arith.constant 0 : i32
      %dma_wait3A_258 = arith.constant 0 : i32
      %dma_wait3A_259 = tpu.memref_slice %arg2[%dma_wait3A_257, %dma_wait3A_258] : memref<10000x128xf32, #tpu.memory_space<hbm>> -> memref<64x128xf32, #tpu.memory_space<hbm>>
      tpu.wait_dma2 semaphore(%arg14 : memref<!tpu.dma_semaphore, #tpu.memory_space<semaphore_mem>>) src(%dma_wait3A_259 : memref<64x128xf32, #tpu.memory_space<hbm>>) dst(%dma_wait3A_256 : memref<64x128xf32, #tpu.memory_space<vmem>>)
      %dma_wait3A_260 = arith.constant 64 : i32
      %dma_wait3A_261 = arith.constant 0 : i32
      %dma_wait3A_262 = tpu.memref_slice %arg9[%dma_wait3A_260, %dma_wait3A_261] : memref<128x128xf32, #tpu.memory_space<vmem>> -> memref<64x128xf32, #tpu.memory_space<vmem>>
      %dma_wait3A_263 = arith.constant 0 : i32
      %dma_wait3A_264 = arith.constant 0 : i32
      %dma_wait3A_265 = tpu.memref_slice %arg2[%dma_wait3A_263, %dma_wait3A_264] : memref<10000x128xf32, #tpu.memory_space<hbm>> -> memref<64x128xf32, #tpu.memory_space<hbm>>
      %dma_wait3A_266 = arith.constant 64 : i32
      %dma_wait3A_267 = arith.constant 0 : i32
      %dma_wait3A_268 = tpu.memref_slice %arg9[%dma_wait3A_266, %dma_wait3A_267] : memref<128x128xf32, #tpu.memory_space<vmem>> -> memref<64x128xf32, #tpu.memory_space<vmem>>
      %dma_wait3A_269 = arith.constant 0 : i32
      %dma_wait3A_270 = arith.constant 0 : i32
      %dma_wait3A_271 = tpu.memref_slice %arg2[%dma_wait3A_269, %dma_wait3A_270] : memref<10000x128xf32, #tpu.memory_space<hbm>> -> memref<64x128xf32, #tpu.memory_space<hbm>>
      tpu.wait_dma2 semaphore(%arg15 : memref<!tpu.dma_semaphore, #tpu.memory_space<semaphore_mem>>) src(%dma_wait3A_271 : memref<64x128xf32, #tpu.memory_space<hbm>>) dst(%dma_wait3A_268 : memref<64x128xf32, #tpu.memory_space<vmem>>)
      %run_scoped3A_272 = arith.constant 4 : i32
      "tpu.region"() ({
        %run_scoped3A_388 = tpu.sem_alloc : memref<!tpu.dma_semaphore, #tpu.memory_space<semaphore_mem>>
        %dma_start3A_389 = arith.constant 0 : i32
        %dma_start3A_390 = tpu.memref_slice %arg8[%run_scoped3A_272, %dma_start3A_389] : memref<8x128xi32, #tpu.memory_space<vmem>> -> memref<1x128xi32, #tpu.memory_space<vmem>>
        %dma_start3A_391 = tpu.memref_squeeze %dma_start3A_390 : memref<1x128xi32, #tpu.memory_space<vmem>> -> memref<128xi32, #tpu.memory_space<vmem>>
        %dma_start3A_392 = arith.constant 0 : i32
        %dma_start3A_393 = arith.constant 0 : i32
        %dma_start3A_394 = tpu.memref_slice %arg11[%dma_start3A_392, %dma_start3A_393] : memref<10240x128xf32, #tpu.memory_space<vmem_shared>> -> memref<10240x128xf32, #tpu.memory_space<vmem_shared>>
        tpu.enqueue_indirect_dma source(%arg9 : memref<128x128xf32, #tpu.memory_space<vmem>>) target(%dma_start3A_394 : memref<10240x128xf32, #tpu.memory_space<vmem_shared>>) offsets(%dma_start3A_391 : memref<128xi32, #tpu.memory_space<vmem>>) semaphore(%run_scoped3A_388 : memref<!tpu.dma_semaphore, #tpu.memory_space<semaphore_mem>>) {add = true}
        %dma_wait3A_395 = arith.constant 0 : i32
        %dma_wait3A_396 = tpu.memref_slice %arg8[%run_scoped3A_272, %dma_wait3A_395] : memref<8x128xi32, #tpu.memory_space<vmem>> -> memref<1x128xi32, #tpu.memory_space<vmem>>
        %dma_wait3A_397 = tpu.memref_squeeze %dma_wait3A_396 : memref<1x128xi32, #tpu.memory_space<vmem>> -> memref<128xi32, #tpu.memory_space<vmem>>
        %dma_wait3A_398 = arith.constant 0 : i32
        %dma_wait3A_399 = arith.constant 0 : i32
        %dma_wait3A_400 = tpu.memref_slice %arg11[%dma_wait3A_398, %dma_wait3A_399] : memref<10240x128xf32, #tpu.memory_space<vmem_shared>> -> memref<10240x128xf32, #tpu.memory_space<vmem_shared>>
        tpu.wait_indirect_dma semaphore(%run_scoped3A_388 : memref<!tpu.dma_semaphore, #tpu.memory_space<semaphore_mem>>) src(%arg9 : memref<128x128xf32, #tpu.memory_space<vmem>>) dst(%dma_wait3A_400 : memref<10240x128xf32, #tpu.memory_space<vmem_shared>>)
        tpu.yield
      }) : () -> ()
      %dma_start3A_273 = arith.constant 6 : i32
      %dma_start3A_274 = arith.constant 0 : i32
      %dma_start3A_275 = arith.constant 0 : i32
      %dma_start3A_276 = tpu.memref_slice %arg9[%dma_start3A_274, %dma_start3A_275] : memref<128x128xf32, #tpu.memory_space<vmem>> -> memref<64x128xf32, #tpu.memory_space<vmem>>
      %dma_start3A_277 = arith.constant 0 : i32
      %dma_start3A_278 = tpu.memref_slice %arg7[%dma_start3A_273, %dma_start3A_277] : memref<8x128xi32, #tpu.memory_space<vmem>> -> memref<1x64xi32, #tpu.memory_space<vmem>>
      %dma_start3A_279 = tpu.memref_squeeze %dma_start3A_278 : memref<1x64xi32, #tpu.memory_space<vmem>> -> memref<64xi32, #tpu.memory_space<vmem>>
      %dma_start3A_280 = arith.constant 0 : i32
      %dma_start3A_281 = arith.constant 0 : i32
      %dma_start3A_282 = tpu.memref_slice %arg2[%dma_start3A_280, %dma_start3A_281] : memref<10000x128xf32, #tpu.memory_space<hbm>> -> memref<10000x128xf32, #tpu.memory_space<hbm>>
      tpu.enqueue_indirect_dma source(%dma_start3A_282 : memref<10000x128xf32, #tpu.memory_space<hbm>>) target(%dma_start3A_276 : memref<64x128xf32, #tpu.memory_space<vmem>>) offsets(%dma_start3A_279 : memref<64xi32, #tpu.memory_space<vmem>>) semaphore(%arg14 : memref<!tpu.dma_semaphore, #tpu.memory_space<semaphore_mem>>)
      %dma_start3A_283 = arith.constant 6 : i32
      %dma_start3A_284 = arith.constant 64 : i32
      %dma_start3A_285 = arith.constant 0 : i32
      %dma_start3A_286 = tpu.memref_slice %arg9[%dma_start3A_284, %dma_start3A_285] : memref<128x128xf32, #tpu.memory_space<vmem>> -> memref<64x128xf32, #tpu.memory_space<vmem>>
      %dma_start3A_287 = arith.constant 64 : i32
      %dma_start3A_288 = tpu.memref_slice %arg7[%dma_start3A_283, %dma_start3A_287] : memref<8x128xi32, #tpu.memory_space<vmem>> -> memref<1x64xi32, #tpu.memory_space<vmem>>
      %dma_start3A_289 = tpu.memref_squeeze %dma_start3A_288 : memref<1x64xi32, #tpu.memory_space<vmem>> -> memref<64xi32, #tpu.memory_space<vmem>>
      %dma_start3A_290 = arith.constant 0 : i32
      %dma_start3A_291 = arith.constant 0 : i32
      %dma_start3A_292 = tpu.memref_slice %arg2[%dma_start3A_290, %dma_start3A_291] : memref<10000x128xf32, #tpu.memory_space<hbm>> -> memref<10000x128xf32, #tpu.memory_space<hbm>>
      tpu.enqueue_indirect_dma source(%dma_start3A_292 : memref<10000x128xf32, #tpu.memory_space<hbm>>) target(%dma_start3A_286 : memref<64x128xf32, #tpu.memory_space<vmem>>) offsets(%dma_start3A_289 : memref<64xi32, #tpu.memory_space<vmem>>) semaphore(%arg15 : memref<!tpu.dma_semaphore, #tpu.memory_space<semaphore_mem>>)
      %dma_wait3A_293 = arith.constant 0 : i32
      %dma_wait3A_294 = arith.constant 0 : i32
      %dma_wait3A_295 = tpu.memref_slice %arg10[%dma_wait3A_293, %dma_wait3A_294] : memref<128x128xf32, #tpu.memory_space<vmem>> -> memref<64x128xf32, #tpu.memory_space<vmem>>
      %dma_wait3A_296 = arith.constant 0 : i32
      %dma_wait3A_297 = arith.constant 0 : i32
      %dma_wait3A_298 = tpu.memref_slice %arg2[%dma_wait3A_296, %dma_wait3A_297] : memref<10000x128xf32, #tpu.memory_space<hbm>> -> memref<64x128xf32, #tpu.memory_space<hbm>>
      %dma_wait3A_299 = arith.constant 0 : i32
      %dma_wait3A_300 = arith.constant 0 : i32
      %dma_wait3A_301 = tpu.memref_slice %arg10[%dma_wait3A_299, %dma_wait3A_300] : memref<128x128xf32, #tpu.memory_space<vmem>> -> memref<64x128xf32, #tpu.memory_space<vmem>>
      %dma_wait3A_302 = arith.constant 0 : i32
      %dma_wait3A_303 = arith.constant 0 : i32
      %dma_wait3A_304 = tpu.memref_slice %arg2[%dma_wait3A_302, %dma_wait3A_303] : memref<10000x128xf32, #tpu.memory_space<hbm>> -> memref<64x128xf32, #tpu.memory_space<hbm>>
      tpu.wait_dma2 semaphore(%arg16 : memref<!tpu.dma_semaphore, #tpu.memory_space<semaphore_mem>>) src(%dma_wait3A_304 : memref<64x128xf32, #tpu.memory_space<hbm>>) dst(%dma_wait3A_301 : memref<64x128xf32, #tpu.memory_space<vmem>>)
      %dma_wait3A_305 = arith.constant 64 : i32
      %dma_wait3A_306 = arith.constant 0 : i32
      %dma_wait3A_307 = tpu.memref_slice %arg10[%dma_wait3A_305, %dma_wait3A_306] : memref<128x128xf32, #tpu.memory_space<vmem>> -> memref<64x128xf32, #tpu.memory_space<vmem>>
      %dma_wait3A_308 = arith.constant 0 : i32
      %dma_wait3A_309 = arith.constant 0 : i32
      %dma_wait3A_310 = tpu.memref_slice %arg2[%dma_wait3A_308, %dma_wait3A_309] : memref<10000x128xf32, #tpu.memory_space<hbm>> -> memref<64x128xf32, #tpu.memory_space<hbm>>
      %dma_wait3A_311 = arith.constant 64 : i32
      %dma_wait3A_312 = arith.constant 0 : i32
      %dma_wait3A_313 = tpu.memref_slice %arg10[%dma_wait3A_311, %dma_wait3A_312] : memref<128x128xf32, #tpu.memory_space<vmem>> -> memref<64x128xf32, #tpu.memory_space<vmem>>
      %dma_wait3A_314 = arith.constant 0 : i32
      %dma_wait3A_315 = arith.constant 0 : i32
      %dma_wait3A_316 = tpu.memref_slice %arg2[%dma_wait3A_314, %dma_wait3A_315] : memref<10000x128xf32, #tpu.memory_space<hbm>> -> memref<64x128xf32, #tpu.memory_space<hbm>>
      tpu.wait_dma2 semaphore(%arg17 : memref<!tpu.dma_semaphore, #tpu.memory_space<semaphore_mem>>) src(%dma_wait3A_316 : memref<64x128xf32, #tpu.memory_space<hbm>>) dst(%dma_wait3A_313 : memref<64x128xf32, #tpu.memory_space<vmem>>)
      %run_scoped3A_317 = arith.constant 5 : i32
      "tpu.region"() ({
        %run_scoped3A_388 = tpu.sem_alloc : memref<!tpu.dma_semaphore, #tpu.memory_space<semaphore_mem>>
        %dma_start3A_389 = arith.constant 0 : i32
        %dma_start3A_390 = tpu.memref_slice %arg8[%run_scoped3A_317, %dma_start3A_389] : memref<8x128xi32, #tpu.memory_space<vmem>> -> memref<1x128xi32, #tpu.memory_space<vmem>>
        %dma_start3A_391 = tpu.memref_squeeze %dma_start3A_390 : memref<1x128xi32, #tpu.memory_space<vmem>> -> memref<128xi32, #tpu.memory_space<vmem>>
        %dma_start3A_392 = arith.constant 0 : i32
        %dma_start3A_393 = arith.constant 0 : i32
        %dma_start3A_394 = tpu.memref_slice %arg11[%dma_start3A_392, %dma_start3A_393] : memref<10240x128xf32, #tpu.memory_space<vmem_shared>> -> memref<10240x128xf32, #tpu.memory_space<vmem_shared>>
        tpu.enqueue_indirect_dma source(%arg10 : memref<128x128xf32, #tpu.memory_space<vmem>>) target(%dma_start3A_394 : memref<10240x128xf32, #tpu.memory_space<vmem_shared>>) offsets(%dma_start3A_391 : memref<128xi32, #tpu.memory_space<vmem>>) semaphore(%run_scoped3A_388 : memref<!tpu.dma_semaphore, #tpu.memory_space<semaphore_mem>>) {add = true}
        %dma_wait3A_395 = arith.constant 0 : i32
        %dma_wait3A_396 = tpu.memref_slice %arg8[%run_scoped3A_317, %dma_wait3A_395] : memref<8x128xi32, #tpu.memory_space<vmem>> -> memref<1x128xi32, #tpu.memory_space<vmem>>
        %dma_wait3A_397 = tpu.memref_squeeze %dma_wait3A_396 : memref<1x128xi32, #tpu.memory_space<vmem>> -> memref<128xi32, #tpu.memory_space<vmem>>
        %dma_wait3A_398 = arith.constant 0 : i32
        %dma_wait3A_399 = arith.constant 0 : i32
        %dma_wait3A_400 = tpu.memref_slice %arg11[%dma_wait3A_398, %dma_wait3A_399] : memref<10240x128xf32, #tpu.memory_space<vmem_shared>> -> memref<10240x128xf32, #tpu.memory_space<vmem_shared>>
        tpu.wait_indirect_dma semaphore(%run_scoped3A_388 : memref<!tpu.dma_semaphore, #tpu.memory_space<semaphore_mem>>) src(%arg10 : memref<128x128xf32, #tpu.memory_space<vmem>>) dst(%dma_wait3A_400 : memref<10240x128xf32, #tpu.memory_space<vmem_shared>>)
        tpu.yield
      }) : () -> ()
      %dma_start3A_318 = arith.constant 7 : i32
      %dma_start3A_319 = arith.constant 0 : i32
      %dma_start3A_320 = arith.constant 0 : i32
      %dma_start3A_321 = tpu.memref_slice %arg10[%dma_start3A_319, %dma_start3A_320] : memref<128x128xf32, #tpu.memory_space<vmem>> -> memref<64x128xf32, #tpu.memory_space<vmem>>
      %dma_start3A_322 = arith.constant 0 : i32
      %dma_start3A_323 = tpu.memref_slice %arg7[%dma_start3A_318, %dma_start3A_322] : memref<8x128xi32, #tpu.memory_space<vmem>> -> memref<1x64xi32, #tpu.memory_space<vmem>>
      %dma_start3A_324 = tpu.memref_squeeze %dma_start3A_323 : memref<1x64xi32, #tpu.memory_space<vmem>> -> memref<64xi32, #tpu.memory_space<vmem>>
      %dma_start3A_325 = arith.constant 0 : i32
      %dma_start3A_326 = arith.constant 0 : i32
      %dma_start3A_327 = tpu.memref_slice %arg2[%dma_start3A_325, %dma_start3A_326] : memref<10000x128xf32, #tpu.memory_space<hbm>> -> memref<10000x128xf32, #tpu.memory_space<hbm>>
      tpu.enqueue_indirect_dma source(%dma_start3A_327 : memref<10000x128xf32, #tpu.memory_space<hbm>>) target(%dma_start3A_321 : memref<64x128xf32, #tpu.memory_space<vmem>>) offsets(%dma_start3A_324 : memref<64xi32, #tpu.memory_space<vmem>>) semaphore(%arg16 : memref<!tpu.dma_semaphore, #tpu.memory_space<semaphore_mem>>)
      %dma_start3A_328 = arith.constant 7 : i32
      %dma_start3A_329 = arith.constant 64 : i32
      %dma_start3A_330 = arith.constant 0 : i32
      %dma_start3A_331 = tpu.memref_slice %arg10[%dma_start3A_329, %dma_start3A_330] : memref<128x128xf32, #tpu.memory_space<vmem>> -> memref<64x128xf32, #tpu.memory_space<vmem>>
      %dma_start3A_332 = arith.constant 64 : i32
      %dma_start3A_333 = tpu.memref_slice %arg7[%dma_start3A_328, %dma_start3A_332] : memref<8x128xi32, #tpu.memory_space<vmem>> -> memref<1x64xi32, #tpu.memory_space<vmem>>
      %dma_start3A_334 = tpu.memref_squeeze %dma_start3A_333 : memref<1x64xi32, #tpu.memory_space<vmem>> -> memref<64xi32, #tpu.memory_space<vmem>>
      %dma_start3A_335 = arith.constant 0 : i32
      %dma_start3A_336 = arith.constant 0 : i32
      %dma_start3A_337 = tpu.memref_slice %arg2[%dma_start3A_335, %dma_start3A_336] : memref<10000x128xf32, #tpu.memory_space<hbm>> -> memref<10000x128xf32, #tpu.memory_space<hbm>>
      tpu.enqueue_indirect_dma source(%dma_start3A_337 : memref<10000x128xf32, #tpu.memory_space<hbm>>) target(%dma_start3A_331 : memref<64x128xf32, #tpu.memory_space<vmem>>) offsets(%dma_start3A_334 : memref<64xi32, #tpu.memory_space<vmem>>) semaphore(%arg17 : memref<!tpu.dma_semaphore, #tpu.memory_space<semaphore_mem>>)
      %dma_wait3A_338 = arith.constant 0 : i32
      %dma_wait3A_339 = arith.constant 0 : i32
      %dma_wait3A_340 = tpu.memref_slice %arg9[%dma_wait3A_338, %dma_wait3A_339] : memref<128x128xf32, #tpu.memory_space<vmem>> -> memref<64x128xf32, #tpu.memory_space<vmem>>
      %dma_wait3A_341 = arith.constant 0 : i32
      %dma_wait3A_342 = arith.constant 0 : i32
      %dma_wait3A_343 = tpu.memref_slice %arg2[%dma_wait3A_341, %dma_wait3A_342] : memref<10000x128xf32, #tpu.memory_space<hbm>> -> memref<64x128xf32, #tpu.memory_space<hbm>>
      %dma_wait3A_344 = arith.constant 0 : i32
      %dma_wait3A_345 = arith.constant 0 : i32
      %dma_wait3A_346 = tpu.memref_slice %arg9[%dma_wait3A_344, %dma_wait3A_345] : memref<128x128xf32, #tpu.memory_space<vmem>> -> memref<64x128xf32, #tpu.memory_space<vmem>>
      %dma_wait3A_347 = arith.constant 0 : i32
      %dma_wait3A_348 = arith.constant 0 : i32
      %dma_wait3A_349 = tpu.memref_slice %arg2[%dma_wait3A_347, %dma_wait3A_348] : memref<10000x128xf32, #tpu.memory_space<hbm>> -> memref<64x128xf32, #tpu.memory_space<hbm>>
      tpu.wait_dma2 semaphore(%arg14 : memref<!tpu.dma_semaphore, #tpu.memory_space<semaphore_mem>>) src(%dma_wait3A_349 : memref<64x128xf32, #tpu.memory_space<hbm>>) dst(%dma_wait3A_346 : memref<64x128xf32, #tpu.memory_space<vmem>>)
      %dma_wait3A_350 = arith.constant 64 : i32
      %dma_wait3A_351 = arith.constant 0 : i32
      %dma_wait3A_352 = tpu.memref_slice %arg9[%dma_wait3A_350, %dma_wait3A_351] : memref<128x128xf32, #tpu.memory_space<vmem>> -> memref<64x128xf32, #tpu.memory_space<vmem>>
      %dma_wait3A_353 = arith.constant 0 : i32
      %dma_wait3A_354 = arith.constant 0 : i32
      %dma_wait3A_355 = tpu.memref_slice %arg2[%dma_wait3A_353, %dma_wait3A_354] : memref<10000x128xf32, #tpu.memory_space<hbm>> -> memref<64x128xf32, #tpu.memory_space<hbm>>
      %dma_wait3A_356 = arith.constant 64 : i32
      %dma_wait3A_357 = arith.constant 0 : i32
      %dma_wait3A_358 = tpu.memref_slice %arg9[%dma_wait3A_356, %dma_wait3A_357] : memref<128x128xf32, #tpu.memory_space<vmem>> -> memref<64x128xf32, #tpu.memory_space<vmem>>
      %dma_wait3A_359 = arith.constant 0 : i32
      %dma_wait3A_360 = arith.constant 0 : i32
      %dma_wait3A_361 = tpu.memref_slice %arg2[%dma_wait3A_359, %dma_wait3A_360] : memref<10000x128xf32, #tpu.memory_space<hbm>> -> memref<64x128xf32, #tpu.memory_space<hbm>>
      tpu.wait_dma2 semaphore(%arg15 : memref<!tpu.dma_semaphore, #tpu.memory_space<semaphore_mem>>) src(%dma_wait3A_361 : memref<64x128xf32, #tpu.memory_space<hbm>>) dst(%dma_wait3A_358 : memref<64x128xf32, #tpu.memory_space<vmem>>)
      %run_scoped3A_362 = arith.constant 6 : i32
      "tpu.region"() ({
        %run_scoped3A_388 = tpu.sem_alloc : memref<!tpu.dma_semaphore, #tpu.memory_space<semaphore_mem>>
        %dma_start3A_389 = arith.constant 0 : i32
        %dma_start3A_390 = tpu.memref_slice %arg8[%run_scoped3A_362, %dma_start3A_389] : memref<8x128xi32, #tpu.memory_space<vmem>> -> memref<1x128xi32, #tpu.memory_space<vmem>>
        %dma_start3A_391 = tpu.memref_squeeze %dma_start3A_390 : memref<1x128xi32, #tpu.memory_space<vmem>> -> memref<128xi32, #tpu.memory_space<vmem>>
        %dma_start3A_392 = arith.constant 0 : i32
        %dma_start3A_393 = arith.constant 0 : i32
        %dma_start3A_394 = tpu.memref_slice %arg11[%dma_start3A_392, %dma_start3A_393] : memref<10240x128xf32, #tpu.memory_space<vmem_shared>> -> memref<10240x128xf32, #tpu.memory_space<vmem_shared>>
        tpu.enqueue_indirect_dma source(%arg9 : memref<128x128xf32, #tpu.memory_space<vmem>>) target(%dma_start3A_394 : memref<10240x128xf32, #tpu.memory_space<vmem_shared>>) offsets(%dma_start3A_391 : memref<128xi32, #tpu.memory_space<vmem>>) semaphore(%run_scoped3A_388 : memref<!tpu.dma_semaphore, #tpu.memory_space<semaphore_mem>>) {add = true}
        %dma_wait3A_395 = arith.constant 0 : i32
        %dma_wait3A_396 = tpu.memref_slice %arg8[%run_scoped3A_362, %dma_wait3A_395] : memref<8x128xi32, #tpu.memory_space<vmem>> -> memref<1x128xi32, #tpu.memory_space<vmem>>
        %dma_wait3A_397 = tpu.memref_squeeze %dma_wait3A_396 : memref<1x128xi32, #tpu.memory_space<vmem>> -> memref<128xi32, #tpu.memory_space<vmem>>
        %dma_wait3A_398 = arith.constant 0 : i32
        %dma_wait3A_399 = arith.constant 0 : i32
        %dma_wait3A_400 = tpu.memref_slice %arg11[%dma_wait3A_398, %dma_wait3A_399] : memref<10240x128xf32, #tpu.memory_space<vmem_shared>> -> memref<10240x128xf32, #tpu.memory_space<vmem_shared>>
        tpu.wait_indirect_dma semaphore(%run_scoped3A_388 : memref<!tpu.dma_semaphore, #tpu.memory_space<semaphore_mem>>) src(%arg9 : memref<128x128xf32, #tpu.memory_space<vmem>>) dst(%dma_wait3A_400 : memref<10240x128xf32, #tpu.memory_space<vmem_shared>>)
        tpu.yield
      }) : () -> ()
      %dma_wait3A_363 = arith.constant 0 : i32
      %dma_wait3A_364 = arith.constant 0 : i32
      %dma_wait3A_365 = tpu.memref_slice %arg10[%dma_wait3A_363, %dma_wait3A_364] : memref<128x128xf32, #tpu.memory_space<vmem>> -> memref<64x128xf32, #tpu.memory_space<vmem>>
      %dma_wait3A_366 = arith.constant 0 : i32
      %dma_wait3A_367 = arith.constant 0 : i32
      %dma_wait3A_368 = tpu.memref_slice %arg2[%dma_wait3A_366, %dma_wait3A_367] : memref<10000x128xf32, #tpu.memory_space<hbm>> -> memref<64x128xf32, #tpu.memory_space<hbm>>
      %dma_wait3A_369 = arith.constant 0 : i32
      %dma_wait3A_370 = arith.constant 0 : i32
      %dma_wait3A_371 = tpu.memref_slice %arg10[%dma_wait3A_369, %dma_wait3A_370] : memref<128x128xf32, #tpu.memory_space<vmem>> -> memref<64x128xf32, #tpu.memory_space<vmem>>
      %dma_wait3A_372 = arith.constant 0 : i32
      %dma_wait3A_373 = arith.constant 0 : i32
      %dma_wait3A_374 = tpu.memref_slice %arg2[%dma_wait3A_372, %dma_wait3A_373] : memref<10000x128xf32, #tpu.memory_space<hbm>> -> memref<64x128xf32, #tpu.memory_space<hbm>>
      tpu.wait_dma2 semaphore(%arg16 : memref<!tpu.dma_semaphore, #tpu.memory_space<semaphore_mem>>) src(%dma_wait3A_374 : memref<64x128xf32, #tpu.memory_space<hbm>>) dst(%dma_wait3A_371 : memref<64x128xf32, #tpu.memory_space<vmem>>)
      %dma_wait3A_375 = arith.constant 64 : i32
      %dma_wait3A_376 = arith.constant 0 : i32
      %dma_wait3A_377 = tpu.memref_slice %arg10[%dma_wait3A_375, %dma_wait3A_376] : memref<128x128xf32, #tpu.memory_space<vmem>> -> memref<64x128xf32, #tpu.memory_space<vmem>>
      %dma_wait3A_378 = arith.constant 0 : i32
      %dma_wait3A_379 = arith.constant 0 : i32
      %dma_wait3A_380 = tpu.memref_slice %arg2[%dma_wait3A_378, %dma_wait3A_379] : memref<10000x128xf32, #tpu.memory_space<hbm>> -> memref<64x128xf32, #tpu.memory_space<hbm>>
      %dma_wait3A_381 = arith.constant 64 : i32
      %dma_wait3A_382 = arith.constant 0 : i32
      %dma_wait3A_383 = tpu.memref_slice %arg10[%dma_wait3A_381, %dma_wait3A_382] : memref<128x128xf32, #tpu.memory_space<vmem>> -> memref<64x128xf32, #tpu.memory_space<vmem>>
      %dma_wait3A_384 = arith.constant 0 : i32
      %dma_wait3A_385 = arith.constant 0 : i32
      %dma_wait3A_386 = tpu.memref_slice %arg2[%dma_wait3A_384, %dma_wait3A_385] : memref<10000x128xf32, #tpu.memory_space<hbm>> -> memref<64x128xf32, #tpu.memory_space<hbm>>
      tpu.wait_dma2 semaphore(%arg17 : memref<!tpu.dma_semaphore, #tpu.memory_space<semaphore_mem>>) src(%dma_wait3A_386 : memref<64x128xf32, #tpu.memory_space<hbm>>) dst(%dma_wait3A_383 : memref<64x128xf32, #tpu.memory_space<vmem>>)
      %run_scoped3A_387 = arith.constant 7 : i32
      "tpu.region"() ({
        %run_scoped3A_388 = tpu.sem_alloc : memref<!tpu.dma_semaphore, #tpu.memory_space<semaphore_mem>>
        %dma_start3A_389 = arith.constant 0 : i32
        %dma_start3A_390 = tpu.memref_slice %arg8[%run_scoped3A_387, %dma_start3A_389] : memref<8x128xi32, #tpu.memory_space<vmem>> -> memref<1x128xi32, #tpu.memory_space<vmem>>
        %dma_start3A_391 = tpu.memref_squeeze %dma_start3A_390 : memref<1x128xi32, #tpu.memory_space<vmem>> -> memref<128xi32, #tpu.memory_space<vmem>>
        %dma_start3A_392 = arith.constant 0 : i32
        %dma_start3A_393 = arith.constant 0 : i32
        %dma_start3A_394 = tpu.memref_slice %arg11[%dma_start3A_392, %dma_start3A_393] : memref<10240x128xf32, #tpu.memory_space<vmem_shared>> -> memref<10240x128xf32, #tpu.memory_space<vmem_shared>>
        tpu.enqueue_indirect_dma source(%arg10 : memref<128x128xf32, #tpu.memory_space<vmem>>) target(%dma_start3A_394 : memref<10240x128xf32, #tpu.memory_space<vmem_shared>>) offsets(%dma_start3A_391 : memref<128xi32, #tpu.memory_space<vmem>>) semaphore(%run_scoped3A_388 : memref<!tpu.dma_semaphore, #tpu.memory_space<semaphore_mem>>) {add = true}
        %dma_wait3A_395 = arith.constant 0 : i32
        %dma_wait3A_396 = tpu.memref_slice %arg8[%run_scoped3A_387, %dma_wait3A_395] : memref<8x128xi32, #tpu.memory_space<vmem>> -> memref<1x128xi32, #tpu.memory_space<vmem>>
        %dma_wait3A_397 = tpu.memref_squeeze %dma_wait3A_396 : memref<1x128xi32, #tpu.memory_space<vmem>> -> memref<128xi32, #tpu.memory_space<vmem>>
        %dma_wait3A_398 = arith.constant 0 : i32
        %dma_wait3A_399 = arith.constant 0 : i32
        %dma_wait3A_400 = tpu.memref_slice %arg11[%dma_wait3A_398, %dma_wait3A_399] : memref<10240x128xf32, #tpu.memory_space<vmem_shared>> -> memref<10240x128xf32, #tpu.memory_space<vmem_shared>>
        tpu.wait_indirect_dma semaphore(%run_scoped3A_388 : memref<!tpu.dma_semaphore, #tpu.memory_space<semaphore_mem>>) src(%arg10 : memref<128x128xf32, #tpu.memory_space<vmem>>) dst(%dma_wait3A_400 : memref<10240x128xf32, #tpu.memory_space<vmem_shared>>)
        tpu.yield
      }) : () -> ()
    }
    %scan3A_7 = arith.constant 10 : i32
    %barrier3A_8 = arith.constant 0 : index
    tpu.barrier barrier_id(%barrier3A_8)
    "tpu.region"() ({
      %run_scoped3A = tpu.sem_alloc : memref<!tpu.dma_semaphore, #tpu.memory_space<semaphore_mem>>
      %dma_start3A = arith.constant 0 : i32
      %dma_start3A_9 = tpu.memref_slice %arg6[%arg0, %mul3A_2, %dma_start3A] : memref<2x10240x128xf32, #tpu.memory_space<hbm>> -> memref<1x640x128xf32, #tpu.memory_space<hbm>>
      %dma_start3A_10 = tpu.memref_squeeze %dma_start3A_9 : memref<1x640x128xf32, #tpu.memory_space<hbm>> -> memref<640x128xf32, #tpu.memory_space<hbm>>
      %dma_start3A_11 = arith.constant 0 : i32
      %dma_start3A_12 = tpu.memref_slice %arg11[%mul3A_2, %dma_start3A_11] : memref<10240x128xf32, #tpu.memory_space<vmem_shared>> -> memref<640x128xf32, #tpu.memory_space<vmem_shared>>
      tpu.enqueue_dma source(%dma_start3A_12 : memref<640x128xf32, #tpu.memory_space<vmem_shared>>) target(%dma_start3A_10 : memref<640x128xf32, #tpu.memory_space<hbm>>) target_semaphore(%run_scoped3A : memref<!tpu.dma_semaphore, #tpu.memory_space<semaphore_mem>>)
      %dma_wait3A = arith.constant 0 : i32
      %dma_wait3A_13 = tpu.memref_slice %arg6[%arg0, %mul3A_2, %dma_wait3A] : memref<2x10240x128xf32, #tpu.memory_space<hbm>> -> memref<1x640x128xf32, #tpu.memory_space<hbm>>
      %dma_wait3A_14 = tpu.memref_squeeze %dma_wait3A_13 : memref<1x640x128xf32, #tpu.memory_space<hbm>> -> memref<640x128xf32, #tpu.memory_space<hbm>>
      %dma_wait3A_15 = arith.constant 0 : i32
      %dma_wait3A_16 = tpu.memref_slice %arg11[%mul3A_2, %dma_wait3A_15] : memref<10240x128xf32, #tpu.memory_space<vmem_shared>> -> memref<640x128xf32, #tpu.memory_space<vmem_shared>>
      tpu.wait_dma2 semaphore(%run_scoped3A : memref<!tpu.dma_semaphore, #tpu.memory_space<semaphore_mem>>) src(%dma_wait3A_16 : memref<640x128xf32, #tpu.memory_space<vmem_shared>>) dst(%dma_wait3A_14 : memref<640x128xf32, #tpu.memory_space<hbm>>)
      tpu.yield
    }) : () -> ()
    return
  }
}

#map = affine_map<(d0, d1) -> (0, 0)>
#map1 = affine_map<(d0, d1) -> (0, 0, 0)>
module attributes {stable_mosaic.version = 14 : i64} {
  func.func @body(%arg0: i32, %arg1: i32, %arg2: memref<10000x128xf32, #tpu.memory_space<hbm>>, %arg3: memref<2560x128xi32, #tpu.memory_space<hbm>>, %arg4: memref<2560x128xi32, #tpu.memory_space<hbm>>, %arg5: memref<640x128xf32, #tpu.memory_space<hbm>>, %arg6: memref<2x10240x128xf32, #tpu.memory_space<hbm>>, %arg7: memref<8x128xi32, #tpu.memory_space<vmem>>, %arg8: memref<8x128xi32, #tpu.memory_space<vmem>>, %arg9: memref<128x128xf32, #tpu.memory_space<vmem>>, %arg10: memref<128x128xf32, #tpu.memory_space<vmem>>, %arg11: memref<10240x128xf32, #tpu.memory_space<vmem_shared>>, %arg12: memref<!tpu.dma_semaphore, #tpu.memory_space<semaphore_mem>>, %arg13: memref<!tpu.dma_semaphore, #tpu.memory_space<semaphore_mem>>, %arg14: memref<!tpu.dma_semaphore, #tpu.memory_space<semaphore_mem>>, %arg15: memref<!tpu.dma_semaphore, #tpu.memory_space<semaphore_mem>>, %arg16: memref<!tpu.dma_semaphore, #tpu.memory_space<semaphore_mem>>, %arg17: memref<!tpu.dma_semaphore, #tpu.memory_space<semaphore_mem>>) attributes {dimension_semantics = [#tpu.dimension_semantics<core_parallel>, #tpu.dimension_semantics<subcore_parallel>], iteration_bounds = array<i64: 2, 16>, scalar_prefetch = 0 : i64, scratch_operands = 11 : i64, tpu.core_type = #tpu.core_type<sc_vector_subcore>, window_params = [{transform_indices = #map}, {transform_indices = #map}, {transform_indices = #map}, {transform_indices = #map}, {transform_indices = #map1}]} {
    %mul3A = arith.constant 16 : i32
    %mul3A_0 = arith.muli %arg0, %mul3A : i32
    %add3A = arith.addi %mul3A_0, %arg1 : i32
    %mul3A_1 = arith.constant 640 : i32
    %mul3A_2 = arith.muli %arg1, %mul3A_1 : i32
    "tpu.region"() ({
      %run_scoped3A = tpu.sem_alloc : memref<!tpu.dma_semaphore, #tpu.memory_space<semaphore_mem>>
      %dma_start3A = arith.constant 0 : i32
      %dma_start3A_9 = tpu.memref_slice %arg11[%mul3A_2, %dma_start3A] : memref<10240x128xf32, #tpu.memory_space<vmem_shared>> -> memref<640x128xf32, #tpu.memory_space<vmem_shared>>
      tpu.enqueue_dma source(%arg5 : memref<640x128xf32, #tpu.memory_space<hbm>>) target(%dma_start3A_9 : memref<640x128xf32, #tpu.memory_space<vmem_shared>>) target_semaphore(%run_scoped3A : memref<!tpu.dma_semaphore, #tpu.memory_space<semaphore_mem>>)
      %dma_wait3A = arith.constant 0 : i32
      %dma_wait3A_10 = tpu.memref_slice %arg11[%mul3A_2, %dma_wait3A] : memref<10240x128xf32, #tpu.memory_space<vmem_shared>> -> memref<640x128xf32, #tpu.memory_space<vmem_shared>>
      tpu.wait_dma2 semaphore(%run_scoped3A : memref<!tpu.dma_semaphore, #tpu.memory_space<semaphore_mem>>) src(%arg5 : memref<640x128xf32, #tpu.memory_space<hbm>>) dst(%dma_wait3A_10 : memref<640x128xf32, #tpu.memory_space<vmem_shared>>)
      tpu.yield
    }) : () -> ()
    %barrier3A = arith.constant 0 : index
    tpu.barrier barrier_id(%barrier3A)
    %scan3A = arith.constant 0 : i32
    %scan3A_3 = arith.constant 0 : i32
    %scan3A_4 = arith.constant 10 : i32
    %scan3A_5 = arith.addi %scan3A_3, %scan3A_4 : i32
    %scan3A_6 = arith.constant 1 : i32
    scf.for %scan3A_9 = %scan3A_3 to %scan3A_5 step %scan3A_6  : i32 {
      %mul3A_10 = arith.constant 80 : i32
      %mul3A_11 = arith.muli %add3A, %mul3A_10 : i32
      %mul3A_12 = arith.constant 8 : i32
      %mul3A_13 = arith.muli %scan3A_9, %mul3A_12 : i32
      %add3A_14 = arith.addi %mul3A_11, %mul3A_13 : i32
      %dma_start3A = arith.constant 0 : i32
      %dma_start3A_15 = tpu.memref_slice %arg3[%add3A_14, %dma_start3A] : memref<2560x128xi32, #tpu.memory_space<hbm>> -> memref<8x128xi32, #tpu.memory_space<hbm>>
      %dma_start3A_16 = arith.constant 0 : i32
      %dma_start3A_17 = tpu.memref_slice %arg3[%add3A_14, %dma_start3A_16] : memref<2560x128xi32, #tpu.memory_space<hbm>> -> memref<8x128xi32, #tpu.memory_space<hbm>>
      tpu.enqueue_dma source(%dma_start3A_17 : memref<8x128xi32, #tpu.memory_space<hbm>>) target(%arg7 : memref<8x128xi32, #tpu.memory_space<vmem>>) target_semaphore(%arg12 : memref<!tpu.dma_semaphore, #tpu.memory_space<semaphore_mem>>)
      %dma_start3A_18 = arith.constant 0 : i32
      %dma_start3A_19 = tpu.memref_slice %arg4[%add3A_14, %dma_start3A_18] : memref<2560x128xi32, #tpu.memory_space<hbm>> -> memref<8x128xi32, #tpu.memory_space<hbm>>
      %dma_start3A_20 = arith.constant 0 : i32
      %dma_start3A_21 = tpu.memref_slice %arg4[%add3A_14, %dma_start3A_20] : memref<2560x128xi32, #tpu.memory_space<hbm>> -> memref<8x128xi32, #tpu.memory_space<hbm>>
      tpu.enqueue_dma source(%dma_start3A_21 : memref<8x128xi32, #tpu.memory_space<hbm>>) target(%arg8 : memref<8x128xi32, #tpu.memory_space<vmem>>) target_semaphore(%arg13 : memref<!tpu.dma_semaphore, #tpu.memory_space<semaphore_mem>>)
      %dma_wait3A = arith.constant 0 : i32
      %dma_wait3A_22 = tpu.memref_slice %arg3[%add3A_14, %dma_wait3A] : memref<2560x128xi32, #tpu.memory_space<hbm>> -> memref<8x128xi32, #tpu.memory_space<hbm>>
      %dma_wait3A_23 = arith.constant 0 : i32
      %dma_wait3A_24 = tpu.memref_slice %arg3[%add3A_14, %dma_wait3A_23] : memref<2560x128xi32, #tpu.memory_space<hbm>> -> memref<8x128xi32, #tpu.memory_space<hbm>>
      tpu.wait_dma2 semaphore(%arg12 : memref<!tpu.dma_semaphore, #tpu.memory_space<semaphore_mem>>) src(%dma_wait3A_24 : memref<8x128xi32, #tpu.memory_space<hbm>>) dst(%arg7 : memref<8x128xi32, #tpu.memory_space<vmem>>)
      %dma_wait3A_25 = arith.constant 0 : i32
      %dma_wait3A_26 = tpu.memref_slice %arg4[%add3A_14, %dma_wait3A_25] : memref<2560x128xi32, #tpu.memory_space<hbm>> -> memref<8x128xi32, #tpu.memory_space<hbm>>
      %dma_wait3A_27 = arith.constant 0 : i32
      %dma_wait3A_28 = tpu.memref_slice %arg4[%add3A_14, %dma_wait3A_27] : memref<2560x128xi32, #tpu.memory_space<hbm>> -> memref<8x128xi32, #tpu.memory_space<hbm>>
      tpu.wait_dma2 semaphore(%arg13 : memref<!tpu.dma_semaphore, #tpu.memory_space<semaphore_mem>>) src(%dma_wait3A_28 : memref<8x128xi32, #tpu.memory_space<hbm>>) dst(%arg8 : memref<8x128xi32, #tpu.memory_space<vmem>>)
      %dma_start3A_29 = arith.constant 0 : i32
      %dma_start3A_30 = arith.constant 0 : i32
      %dma_start3A_31 = arith.constant 0 : i32
      %dma_start3A_32 = tpu.memref_slice %arg9[%dma_start3A_30, %dma_start3A_31] : memref<128x128xf32, #tpu.memory_space<vmem>> -> memref<64x128xf32, #tpu.memory_space<vmem>>
      %dma_start3A_33 = arith.constant 0 : i32
      %dma_start3A_34 = tpu.memref_slice %arg7[%dma_start3A_29, %dma_start3A_33] : memref<8x128xi32, #tpu.memory_space<vmem>> -> memref<1x64xi32, #tpu.memory_space<vmem>>
      %dma_start3A_35 = tpu.memref_squeeze %dma_start3A_34 : memref<1x64xi32, #tpu.memory_space<vmem>> -> memref<64xi32, #tpu.memory_space<vmem>>
      %dma_start3A_36 = arith.constant 0 : i32
      %dma_start3A_37 = arith.constant 0 : i32
      %dma_start3A_38 = tpu.memref_slice %arg2[%dma_start3A_36, %dma_start3A_37] : memref<10000x128xf32, #tpu.memory_space<hbm>> -> memref<10000x128xf32, #tpu.memory_space<hbm>>
      tpu.enqueue_indirect_dma source(%dma_start3A_38 : memref<10000x128xf32, #tpu.memory_space<hbm>>) target(%dma_start3A_32 : memref<64x128xf32, #tpu.memory_space<vmem>>) offsets(%dma_start3A_35 : memref<64xi32, #tpu.memory_space<vmem>>) semaphore(%arg14 : memref<!tpu.dma_semaphore, #tpu.memory_space<semaphore_mem>>)
      %dma_start3A_39 = arith.constant 0 : i32
      %dma_start3A_40 = arith.constant 64 : i32
      %dma_start3A_41 = arith.constant 0 : i32
      %dma_start3A_42 = tpu.memref_slice %arg9[%dma_start3A_40, %dma_start3A_41] : memref<128x128xf32, #tpu.memory_space<vmem>> -> memref<64x128xf32, #tpu.memory_space<vmem>>
      %dma_start3A_43 = arith.constant 64 : i32
      %dma_start3A_44 = tpu.memref_slice %arg7[%dma_start3A_39, %dma_start3A_43] : memref<8x128xi32, #tpu.memory_space<vmem>> -> memref<1x64xi32, #tpu.memory_space<vmem>>
      %dma_start3A_45 = tpu.memref_squeeze %dma_start3A_44 : memref<1x64xi32, #tpu.memory_space<vmem>> -> memref<64xi32, #tpu.memory_space<vmem>>
      %dma_start3A_46 = arith.constant 0 : i32
      %dma_start3A_47 = arith.constant 0 : i32
      %dma_start3A_48 = tpu.memref_slice %arg2[%dma_start3A_46, %dma_start3A_47] : memref<10000x128xf32, #tpu.memory_space<hbm>> -> memref<10000x128xf32, #tpu.memory_space<hbm>>
      tpu.enqueue_indirect_dma source(%dma_start3A_48 : memref<10000x128xf32, #tpu.memory_space<hbm>>) target(%dma_start3A_42 : memref<64x128xf32, #tpu.memory_space<vmem>>) offsets(%dma_start3A_45 : memref<64xi32, #tpu.memory_space<vmem>>) semaphore(%arg15 : memref<!tpu.dma_semaphore, #tpu.memory_space<semaphore_mem>>)
      %dma_start3A_49 = arith.constant 1 : i32
      %dma_start3A_50 = arith.constant 0 : i32
      %dma_start3A_51 = arith.constant 0 : i32
      %dma_start3A_52 = tpu.memref_slice %arg10[%dma_start3A_50, %dma_start3A_51] : memref<128x128xf32, #tpu.memory_space<vmem>> -> memref<64x128xf32, #tpu.memory_space<vmem>>
      %dma_start3A_53 = arith.constant 0 : i32
      %dma_start3A_54 = tpu.memref_slice %arg7[%dma_start3A_49, %dma_start3A_53] : memref<8x128xi32, #tpu.memory_space<vmem>> -> memref<1x64xi32, #tpu.memory_space<vmem>>
      %dma_start3A_55 = tpu.memref_squeeze %dma_start3A_54 : memref<1x64xi32, #tpu.memory_space<vmem>> -> memref<64xi32, #tpu.memory_space<vmem>>
      %dma_start3A_56 = arith.constant 0 : i32
      %dma_start3A_57 = arith.constant 0 : i32
      %dma_start3A_58 = tpu.memref_slice %arg2[%dma_start3A_56, %dma_start3A_57] : memref<10000x128xf32, #tpu.memory_space<hbm>> -> memref<10000x128xf32, #tpu.memory_space<hbm>>
      tpu.enqueue_indirect_dma source(%dma_start3A_58 : memref<10000x128xf32, #tpu.memory_space<hbm>>) target(%dma_start3A_52 : memref<64x128xf32, #tpu.memory_space<vmem>>) offsets(%dma_start3A_55 : memref<64xi32, #tpu.memory_space<vmem>>) semaphore(%arg16 : memref<!tpu.dma_semaphore, #tpu.memory_space<semaphore_mem>>)
      %dma_start3A_59 = arith.constant 1 : i32
      %dma_start3A_60 = arith.constant 64 : i32
      %dma_start3A_61 = arith.constant 0 : i32
      %dma_start3A_62 = tpu.memref_slice %arg10[%dma_start3A_60, %dma_start3A_61] : memref<128x128xf32, #tpu.memory_space<vmem>> -> memref<64x128xf32, #tpu.memory_space<vmem>>
      %dma_start3A_63 = arith.constant 64 : i32
      %dma_start3A_64 = tpu.memref_slice %arg7[%dma_start3A_59, %dma_start3A_63] : memref<8x128xi32, #tpu.memory_space<vmem>> -> memref<1x64xi32, #tpu.memory_space<vmem>>
      %dma_start3A_65 = tpu.memref_squeeze %dma_start3A_64 : memref<1x64xi32, #tpu.memory_space<vmem>> -> memref<64xi32, #tpu.memory_space<vmem>>
      %dma_start3A_66 = arith.constant 0 : i32
      %dma_start3A_67 = arith.constant 0 : i32
      %dma_start3A_68 = tpu.memref_slice %arg2[%dma_start3A_66, %dma_start3A_67] : memref<10000x128xf32, #tpu.memory_space<hbm>> -> memref<10000x128xf32, #tpu.memory_space<hbm>>
      tpu.enqueue_indirect_dma source(%dma_start3A_68 : memref<10000x128xf32, #tpu.memory_space<hbm>>) target(%dma_start3A_62 : memref<64x128xf32, #tpu.memory_space<vmem>>) offsets(%dma_start3A_65 : memref<64xi32, #tpu.memory_space<vmem>>) semaphore(%arg17 : memref<!tpu.dma_semaphore, #tpu.memory_space<semaphore_mem>>)
      %dma_wait3A_69 = arith.constant 0 : i32
      %dma_wait3A_70 = arith.constant 0 : i32
      %dma_wait3A_71 = tpu.memref_slice %arg9[%dma_wait3A_69, %dma_wait3A_70] : memref<128x128xf32, #tpu.memory_space<vmem>> -> memref<64x128xf32, #tpu.memory_space<vmem>>
      %dma_wait3A_72 = arith.constant 0 : i32
      %dma_wait3A_73 = arith.constant 0 : i32
      %dma_wait3A_74 = tpu.memref_slice %arg2[%dma_wait3A_72, %dma_wait3A_73] : memref<10000x128xf32, #tpu.memory_space<hbm>> -> memref<64x128xf32, #tpu.memory_space<hbm>>
      %dma_wait3A_75 = arith.constant 0 : i32
      %dma_wait3A_76 = arith.constant 0 : i32
      %dma_wait3A_77 = tpu.memref_slice %arg9[%dma_wait3A_75, %dma_wait3A_76] : memref<128x128xf32, #tpu.memory_space<vmem>> -> memref<64x128xf32, #tpu.memory_space<vmem>>
      %dma_wait3A_78 = arith.constant 0 : i32
      %dma_wait3A_79 = arith.constant 0 : i32
      %dma_wait3A_80 = tpu.memref_slice %arg2[%dma_wait3A_78, %dma_wait3A_79] : memref<10000x128xf32, #tpu.memory_space<hbm>> -> memref<64x128xf32, #tpu.memory_space<hbm>>
      tpu.wait_dma2 semaphore(%arg14 : memref<!tpu.dma_semaphore, #tpu.memory_space<semaphore_mem>>) src(%dma_wait3A_80 : memref<64x128xf32, #tpu.memory_space<hbm>>) dst(%dma_wait3A_77 : memref<64x128xf32, #tpu.memory_space<vmem>>)
      %dma_wait3A_81 = arith.constant 64 : i32
      %dma_wait3A_82 = arith.constant 0 : i32
      %dma_wait3A_83 = tpu.memref_slice %arg9[%dma_wait3A_81, %dma_wait3A_82] : memref<128x128xf32, #tpu.memory_space<vmem>> -> memref<64x128xf32, #tpu.memory_space<vmem>>
      %dma_wait3A_84 = arith.constant 0 : i32
      %dma_wait3A_85 = arith.constant 0 : i32
      %dma_wait3A_86 = tpu.memref_slice %arg2[%dma_wait3A_84, %dma_wait3A_85] : memref<10000x128xf32, #tpu.memory_space<hbm>> -> memref<64x128xf32, #tpu.memory_space<hbm>>
      %dma_wait3A_87 = arith.constant 64 : i32
      %dma_wait3A_88 = arith.constant 0 : i32
      %dma_wait3A_89 = tpu.memref_slice %arg9[%dma_wait3A_87, %dma_wait3A_88] : memref<128x128xf32, #tpu.memory_space<vmem>> -> memref<64x128xf32, #tpu.memory_space<vmem>>
      %dma_wait3A_90 = arith.constant 0 : i32
      %dma_wait3A_91 = arith.constant 0 : i32
      %dma_wait3A_92 = tpu.memref_slice %arg2[%dma_wait3A_90, %dma_wait3A_91] : memref<10000x128xf32, #tpu.memory_space<hbm>> -> memref<64x128xf32, #tpu.memory_space<hbm>>
      tpu.wait_dma2 semaphore(%arg15 : memref<!tpu.dma_semaphore, #tpu.memory_space<semaphore_mem>>) src(%dma_wait3A_92 : memref<64x128xf32, #tpu.memory_space<hbm>>) dst(%dma_wait3A_89 : memref<64x128xf32, #tpu.memory_space<vmem>>)
      %run_scoped3A = arith.constant 0 : i32
      "tpu.region"() ({
        %run_scoped3A_388 = tpu.sem_alloc : memref<!tpu.dma_semaphore, #tpu.memory_space<semaphore_mem>>
        %dma_start3A_389 = arith.constant 0 : i32
        %dma_start3A_390 = tpu.memref_slice %arg8[%run_scoped3A, %dma_start3A_389] : memref<8x128xi32, #tpu.memory_space<vmem>> -> memref<1x128xi32, #tpu.memory_space<vmem>>
        %dma_start3A_391 = tpu.memref_squeeze %dma_start3A_390 : memref<1x128xi32, #tpu.memory_space<vmem>> -> memref<128xi32, #tpu.memory_space<vmem>>
        %dma_start3A_392 = arith.constant 0 : i32
        %dma_start3A_393 = arith.constant 0 : i32
        %dma_start3A_394 = tpu.memref_slice %arg11[%dma_start3A_392, %dma_start3A_393] : memref<10240x128xf32, #tpu.memory_space<vmem_shared>> -> memref<10240x128xf32, #tpu.memory_space<vmem_shared>>
        tpu.enqueue_indirect_dma source(%arg9 : memref<128x128xf32, #tpu.memory_space<vmem>>) target(%dma_start3A_394 : memref<10240x128xf32, #tpu.memory_space<vmem_shared>>) offsets(%dma_start3A_391 : memref<128xi32, #tpu.memory_space<vmem>>) semaphore(%run_scoped3A_388 : memref<!tpu.dma_semaphore, #tpu.memory_space<semaphore_mem>>) {add = true}
        %dma_wait3A_395 = arith.constant 0 : i32
        %dma_wait3A_396 = tpu.memref_slice %arg8[%run_scoped3A, %dma_wait3A_395] : memref<8x128xi32, #tpu.memory_space<vmem>> -> memref<1x128xi32, #tpu.memory_space<vmem>>
        %dma_wait3A_397 = tpu.memref_squeeze %dma_wait3A_396 : memref<1x128xi32, #tpu.memory_space<vmem>> -> memref<128xi32, #tpu.memory_space<vmem>>
        %dma_wait3A_398 = arith.constant 0 : i32
        %dma_wait3A_399 = arith.constant 0 : i32
        %dma_wait3A_400 = tpu.memref_slice %arg11[%dma_wait3A_398, %dma_wait3A_399] : memref<10240x128xf32, #tpu.memory_space<vmem_shared>> -> memref<10240x128xf32, #tpu.memory_space<vmem_shared>>
        tpu.wait_indirect_dma semaphore(%run_scoped3A_388 : memref<!tpu.dma_semaphore, #tpu.memory_space<semaphore_mem>>) src(%arg9 : memref<128x128xf32, #tpu.memory_space<vmem>>) dst(%dma_wait3A_400 : memref<10240x128xf32, #tpu.memory_space<vmem_shared>>)
        tpu.yield
      }) : () -> ()
      %dma_start3A_93 = arith.constant 2 : i32
      %dma_start3A_94 = arith.constant 0 : i32
      %dma_start3A_95 = arith.constant 0 : i32
      %dma_start3A_96 = tpu.memref_slice %arg9[%dma_start3A_94, %dma_start3A_95] : memref<128x128xf32, #tpu.memory_space<vmem>> -> memref<64x128xf32, #tpu.memory_space<vmem>>
      %dma_start3A_97 = arith.constant 0 : i32
      %dma_start3A_98 = tpu.memref_slice %arg7[%dma_start3A_93, %dma_start3A_97] : memref<8x128xi32, #tpu.memory_space<vmem>> -> memref<1x64xi32, #tpu.memory_space<vmem>>
      %dma_start3A_99 = tpu.memref_squeeze %dma_start3A_98 : memref<1x64xi32, #tpu.memory_space<vmem>> -> memref<64xi32, #tpu.memory_space<vmem>>
      %dma_start3A_100 = arith.constant 0 : i32
      %dma_start3A_101 = arith.constant 0 : i32
      %dma_start3A_102 = tpu.memref_slice %arg2[%dma_start3A_100, %dma_start3A_101] : memref<10000x128xf32, #tpu.memory_space<hbm>> -> memref<10000x128xf32, #tpu.memory_space<hbm>>
      tpu.enqueue_indirect_dma source(%dma_start3A_102 : memref<10000x128xf32, #tpu.memory_space<hbm>>) target(%dma_start3A_96 : memref<64x128xf32, #tpu.memory_space<vmem>>) offsets(%dma_start3A_99 : memref<64xi32, #tpu.memory_space<vmem>>) semaphore(%arg14 : memref<!tpu.dma_semaphore, #tpu.memory_space<semaphore_mem>>)
      %dma_start3A_103 = arith.constant 2 : i32
      %dma_start3A_104 = arith.constant 64 : i32
      %dma_start3A_105 = arith.constant 0 : i32
      %dma_start3A_106 = tpu.memref_slice %arg9[%dma_start3A_104, %dma_start3A_105] : memref<128x128xf32, #tpu.memory_space<vmem>> -> memref<64x128xf32, #tpu.memory_space<vmem>>
      %dma_start3A_107 = arith.constant 64 : i32
      %dma_start3A_108 = tpu.memref_slice %arg7[%dma_start3A_103, %dma_start3A_107] : memref<8x128xi32, #tpu.memory_space<vmem>> -> memref<1x64xi32, #tpu.memory_space<vmem>>
      %dma_start3A_109 = tpu.memref_squeeze %dma_start3A_108 : memref<1x64xi32, #tpu.memory_space<vmem>> -> memref<64xi32, #tpu.memory_space<vmem>>
      %dma_start3A_110 = arith.constant 0 : i32
      %dma_start3A_111 = arith.constant 0 : i32
      %dma_start3A_112 = tpu.memref_slice %arg2[%dma_start3A_110, %dma_start3A_111] : memref<10000x128xf32, #tpu.memory_space<hbm>> -> memref<10000x128xf32, #tpu.memory_space<hbm>>
      tpu.enqueue_indirect_dma source(%dma_start3A_112 : memref<10000x128xf32, #tpu.memory_space<hbm>>) target(%dma_start3A_106 : memref<64x128xf32, #tpu.memory_space<vmem>>) offsets(%dma_start3A_109 : memref<64xi32, #tpu.memory_space<vmem>>) semaphore(%arg15 : memref<!tpu.dma_semaphore, #tpu.memory_space<semaphore_mem>>)
      %dma_wait3A_113 = arith.constant 0 : i32
      %dma_wait3A_114 = arith.constant 0 : i32
      %dma_wait3A_115 = tpu.memref_slice %arg10[%dma_wait3A_113, %dma_wait3A_114] : memref<128x128xf32, #tpu.memory_space<vmem>> -> memref<64x128xf32, #tpu.memory_space<vmem>>
      %dma_wait3A_116 = arith.constant 0 : i32
      %dma_wait3A_117 = arith.constant 0 : i32
      %dma_wait3A_118 = tpu.memref_slice %arg2[%dma_wait3A_116, %dma_wait3A_117] : memref<10000x128xf32, #tpu.memory_space<hbm>> -> memref<64x128xf32, #tpu.memory_space<hbm>>
      %dma_wait3A_119 = arith.constant 0 : i32
      %dma_wait3A_120 = arith.constant 0 : i32
      %dma_wait3A_121 = tpu.memref_slice %arg10[%dma_wait3A_119, %dma_wait3A_120] : memref<128x128xf32, #tpu.memory_space<vmem>> -> memref<64x128xf32, #tpu.memory_space<vmem>>
      %dma_wait3A_122 = arith.constant 0 : i32
      %dma_wait3A_123 = arith.constant 0 : i32
      %dma_wait3A_124 = tpu.memref_slice %arg2[%dma_wait3A_122, %dma_wait3A_123] : memref<10000x128xf32, #tpu.memory_space<hbm>> -> memref<64x128xf32, #tpu.memory_space<hbm>>
      tpu.wait_dma2 semaphore(%arg16 : memref<!tpu.dma_semaphore, #tpu.memory_space<semaphore_mem>>) src(%dma_wait3A_124 : memref<64x128xf32, #tpu.memory_space<hbm>>) dst(%dma_wait3A_121 : memref<64x128xf32, #tpu.memory_space<vmem>>)
      %dma_wait3A_125 = arith.constant 64 : i32
      %dma_wait3A_126 = arith.constant 0 : i32
      %dma_wait3A_127 = tpu.memref_slice %arg10[%dma_wait3A_125, %dma_wait3A_126] : memref<128x128xf32, #tpu.memory_space<vmem>> -> memref<64x128xf32, #tpu.memory_space<vmem>>
      %dma_wait3A_128 = arith.constant 0 : i32
      %dma_wait3A_129 = arith.constant 0 : i32
      %dma_wait3A_130 = tpu.memref_slice %arg2[%dma_wait3A_128, %dma_wait3A_129] : memref<10000x128xf32, #tpu.memory_space<hbm>> -> memref<64x128xf32, #tpu.memory_space<hbm>>
      %dma_wait3A_131 = arith.constant 64 : i32
      %dma_wait3A_132 = arith.constant 0 : i32
      %dma_wait3A_133 = tpu.memref_slice %arg10[%dma_wait3A_131, %dma_wait3A_132] : memref<128x128xf32, #tpu.memory_space<vmem>> -> memref<64x128xf32, #tpu.memory_space<vmem>>
      %dma_wait3A_134 = arith.constant 0 : i32
      %dma_wait3A_135 = arith.constant 0 : i32
      %dma_wait3A_136 = tpu.memref_slice %arg2[%dma_wait3A_134, %dma_wait3A_135] : memref<10000x128xf32, #tpu.memory_space<hbm>> -> memref<64x128xf32, #tpu.memory_space<hbm>>
      tpu.wait_dma2 semaphore(%arg17 : memref<!tpu.dma_semaphore, #tpu.memory_space<semaphore_mem>>) src(%dma_wait3A_136 : memref<64x128xf32, #tpu.memory_space<hbm>>) dst(%dma_wait3A_133 : memref<64x128xf32, #tpu.memory_space<vmem>>)
      %run_scoped3A_137 = arith.constant 1 : i32
      "tpu.region"() ({
        %run_scoped3A_388 = tpu.sem_alloc : memref<!tpu.dma_semaphore, #tpu.memory_space<semaphore_mem>>
        %dma_start3A_389 = arith.constant 0 : i32
        %dma_start3A_390 = tpu.memref_slice %arg8[%run_scoped3A_137, %dma_start3A_389] : memref<8x128xi32, #tpu.memory_space<vmem>> -> memref<1x128xi32, #tpu.memory_space<vmem>>
        %dma_start3A_391 = tpu.memref_squeeze %dma_start3A_390 : memref<1x128xi32, #tpu.memory_space<vmem>> -> memref<128xi32, #tpu.memory_space<vmem>>
        %dma_start3A_392 = arith.constant 0 : i32
        %dma_start3A_393 = arith.constant 0 : i32
        %dma_start3A_394 = tpu.memref_slice %arg11[%dma_start3A_392, %dma_start3A_393] : memref<10240x128xf32, #tpu.memory_space<vmem_shared>> -> memref<10240x128xf32, #tpu.memory_space<vmem_shared>>
        tpu.enqueue_indirect_dma source(%arg10 : memref<128x128xf32, #tpu.memory_space<vmem>>) target(%dma_start3A_394 : memref<10240x128xf32, #tpu.memory_space<vmem_shared>>) offsets(%dma_start3A_391 : memref<128xi32, #tpu.memory_space<vmem>>) semaphore(%run_scoped3A_388 : memref<!tpu.dma_semaphore, #tpu.memory_space<semaphore_mem>>) {add = true}
        %dma_wait3A_395 = arith.constant 0 : i32
        %dma_wait3A_396 = tpu.memref_slice %arg8[%run_scoped3A_137, %dma_wait3A_395] : memref<8x128xi32, #tpu.memory_space<vmem>> -> memref<1x128xi32, #tpu.memory_space<vmem>>
        %dma_wait3A_397 = tpu.memref_squeeze %dma_wait3A_396 : memref<1x128xi32, #tpu.memory_space<vmem>> -> memref<128xi32, #tpu.memory_space<vmem>>
        %dma_wait3A_398 = arith.constant 0 : i32
        %dma_wait3A_399 = arith.constant 0 : i32
        %dma_wait3A_400 = tpu.memref_slice %arg11[%dma_wait3A_398, %dma_wait3A_399] : memref<10240x128xf32, #tpu.memory_space<vmem_shared>> -> memref<10240x128xf32, #tpu.memory_space<vmem_shared>>
        tpu.wait_indirect_dma semaphore(%run_scoped3A_388 : memref<!tpu.dma_semaphore, #tpu.memory_space<semaphore_mem>>) src(%arg10 : memref<128x128xf32, #tpu.memory_space<vmem>>) dst(%dma_wait3A_400 : memref<10240x128xf32, #tpu.memory_space<vmem_shared>>)
        tpu.yield
      }) : () -> ()
      %dma_start3A_138 = arith.constant 3 : i32
      %dma_start3A_139 = arith.constant 0 : i32
      %dma_start3A_140 = arith.constant 0 : i32
      %dma_start3A_141 = tpu.memref_slice %arg10[%dma_start3A_139, %dma_start3A_140] : memref<128x128xf32, #tpu.memory_space<vmem>> -> memref<64x128xf32, #tpu.memory_space<vmem>>
      %dma_start3A_142 = arith.constant 0 : i32
      %dma_start3A_143 = tpu.memref_slice %arg7[%dma_start3A_138, %dma_start3A_142] : memref<8x128xi32, #tpu.memory_space<vmem>> -> memref<1x64xi32, #tpu.memory_space<vmem>>
      %dma_start3A_144 = tpu.memref_squeeze %dma_start3A_143 : memref<1x64xi32, #tpu.memory_space<vmem>> -> memref<64xi32, #tpu.memory_space<vmem>>
      %dma_start3A_145 = arith.constant 0 : i32
      %dma_start3A_146 = arith.constant 0 : i32
      %dma_start3A_147 = tpu.memref_slice %arg2[%dma_start3A_145, %dma_start3A_146] : memref<10000x128xf32, #tpu.memory_space<hbm>> -> memref<10000x128xf32, #tpu.memory_space<hbm>>
      tpu.enqueue_indirect_dma source(%dma_start3A_147 : memref<10000x128xf32, #tpu.memory_space<hbm>>) target(%dma_start3A_141 : memref<64x128xf32, #tpu.memory_space<vmem>>) offsets(%dma_start3A_144 : memref<64xi32, #tpu.memory_space<vmem>>) semaphore(%arg16 : memref<!tpu.dma_semaphore, #tpu.memory_space<semaphore_mem>>)
      %dma_start3A_148 = arith.constant 3 : i32
      %dma_start3A_149 = arith.constant 64 : i32
      %dma_start3A_150 = arith.constant 0 : i32
      %dma_start3A_151 = tpu.memref_slice %arg10[%dma_start3A_149, %dma_start3A_150] : memref<128x128xf32, #tpu.memory_space<vmem>> -> memref<64x128xf32, #tpu.memory_space<vmem>>
      %dma_start3A_152 = arith.constant 64 : i32
      %dma_start3A_153 = tpu.memref_slice %arg7[%dma_start3A_148, %dma_start3A_152] : memref<8x128xi32, #tpu.memory_space<vmem>> -> memref<1x64xi32, #tpu.memory_space<vmem>>
      %dma_start3A_154 = tpu.memref_squeeze %dma_start3A_153 : memref<1x64xi32, #tpu.memory_space<vmem>> -> memref<64xi32, #tpu.memory_space<vmem>>
      %dma_start3A_155 = arith.constant 0 : i32
      %dma_start3A_156 = arith.constant 0 : i32
      %dma_start3A_157 = tpu.memref_slice %arg2[%dma_start3A_155, %dma_start3A_156] : memref<10000x128xf32, #tpu.memory_space<hbm>> -> memref<10000x128xf32, #tpu.memory_space<hbm>>
      tpu.enqueue_indirect_dma source(%dma_start3A_157 : memref<10000x128xf32, #tpu.memory_space<hbm>>) target(%dma_start3A_151 : memref<64x128xf32, #tpu.memory_space<vmem>>) offsets(%dma_start3A_154 : memref<64xi32, #tpu.memory_space<vmem>>) semaphore(%arg17 : memref<!tpu.dma_semaphore, #tpu.memory_space<semaphore_mem>>)
      %dma_wait3A_158 = arith.constant 0 : i32
      %dma_wait3A_159 = arith.constant 0 : i32
      %dma_wait3A_160 = tpu.memref_slice %arg9[%dma_wait3A_158, %dma_wait3A_159] : memref<128x128xf32, #tpu.memory_space<vmem>> -> memref<64x128xf32, #tpu.memory_space<vmem>>
      %dma_wait3A_161 = arith.constant 0 : i32
      %dma_wait3A_162 = arith.constant 0 : i32
      %dma_wait3A_163 = tpu.memref_slice %arg2[%dma_wait3A_161, %dma_wait3A_162] : memref<10000x128xf32, #tpu.memory_space<hbm>> -> memref<64x128xf32, #tpu.memory_space<hbm>>
      %dma_wait3A_164 = arith.constant 0 : i32
      %dma_wait3A_165 = arith.constant 0 : i32
      %dma_wait3A_166 = tpu.memref_slice %arg9[%dma_wait3A_164, %dma_wait3A_165] : memref<128x128xf32, #tpu.memory_space<vmem>> -> memref<64x128xf32, #tpu.memory_space<vmem>>
      %dma_wait3A_167 = arith.constant 0 : i32
      %dma_wait3A_168 = arith.constant 0 : i32
      %dma_wait3A_169 = tpu.memref_slice %arg2[%dma_wait3A_167, %dma_wait3A_168] : memref<10000x128xf32, #tpu.memory_space<hbm>> -> memref<64x128xf32, #tpu.memory_space<hbm>>
      tpu.wait_dma2 semaphore(%arg14 : memref<!tpu.dma_semaphore, #tpu.memory_space<semaphore_mem>>) src(%dma_wait3A_169 : memref<64x128xf32, #tpu.memory_space<hbm>>) dst(%dma_wait3A_166 : memref<64x128xf32, #tpu.memory_space<vmem>>)
      %dma_wait3A_170 = arith.constant 64 : i32
      %dma_wait3A_171 = arith.constant 0 : i32
      %dma_wait3A_172 = tpu.memref_slice %arg9[%dma_wait3A_170, %dma_wait3A_171] : memref<128x128xf32, #tpu.memory_space<vmem>> -> memref<64x128xf32, #tpu.memory_space<vmem>>
      %dma_wait3A_173 = arith.constant 0 : i32
      %dma_wait3A_174 = arith.constant 0 : i32
      %dma_wait3A_175 = tpu.memref_slice %arg2[%dma_wait3A_173, %dma_wait3A_174] : memref<10000x128xf32, #tpu.memory_space<hbm>> -> memref<64x128xf32, #tpu.memory_space<hbm>>
      %dma_wait3A_176 = arith.constant 64 : i32
      %dma_wait3A_177 = arith.constant 0 : i32
      %dma_wait3A_178 = tpu.memref_slice %arg9[%dma_wait3A_176, %dma_wait3A_177] : memref<128x128xf32, #tpu.memory_space<vmem>> -> memref<64x128xf32, #tpu.memory_space<vmem>>
      %dma_wait3A_179 = arith.constant 0 : i32
      %dma_wait3A_180 = arith.constant 0 : i32
      %dma_wait3A_181 = tpu.memref_slice %arg2[%dma_wait3A_179, %dma_wait3A_180] : memref<10000x128xf32, #tpu.memory_space<hbm>> -> memref<64x128xf32, #tpu.memory_space<hbm>>
      tpu.wait_dma2 semaphore(%arg15 : memref<!tpu.dma_semaphore, #tpu.memory_space<semaphore_mem>>) src(%dma_wait3A_181 : memref<64x128xf32, #tpu.memory_space<hbm>>) dst(%dma_wait3A_178 : memref<64x128xf32, #tpu.memory_space<vmem>>)
      %run_scoped3A_182 = arith.constant 2 : i32
      "tpu.region"() ({
        %run_scoped3A_388 = tpu.sem_alloc : memref<!tpu.dma_semaphore, #tpu.memory_space<semaphore_mem>>
        %dma_start3A_389 = arith.constant 0 : i32
        %dma_start3A_390 = tpu.memref_slice %arg8[%run_scoped3A_182, %dma_start3A_389] : memref<8x128xi32, #tpu.memory_space<vmem>> -> memref<1x128xi32, #tpu.memory_space<vmem>>
        %dma_start3A_391 = tpu.memref_squeeze %dma_start3A_390 : memref<1x128xi32, #tpu.memory_space<vmem>> -> memref<128xi32, #tpu.memory_space<vmem>>
        %dma_start3A_392 = arith.constant 0 : i32
        %dma_start3A_393 = arith.constant 0 : i32
        %dma_start3A_394 = tpu.memref_slice %arg11[%dma_start3A_392, %dma_start3A_393] : memref<10240x128xf32, #tpu.memory_space<vmem_shared>> -> memref<10240x128xf32, #tpu.memory_space<vmem_shared>>
        tpu.enqueue_indirect_dma source(%arg9 : memref<128x128xf32, #tpu.memory_space<vmem>>) target(%dma_start3A_394 : memref<10240x128xf32, #tpu.memory_space<vmem_shared>>) offsets(%dma_start3A_391 : memref<128xi32, #tpu.memory_space<vmem>>) semaphore(%run_scoped3A_388 : memref<!tpu.dma_semaphore, #tpu.memory_space<semaphore_mem>>) {add = true}
        %dma_wait3A_395 = arith.constant 0 : i32
        %dma_wait3A_396 = tpu.memref_slice %arg8[%run_scoped3A_182, %dma_wait3A_395] : memref<8x128xi32, #tpu.memory_space<vmem>> -> memref<1x128xi32, #tpu.memory_space<vmem>>
        %dma_wait3A_397 = tpu.memref_squeeze %dma_wait3A_396 : memref<1x128xi32, #tpu.memory_space<vmem>> -> memref<128xi32, #tpu.memory_space<vmem>>
        %dma_wait3A_398 = arith.constant 0 : i32
        %dma_wait3A_399 = arith.constant 0 : i32
        %dma_wait3A_400 = tpu.memref_slice %arg11[%dma_wait3A_398, %dma_wait3A_399] : memref<10240x128xf32, #tpu.memory_space<vmem_shared>> -> memref<10240x128xf32, #tpu.memory_space<vmem_shared>>
        tpu.wait_indirect_dma semaphore(%run_scoped3A_388 : memref<!tpu.dma_semaphore, #tpu.memory_space<semaphore_mem>>) src(%arg9 : memref<128x128xf32, #tpu.memory_space<vmem>>) dst(%dma_wait3A_400 : memref<10240x128xf32, #tpu.memory_space<vmem_shared>>)
        tpu.yield
      }) : () -> ()
      %dma_start3A_183 = arith.constant 4 : i32
      %dma_start3A_184 = arith.constant 0 : i32
      %dma_start3A_185 = arith.constant 0 : i32
      %dma_start3A_186 = tpu.memref_slice %arg9[%dma_start3A_184, %dma_start3A_185] : memref<128x128xf32, #tpu.memory_space<vmem>> -> memref<64x128xf32, #tpu.memory_space<vmem>>
      %dma_start3A_187 = arith.constant 0 : i32
      %dma_start3A_188 = tpu.memref_slice %arg7[%dma_start3A_183, %dma_start3A_187] : memref<8x128xi32, #tpu.memory_space<vmem>> -> memref<1x64xi32, #tpu.memory_space<vmem>>
      %dma_start3A_189 = tpu.memref_squeeze %dma_start3A_188 : memref<1x64xi32, #tpu.memory_space<vmem>> -> memref<64xi32, #tpu.memory_space<vmem>>
      %dma_start3A_190 = arith.constant 0 : i32
      %dma_start3A_191 = arith.constant 0 : i32
      %dma_start3A_192 = tpu.memref_slice %arg2[%dma_start3A_190, %dma_start3A_191] : memref<10000x128xf32, #tpu.memory_space<hbm>> -> memref<10000x128xf32, #tpu.memory_space<hbm>>
      tpu.enqueue_indirect_dma source(%dma_start3A_192 : memref<10000x128xf32, #tpu.memory_space<hbm>>) target(%dma_start3A_186 : memref<64x128xf32, #tpu.memory_space<vmem>>) offsets(%dma_start3A_189 : memref<64xi32, #tpu.memory_space<vmem>>) semaphore(%arg14 : memref<!tpu.dma_semaphore, #tpu.memory_space<semaphore_mem>>)
      %dma_start3A_193 = arith.constant 4 : i32
      %dma_start3A_194 = arith.constant 64 : i32
      %dma_start3A_195 = arith.constant 0 : i32
      %dma_start3A_196 = tpu.memref_slice %arg9[%dma_start3A_194, %dma_start3A_195] : memref<128x128xf32, #tpu.memory_space<vmem>> -> memref<64x128xf32, #tpu.memory_space<vmem>>
      %dma_start3A_197 = arith.constant 64 : i32
      %dma_start3A_198 = tpu.memref_slice %arg7[%dma_start3A_193, %dma_start3A_197] : memref<8x128xi32, #tpu.memory_space<vmem>> -> memref<1x64xi32, #tpu.memory_space<vmem>>
      %dma_start3A_199 = tpu.memref_squeeze %dma_start3A_198 : memref<1x64xi32, #tpu.memory_space<vmem>> -> memref<64xi32, #tpu.memory_space<vmem>>
      %dma_start3A_200 = arith.constant 0 : i32
      %dma_start3A_201 = arith.constant 0 : i32
      %dma_start3A_202 = tpu.memref_slice %arg2[%dma_start3A_200, %dma_start3A_201] : memref<10000x128xf32, #tpu.memory_space<hbm>> -> memref<10000x128xf32, #tpu.memory_space<hbm>>
      tpu.enqueue_indirect_dma source(%dma_start3A_202 : memref<10000x128xf32, #tpu.memory_space<hbm>>) target(%dma_start3A_196 : memref<64x128xf32, #tpu.memory_space<vmem>>) offsets(%dma_start3A_199 : memref<64xi32, #tpu.memory_space<vmem>>) semaphore(%arg15 : memref<!tpu.dma_semaphore, #tpu.memory_space<semaphore_mem>>)
      %dma_wait3A_203 = arith.constant 0 : i32
      %dma_wait3A_204 = arith.constant 0 : i32
      %dma_wait3A_205 = tpu.memref_slice %arg10[%dma_wait3A_203, %dma_wait3A_204] : memref<128x128xf32, #tpu.memory_space<vmem>> -> memref<64x128xf32, #tpu.memory_space<vmem>>
      %dma_wait3A_206 = arith.constant 0 : i32
      %dma_wait3A_207 = arith.constant 0 : i32
      %dma_wait3A_208 = tpu.memref_slice %arg2[%dma_wait3A_206, %dma_wait3A_207] : memref<10000x128xf32, #tpu.memory_space<hbm>> -> memref<64x128xf32, #tpu.memory_space<hbm>>
      %dma_wait3A_209 = arith.constant 0 : i32
      %dma_wait3A_210 = arith.constant 0 : i32
      %dma_wait3A_211 = tpu.memref_slice %arg10[%dma_wait3A_209, %dma_wait3A_210] : memref<128x128xf32, #tpu.memory_space<vmem>> -> memref<64x128xf32, #tpu.memory_space<vmem>>
      %dma_wait3A_212 = arith.constant 0 : i32
      %dma_wait3A_213 = arith.constant 0 : i32
      %dma_wait3A_214 = tpu.memref_slice %arg2[%dma_wait3A_212, %dma_wait3A_213] : memref<10000x128xf32, #tpu.memory_space<hbm>> -> memref<64x128xf32, #tpu.memory_space<hbm>>
      tpu.wait_dma2 semaphore(%arg16 : memref<!tpu.dma_semaphore, #tpu.memory_space<semaphore_mem>>) src(%dma_wait3A_214 : memref<64x128xf32, #tpu.memory_space<hbm>>) dst(%dma_wait3A_211 : memref<64x128xf32, #tpu.memory_space<vmem>>)
      %dma_wait3A_215 = arith.constant 64 : i32
      %dma_wait3A_216 = arith.constant 0 : i32
      %dma_wait3A_217 = tpu.memref_slice %arg10[%dma_wait3A_215, %dma_wait3A_216] : memref<128x128xf32, #tpu.memory_space<vmem>> -> memref<64x128xf32, #tpu.memory_space<vmem>>
      %dma_wait3A_218 = arith.constant 0 : i32
      %dma_wait3A_219 = arith.constant 0 : i32
      %dma_wait3A_220 = tpu.memref_slice %arg2[%dma_wait3A_218, %dma_wait3A_219] : memref<10000x128xf32, #tpu.memory_space<hbm>> -> memref<64x128xf32, #tpu.memory_space<hbm>>
      %dma_wait3A_221 = arith.constant 64 : i32
      %dma_wait3A_222 = arith.constant 0 : i32
      %dma_wait3A_223 = tpu.memref_slice %arg10[%dma_wait3A_221, %dma_wait3A_222] : memref<128x128xf32, #tpu.memory_space<vmem>> -> memref<64x128xf32, #tpu.memory_space<vmem>>
      %dma_wait3A_224 = arith.constant 0 : i32
      %dma_wait3A_225 = arith.constant 0 : i32
      %dma_wait3A_226 = tpu.memref_slice %arg2[%dma_wait3A_224, %dma_wait3A_225] : memref<10000x128xf32, #tpu.memory_space<hbm>> -> memref<64x128xf32, #tpu.memory_space<hbm>>
      tpu.wait_dma2 semaphore(%arg17 : memref<!tpu.dma_semaphore, #tpu.memory_space<semaphore_mem>>) src(%dma_wait3A_226 : memref<64x128xf32, #tpu.memory_space<hbm>>) dst(%dma_wait3A_223 : memref<64x128xf32, #tpu.memory_space<vmem>>)
      %run_scoped3A_227 = arith.constant 3 : i32
      "tpu.region"() ({
        %run_scoped3A_388 = tpu.sem_alloc : memref<!tpu.dma_semaphore, #tpu.memory_space<semaphore_mem>>
        %dma_start3A_389 = arith.constant 0 : i32
        %dma_start3A_390 = tpu.memref_slice %arg8[%run_scoped3A_227, %dma_start3A_389] : memref<8x128xi32, #tpu.memory_space<vmem>> -> memref<1x128xi32, #tpu.memory_space<vmem>>
        %dma_start3A_391 = tpu.memref_squeeze %dma_start3A_390 : memref<1x128xi32, #tpu.memory_space<vmem>> -> memref<128xi32, #tpu.memory_space<vmem>>
        %dma_start3A_392 = arith.constant 0 : i32
        %dma_start3A_393 = arith.constant 0 : i32
        %dma_start3A_394 = tpu.memref_slice %arg11[%dma_start3A_392, %dma_start3A_393] : memref<10240x128xf32, #tpu.memory_space<vmem_shared>> -> memref<10240x128xf32, #tpu.memory_space<vmem_shared>>
        tpu.enqueue_indirect_dma source(%arg10 : memref<128x128xf32, #tpu.memory_space<vmem>>) target(%dma_start3A_394 : memref<10240x128xf32, #tpu.memory_space<vmem_shared>>) offsets(%dma_start3A_391 : memref<128xi32, #tpu.memory_space<vmem>>) semaphore(%run_scoped3A_388 : memref<!tpu.dma_semaphore, #tpu.memory_space<semaphore_mem>>) {add = true}
        %dma_wait3A_395 = arith.constant 0 : i32
        %dma_wait3A_396 = tpu.memref_slice %arg8[%run_scoped3A_227, %dma_wait3A_395] : memref<8x128xi32, #tpu.memory_space<vmem>> -> memref<1x128xi32, #tpu.memory_space<vmem>>
        %dma_wait3A_397 = tpu.memref_squeeze %dma_wait3A_396 : memref<1x128xi32, #tpu.memory_space<vmem>> -> memref<128xi32, #tpu.memory_space<vmem>>
        %dma_wait3A_398 = arith.constant 0 : i32
        %dma_wait3A_399 = arith.constant 0 : i32
        %dma_wait3A_400 = tpu.memref_slice %arg11[%dma_wait3A_398, %dma_wait3A_399] : memref<10240x128xf32, #tpu.memory_space<vmem_shared>> -> memref<10240x128xf32, #tpu.memory_space<vmem_shared>>
        tpu.wait_indirect_dma semaphore(%run_scoped3A_388 : memref<!tpu.dma_semaphore, #tpu.memory_space<semaphore_mem>>) src(%arg10 : memref<128x128xf32, #tpu.memory_space<vmem>>) dst(%dma_wait3A_400 : memref<10240x128xf32, #tpu.memory_space<vmem_shared>>)
        tpu.yield
      }) : () -> ()
      %dma_start3A_228 = arith.constant 5 : i32
      %dma_start3A_229 = arith.constant 0 : i32
      %dma_start3A_230 = arith.constant 0 : i32
      %dma_start3A_231 = tpu.memref_slice %arg10[%dma_start3A_229, %dma_start3A_230] : memref<128x128xf32, #tpu.memory_space<vmem>> -> memref<64x128xf32, #tpu.memory_space<vmem>>
      %dma_start3A_232 = arith.constant 0 : i32
      %dma_start3A_233 = tpu.memref_slice %arg7[%dma_start3A_228, %dma_start3A_232] : memref<8x128xi32, #tpu.memory_space<vmem>> -> memref<1x64xi32, #tpu.memory_space<vmem>>
      %dma_start3A_234 = tpu.memref_squeeze %dma_start3A_233 : memref<1x64xi32, #tpu.memory_space<vmem>> -> memref<64xi32, #tpu.memory_space<vmem>>
      %dma_start3A_235 = arith.constant 0 : i32
      %dma_start3A_236 = arith.constant 0 : i32
      %dma_start3A_237 = tpu.memref_slice %arg2[%dma_start3A_235, %dma_start3A_236] : memref<10000x128xf32, #tpu.memory_space<hbm>> -> memref<10000x128xf32, #tpu.memory_space<hbm>>
      tpu.enqueue_indirect_dma source(%dma_start3A_237 : memref<10000x128xf32, #tpu.memory_space<hbm>>) target(%dma_start3A_231 : memref<64x128xf32, #tpu.memory_space<vmem>>) offsets(%dma_start3A_234 : memref<64xi32, #tpu.memory_space<vmem>>) semaphore(%arg16 : memref<!tpu.dma_semaphore, #tpu.memory_space<semaphore_mem>>)
      %dma_start3A_238 = arith.constant 5 : i32
      %dma_start3A_239 = arith.constant 64 : i32
      %dma_start3A_240 = arith.constant 0 : i32
      %dma_start3A_241 = tpu.memref_slice %arg10[%dma_start3A_239, %dma_start3A_240] : memref<128x128xf32, #tpu.memory_space<vmem>> -> memref<64x128xf32, #tpu.memory_space<vmem>>
      %dma_start3A_242 = arith.constant 64 : i32
      %dma_start3A_243 = tpu.memref_slice %arg7[%dma_start3A_238, %dma_start3A_242] : memref<8x128xi32, #tpu.memory_space<vmem>> -> memref<1x64xi32, #tpu.memory_space<vmem>>
      %dma_start3A_244 = tpu.memref_squeeze %dma_start3A_243 : memref<1x64xi32, #tpu.memory_space<vmem>> -> memref<64xi32, #tpu.memory_space<vmem>>
      %dma_start3A_245 = arith.constant 0 : i32
      %dma_start3A_246 = arith.constant 0 : i32
      %dma_start3A_247 = tpu.memref_slice %arg2[%dma_start3A_245, %dma_start3A_246] : memref<10000x128xf32, #tpu.memory_space<hbm>> -> memref<10000x128xf32, #tpu.memory_space<hbm>>
      tpu.enqueue_indirect_dma source(%dma_start3A_247 : memref<10000x128xf32, #tpu.memory_space<hbm>>) target(%dma_start3A_241 : memref<64x128xf32, #tpu.memory_space<vmem>>) offsets(%dma_start3A_244 : memref<64xi32, #tpu.memory_space<vmem>>) semaphore(%arg17 : memref<!tpu.dma_semaphore, #tpu.memory_space<semaphore_mem>>)
      %dma_wait3A_248 = arith.constant 0 : i32
      %dma_wait3A_249 = arith.constant 0 : i32
      %dma_wait3A_250 = tpu.memref_slice %arg9[%dma_wait3A_248, %dma_wait3A_249] : memref<128x128xf32, #tpu.memory_space<vmem>> -> memref<64x128xf32, #tpu.memory_space<vmem>>
      %dma_wait3A_251 = arith.constant 0 : i32
      %dma_wait3A_252 = arith.constant 0 : i32
      %dma_wait3A_253 = tpu.memref_slice %arg2[%dma_wait3A_251, %dma_wait3A_252] : memref<10000x128xf32, #tpu.memory_space<hbm>> -> memref<64x128xf32, #tpu.memory_space<hbm>>
      %dma_wait3A_254 = arith.constant 0 : i32
      %dma_wait3A_255 = arith.constant 0 : i32
      %dma_wait3A_256 = tpu.memref_slice %arg9[%dma_wait3A_254, %dma_wait3A_255] : memref<128x128xf32, #tpu.memory_space<vmem>> -> memref<64x128xf32, #tpu.memory_space<vmem>>
      %dma_wait3A_257 = arith.constant 0 : i32
      %dma_wait3A_258 = arith.constant 0 : i32
      %dma_wait3A_259 = tpu.memref_slice %arg2[%dma_wait3A_257, %dma_wait3A_258] : memref<10000x128xf32, #tpu.memory_space<hbm>> -> memref<64x128xf32, #tpu.memory_space<hbm>>
      tpu.wait_dma2 semaphore(%arg14 : memref<!tpu.dma_semaphore, #tpu.memory_space<semaphore_mem>>) src(%dma_wait3A_259 : memref<64x128xf32, #tpu.memory_space<hbm>>) dst(%dma_wait3A_256 : memref<64x128xf32, #tpu.memory_space<vmem>>)
      %dma_wait3A_260 = arith.constant 64 : i32
      %dma_wait3A_261 = arith.constant 0 : i32
      %dma_wait3A_262 = tpu.memref_slice %arg9[%dma_wait3A_260, %dma_wait3A_261] : memref<128x128xf32, #tpu.memory_space<vmem>> -> memref<64x128xf32, #tpu.memory_space<vmem>>
      %dma_wait3A_263 = arith.constant 0 : i32
      %dma_wait3A_264 = arith.constant 0 : i32
      %dma_wait3A_265 = tpu.memref_slice %arg2[%dma_wait3A_263, %dma_wait3A_264] : memref<10000x128xf32, #tpu.memory_space<hbm>> -> memref<64x128xf32, #tpu.memory_space<hbm>>
      %dma_wait3A_266 = arith.constant 64 : i32
      %dma_wait3A_267 = arith.constant 0 : i32
      %dma_wait3A_268 = tpu.memref_slice %arg9[%dma_wait3A_266, %dma_wait3A_267] : memref<128x128xf32, #tpu.memory_space<vmem>> -> memref<64x128xf32, #tpu.memory_space<vmem>>
      %dma_wait3A_269 = arith.constant 0 : i32
      %dma_wait3A_270 = arith.constant 0 : i32
      %dma_wait3A_271 = tpu.memref_slice %arg2[%dma_wait3A_269, %dma_wait3A_270] : memref<10000x128xf32, #tpu.memory_space<hbm>> -> memref<64x128xf32, #tpu.memory_space<hbm>>
      tpu.wait_dma2 semaphore(%arg15 : memref<!tpu.dma_semaphore, #tpu.memory_space<semaphore_mem>>) src(%dma_wait3A_271 : memref<64x128xf32, #tpu.memory_space<hbm>>) dst(%dma_wait3A_268 : memref<64x128xf32, #tpu.memory_space<vmem>>)
      %run_scoped3A_272 = arith.constant 4 : i32
      "tpu.region"() ({
        %run_scoped3A_388 = tpu.sem_alloc : memref<!tpu.dma_semaphore, #tpu.memory_space<semaphore_mem>>
        %dma_start3A_389 = arith.constant 0 : i32
        %dma_start3A_390 = tpu.memref_slice %arg8[%run_scoped3A_272, %dma_start3A_389] : memref<8x128xi32, #tpu.memory_space<vmem>> -> memref<1x128xi32, #tpu.memory_space<vmem>>
        %dma_start3A_391 = tpu.memref_squeeze %dma_start3A_390 : memref<1x128xi32, #tpu.memory_space<vmem>> -> memref<128xi32, #tpu.memory_space<vmem>>
        %dma_start3A_392 = arith.constant 0 : i32
        %dma_start3A_393 = arith.constant 0 : i32
        %dma_start3A_394 = tpu.memref_slice %arg11[%dma_start3A_392, %dma_start3A_393] : memref<10240x128xf32, #tpu.memory_space<vmem_shared>> -> memref<10240x128xf32, #tpu.memory_space<vmem_shared>>
        tpu.enqueue_indirect_dma source(%arg9 : memref<128x128xf32, #tpu.memory_space<vmem>>) target(%dma_start3A_394 : memref<10240x128xf32, #tpu.memory_space<vmem_shared>>) offsets(%dma_start3A_391 : memref<128xi32, #tpu.memory_space<vmem>>) semaphore(%run_scoped3A_388 : memref<!tpu.dma_semaphore, #tpu.memory_space<semaphore_mem>>) {add = true}
        %dma_wait3A_395 = arith.constant 0 : i32
        %dma_wait3A_396 = tpu.memref_slice %arg8[%run_scoped3A_272, %dma_wait3A_395] : memref<8x128xi32, #tpu.memory_space<vmem>> -> memref<1x128xi32, #tpu.memory_space<vmem>>
        %dma_wait3A_397 = tpu.memref_squeeze %dma_wait3A_396 : memref<1x128xi32, #tpu.memory_space<vmem>> -> memref<128xi32, #tpu.memory_space<vmem>>
        %dma_wait3A_398 = arith.constant 0 : i32
        %dma_wait3A_399 = arith.constant 0 : i32
        %dma_wait3A_400 = tpu.memref_slice %arg11[%dma_wait3A_398, %dma_wait3A_399] : memref<10240x128xf32, #tpu.memory_space<vmem_shared>> -> memref<10240x128xf32, #tpu.memory_space<vmem_shared>>
        tpu.wait_indirect_dma semaphore(%run_scoped3A_388 : memref<!tpu.dma_semaphore, #tpu.memory_space<semaphore_mem>>) src(%arg9 : memref<128x128xf32, #tpu.memory_space<vmem>>) dst(%dma_wait3A_400 : memref<10240x128xf32, #tpu.memory_space<vmem_shared>>)
        tpu.yield
      }) : () -> ()
      %dma_start3A_273 = arith.constant 6 : i32
      %dma_start3A_274 = arith.constant 0 : i32
      %dma_start3A_275 = arith.constant 0 : i32
      %dma_start3A_276 = tpu.memref_slice %arg9[%dma_start3A_274, %dma_start3A_275] : memref<128x128xf32, #tpu.memory_space<vmem>> -> memref<64x128xf32, #tpu.memory_space<vmem>>
      %dma_start3A_277 = arith.constant 0 : i32
      %dma_start3A_278 = tpu.memref_slice %arg7[%dma_start3A_273, %dma_start3A_277] : memref<8x128xi32, #tpu.memory_space<vmem>> -> memref<1x64xi32, #tpu.memory_space<vmem>>
      %dma_start3A_279 = tpu.memref_squeeze %dma_start3A_278 : memref<1x64xi32, #tpu.memory_space<vmem>> -> memref<64xi32, #tpu.memory_space<vmem>>
      %dma_start3A_280 = arith.constant 0 : i32
      %dma_start3A_281 = arith.constant 0 : i32
      %dma_start3A_282 = tpu.memref_slice %arg2[%dma_start3A_280, %dma_start3A_281] : memref<10000x128xf32, #tpu.memory_space<hbm>> -> memref<10000x128xf32, #tpu.memory_space<hbm>>
      tpu.enqueue_indirect_dma source(%dma_start3A_282 : memref<10000x128xf32, #tpu.memory_space<hbm>>) target(%dma_start3A_276 : memref<64x128xf32, #tpu.memory_space<vmem>>) offsets(%dma_start3A_279 : memref<64xi32, #tpu.memory_space<vmem>>) semaphore(%arg14 : memref<!tpu.dma_semaphore, #tpu.memory_space<semaphore_mem>>)
      %dma_start3A_283 = arith.constant 6 : i32
      %dma_start3A_284 = arith.constant 64 : i32
      %dma_start3A_285 = arith.constant 0 : i32
      %dma_start3A_286 = tpu.memref_slice %arg9[%dma_start3A_284, %dma_start3A_285] : memref<128x128xf32, #tpu.memory_space<vmem>> -> memref<64x128xf32, #tpu.memory_space<vmem>>
      %dma_start3A_287 = arith.constant 64 : i32
      %dma_start3A_288 = tpu.memref_slice %arg7[%dma_start3A_283, %dma_start3A_287] : memref<8x128xi32, #tpu.memory_space<vmem>> -> memref<1x64xi32, #tpu.memory_space<vmem>>
      %dma_start3A_289 = tpu.memref_squeeze %dma_start3A_288 : memref<1x64xi32, #tpu.memory_space<vmem>> -> memref<64xi32, #tpu.memory_space<vmem>>
      %dma_start3A_290 = arith.constant 0 : i32
      %dma_start3A_291 = arith.constant 0 : i32
      %dma_start3A_292 = tpu.memref_slice %arg2[%dma_start3A_290, %dma_start3A_291] : memref<10000x128xf32, #tpu.memory_space<hbm>> -> memref<10000x128xf32, #tpu.memory_space<hbm>>
      tpu.enqueue_indirect_dma source(%dma_start3A_292 : memref<10000x128xf32, #tpu.memory_space<hbm>>) target(%dma_start3A_286 : memref<64x128xf32, #tpu.memory_space<vmem>>) offsets(%dma_start3A_289 : memref<64xi32, #tpu.memory_space<vmem>>) semaphore(%arg15 : memref<!tpu.dma_semaphore, #tpu.memory_space<semaphore_mem>>)
      %dma_wait3A_293 = arith.constant 0 : i32
      %dma_wait3A_294 = arith.constant 0 : i32
      %dma_wait3A_295 = tpu.memref_slice %arg10[%dma_wait3A_293, %dma_wait3A_294] : memref<128x128xf32, #tpu.memory_space<vmem>> -> memref<64x128xf32, #tpu.memory_space<vmem>>
      %dma_wait3A_296 = arith.constant 0 : i32
      %dma_wait3A_297 = arith.constant 0 : i32
      %dma_wait3A_298 = tpu.memref_slice %arg2[%dma_wait3A_296, %dma_wait3A_297] : memref<10000x128xf32, #tpu.memory_space<hbm>> -> memref<64x128xf32, #tpu.memory_space<hbm>>
      %dma_wait3A_299 = arith.constant 0 : i32
      %dma_wait3A_300 = arith.constant 0 : i32
      %dma_wait3A_301 = tpu.memref_slice %arg10[%dma_wait3A_299, %dma_wait3A_300] : memref<128x128xf32, #tpu.memory_space<vmem>> -> memref<64x128xf32, #tpu.memory_space<vmem>>
      %dma_wait3A_302 = arith.constant 0 : i32
      %dma_wait3A_303 = arith.constant 0 : i32
      %dma_wait3A_304 = tpu.memref_slice %arg2[%dma_wait3A_302, %dma_wait3A_303] : memref<10000x128xf32, #tpu.memory_space<hbm>> -> memref<64x128xf32, #tpu.memory_space<hbm>>
      tpu.wait_dma2 semaphore(%arg16 : memref<!tpu.dma_semaphore, #tpu.memory_space<semaphore_mem>>) src(%dma_wait3A_304 : memref<64x128xf32, #tpu.memory_space<hbm>>) dst(%dma_wait3A_301 : memref<64x128xf32, #tpu.memory_space<vmem>>)
      %dma_wait3A_305 = arith.constant 64 : i32
      %dma_wait3A_306 = arith.constant 0 : i32
      %dma_wait3A_307 = tpu.memref_slice %arg10[%dma_wait3A_305, %dma_wait3A_306] : memref<128x128xf32, #tpu.memory_space<vmem>> -> memref<64x128xf32, #tpu.memory_space<vmem>>
      %dma_wait3A_308 = arith.constant 0 : i32
      %dma_wait3A_309 = arith.constant 0 : i32
      %dma_wait3A_310 = tpu.memref_slice %arg2[%dma_wait3A_308, %dma_wait3A_309] : memref<10000x128xf32, #tpu.memory_space<hbm>> -> memref<64x128xf32, #tpu.memory_space<hbm>>
      %dma_wait3A_311 = arith.constant 64 : i32
      %dma_wait3A_312 = arith.constant 0 : i32
      %dma_wait3A_313 = tpu.memref_slice %arg10[%dma_wait3A_311, %dma_wait3A_312] : memref<128x128xf32, #tpu.memory_space<vmem>> -> memref<64x128xf32, #tpu.memory_space<vmem>>
      %dma_wait3A_314 = arith.constant 0 : i32
      %dma_wait3A_315 = arith.constant 0 : i32
      %dma_wait3A_316 = tpu.memref_slice %arg2[%dma_wait3A_314, %dma_wait3A_315] : memref<10000x128xf32, #tpu.memory_space<hbm>> -> memref<64x128xf32, #tpu.memory_space<hbm>>
      tpu.wait_dma2 semaphore(%arg17 : memref<!tpu.dma_semaphore, #tpu.memory_space<semaphore_mem>>) src(%dma_wait3A_316 : memref<64x128xf32, #tpu.memory_space<hbm>>) dst(%dma_wait3A_313 : memref<64x128xf32, #tpu.memory_space<vmem>>)
      %run_scoped3A_317 = arith.constant 5 : i32
      "tpu.region"() ({
        %run_scoped3A_388 = tpu.sem_alloc : memref<!tpu.dma_semaphore, #tpu.memory_space<semaphore_mem>>
        %dma_start3A_389 = arith.constant 0 : i32
        %dma_start3A_390 = tpu.memref_slice %arg8[%run_scoped3A_317, %dma_start3A_389] : memref<8x128xi32, #tpu.memory_space<vmem>> -> memref<1x128xi32, #tpu.memory_space<vmem>>
        %dma_start3A_391 = tpu.memref_squeeze %dma_start3A_390 : memref<1x128xi32, #tpu.memory_space<vmem>> -> memref<128xi32, #tpu.memory_space<vmem>>
        %dma_start3A_392 = arith.constant 0 : i32
        %dma_start3A_393 = arith.constant 0 : i32
        %dma_start3A_394 = tpu.memref_slice %arg11[%dma_start3A_392, %dma_start3A_393] : memref<10240x128xf32, #tpu.memory_space<vmem_shared>> -> memref<10240x128xf32, #tpu.memory_space<vmem_shared>>
        tpu.enqueue_indirect_dma source(%arg10 : memref<128x128xf32, #tpu.memory_space<vmem>>) target(%dma_start3A_394 : memref<10240x128xf32, #tpu.memory_space<vmem_shared>>) offsets(%dma_start3A_391 : memref<128xi32, #tpu.memory_space<vmem>>) semaphore(%run_scoped3A_388 : memref<!tpu.dma_semaphore, #tpu.memory_space<semaphore_mem>>) {add = true}
        %dma_wait3A_395 = arith.constant 0 : i32
        %dma_wait3A_396 = tpu.memref_slice %arg8[%run_scoped3A_317, %dma_wait3A_395] : memref<8x128xi32, #tpu.memory_space<vmem>> -> memref<1x128xi32, #tpu.memory_space<vmem>>
        %dma_wait3A_397 = tpu.memref_squeeze %dma_wait3A_396 : memref<1x128xi32, #tpu.memory_space<vmem>> -> memref<128xi32, #tpu.memory_space<vmem>>
        %dma_wait3A_398 = arith.constant 0 : i32
        %dma_wait3A_399 = arith.constant 0 : i32
        %dma_wait3A_400 = tpu.memref_slice %arg11[%dma_wait3A_398, %dma_wait3A_399] : memref<10240x128xf32, #tpu.memory_space<vmem_shared>> -> memref<10240x128xf32, #tpu.memory_space<vmem_shared>>
        tpu.wait_indirect_dma semaphore(%run_scoped3A_388 : memref<!tpu.dma_semaphore, #tpu.memory_space<semaphore_mem>>) src(%arg10 : memref<128x128xf32, #tpu.memory_space<vmem>>) dst(%dma_wait3A_400 : memref<10240x128xf32, #tpu.memory_space<vmem_shared>>)
        tpu.yield
      }) : () -> ()
      %dma_start3A_318 = arith.constant 7 : i32
      %dma_start3A_319 = arith.constant 0 : i32
      %dma_start3A_320 = arith.constant 0 : i32
      %dma_start3A_321 = tpu.memref_slice %arg10[%dma_start3A_319, %dma_start3A_320] : memref<128x128xf32, #tpu.memory_space<vmem>> -> memref<64x128xf32, #tpu.memory_space<vmem>>
      %dma_start3A_322 = arith.constant 0 : i32
      %dma_start3A_323 = tpu.memref_slice %arg7[%dma_start3A_318, %dma_start3A_322] : memref<8x128xi32, #tpu.memory_space<vmem>> -> memref<1x64xi32, #tpu.memory_space<vmem>>
      %dma_start3A_324 = tpu.memref_squeeze %dma_start3A_323 : memref<1x64xi32, #tpu.memory_space<vmem>> -> memref<64xi32, #tpu.memory_space<vmem>>
      %dma_start3A_325 = arith.constant 0 : i32
      %dma_start3A_326 = arith.constant 0 : i32
      %dma_start3A_327 = tpu.memref_slice %arg2[%dma_start3A_325, %dma_start3A_326] : memref<10000x128xf32, #tpu.memory_space<hbm>> -> memref<10000x128xf32, #tpu.memory_space<hbm>>
      tpu.enqueue_indirect_dma source(%dma_start3A_327 : memref<10000x128xf32, #tpu.memory_space<hbm>>) target(%dma_start3A_321 : memref<64x128xf32, #tpu.memory_space<vmem>>) offsets(%dma_start3A_324 : memref<64xi32, #tpu.memory_space<vmem>>) semaphore(%arg16 : memref<!tpu.dma_semaphore, #tpu.memory_space<semaphore_mem>>)
      %dma_start3A_328 = arith.constant 7 : i32
      %dma_start3A_329 = arith.constant 64 : i32
      %dma_start3A_330 = arith.constant 0 : i32
      %dma_start3A_331 = tpu.memref_slice %arg10[%dma_start3A_329, %dma_start3A_330] : memref<128x128xf32, #tpu.memory_space<vmem>> -> memref<64x128xf32, #tpu.memory_space<vmem>>
      %dma_start3A_332 = arith.constant 64 : i32
      %dma_start3A_333 = tpu.memref_slice %arg7[%dma_start3A_328, %dma_start3A_332] : memref<8x128xi32, #tpu.memory_space<vmem>> -> memref<1x64xi32, #tpu.memory_space<vmem>>
      %dma_start3A_334 = tpu.memref_squeeze %dma_start3A_333 : memref<1x64xi32, #tpu.memory_space<vmem>> -> memref<64xi32, #tpu.memory_space<vmem>>
      %dma_start3A_335 = arith.constant 0 : i32
      %dma_start3A_336 = arith.constant 0 : i32
      %dma_start3A_337 = tpu.memref_slice %arg2[%dma_start3A_335, %dma_start3A_336] : memref<10000x128xf32, #tpu.memory_space<hbm>> -> memref<10000x128xf32, #tpu.memory_space<hbm>>
      tpu.enqueue_indirect_dma source(%dma_start3A_337 : memref<10000x128xf32, #tpu.memory_space<hbm>>) target(%dma_start3A_331 : memref<64x128xf32, #tpu.memory_space<vmem>>) offsets(%dma_start3A_334 : memref<64xi32, #tpu.memory_space<vmem>>) semaphore(%arg17 : memref<!tpu.dma_semaphore, #tpu.memory_space<semaphore_mem>>)
      %dma_wait3A_338 = arith.constant 0 : i32
      %dma_wait3A_339 = arith.constant 0 : i32
      %dma_wait3A_340 = tpu.memref_slice %arg9[%dma_wait3A_338, %dma_wait3A_339] : memref<128x128xf32, #tpu.memory_space<vmem>> -> memref<64x128xf32, #tpu.memory_space<vmem>>
      %dma_wait3A_341 = arith.constant 0 : i32
      %dma_wait3A_342 = arith.constant 0 : i32
      %dma_wait3A_343 = tpu.memref_slice %arg2[%dma_wait3A_341, %dma_wait3A_342] : memref<10000x128xf32, #tpu.memory_space<hbm>> -> memref<64x128xf32, #tpu.memory_space<hbm>>
      %dma_wait3A_344 = arith.constant 0 : i32
      %dma_wait3A_345 = arith.constant 0 : i32
      %dma_wait3A_346 = tpu.memref_slice %arg9[%dma_wait3A_344, %dma_wait3A_345] : memref<128x128xf32, #tpu.memory_space<vmem>> -> memref<64x128xf32, #tpu.memory_space<vmem>>
      %dma_wait3A_347 = arith.constant 0 : i32
      %dma_wait3A_348 = arith.constant 0 : i32
      %dma_wait3A_349 = tpu.memref_slice %arg2[%dma_wait3A_347, %dma_wait3A_348] : memref<10000x128xf32, #tpu.memory_space<hbm>> -> memref<64x128xf32, #tpu.memory_space<hbm>>
      tpu.wait_dma2 semaphore(%arg14 : memref<!tpu.dma_semaphore, #tpu.memory_space<semaphore_mem>>) src(%dma_wait3A_349 : memref<64x128xf32, #tpu.memory_space<hbm>>) dst(%dma_wait3A_346 : memref<64x128xf32, #tpu.memory_space<vmem>>)
      %dma_wait3A_350 = arith.constant 64 : i32
      %dma_wait3A_351 = arith.constant 0 : i32
      %dma_wait3A_352 = tpu.memref_slice %arg9[%dma_wait3A_350, %dma_wait3A_351] : memref<128x128xf32, #tpu.memory_space<vmem>> -> memref<64x128xf32, #tpu.memory_space<vmem>>
      %dma_wait3A_353 = arith.constant 0 : i32
      %dma_wait3A_354 = arith.constant 0 : i32
      %dma_wait3A_355 = tpu.memref_slice %arg2[%dma_wait3A_353, %dma_wait3A_354] : memref<10000x128xf32, #tpu.memory_space<hbm>> -> memref<64x128xf32, #tpu.memory_space<hbm>>
      %dma_wait3A_356 = arith.constant 64 : i32
      %dma_wait3A_357 = arith.constant 0 : i32
      %dma_wait3A_358 = tpu.memref_slice %arg9[%dma_wait3A_356, %dma_wait3A_357] : memref<128x128xf32, #tpu.memory_space<vmem>> -> memref<64x128xf32, #tpu.memory_space<vmem>>
      %dma_wait3A_359 = arith.constant 0 : i32
      %dma_wait3A_360 = arith.constant 0 : i32
      %dma_wait3A_361 = tpu.memref_slice %arg2[%dma_wait3A_359, %dma_wait3A_360] : memref<10000x128xf32, #tpu.memory_space<hbm>> -> memref<64x128xf32, #tpu.memory_space<hbm>>
      tpu.wait_dma2 semaphore(%arg15 : memref<!tpu.dma_semaphore, #tpu.memory_space<semaphore_mem>>) src(%dma_wait3A_361 : memref<64x128xf32, #tpu.memory_space<hbm>>) dst(%dma_wait3A_358 : memref<64x128xf32, #tpu.memory_space<vmem>>)
      %run_scoped3A_362 = arith.constant 6 : i32
      "tpu.region"() ({
        %run_scoped3A_388 = tpu.sem_alloc : memref<!tpu.dma_semaphore, #tpu.memory_space<semaphore_mem>>
        %dma_start3A_389 = arith.constant 0 : i32
        %dma_start3A_390 = tpu.memref_slice %arg8[%run_scoped3A_362, %dma_start3A_389] : memref<8x128xi32, #tpu.memory_space<vmem>> -> memref<1x128xi32, #tpu.memory_space<vmem>>
        %dma_start3A_391 = tpu.memref_squeeze %dma_start3A_390 : memref<1x128xi32, #tpu.memory_space<vmem>> -> memref<128xi32, #tpu.memory_space<vmem>>
        %dma_start3A_392 = arith.constant 0 : i32
        %dma_start3A_393 = arith.constant 0 : i32
        %dma_start3A_394 = tpu.memref_slice %arg11[%dma_start3A_392, %dma_start3A_393] : memref<10240x128xf32, #tpu.memory_space<vmem_shared>> -> memref<10240x128xf32, #tpu.memory_space<vmem_shared>>
        tpu.enqueue_indirect_dma source(%arg9 : memref<128x128xf32, #tpu.memory_space<vmem>>) target(%dma_start3A_394 : memref<10240x128xf32, #tpu.memory_space<vmem_shared>>) offsets(%dma_start3A_391 : memref<128xi32, #tpu.memory_space<vmem>>) semaphore(%run_scoped3A_388 : memref<!tpu.dma_semaphore, #tpu.memory_space<semaphore_mem>>) {add = true}
        %dma_wait3A_395 = arith.constant 0 : i32
        %dma_wait3A_396 = tpu.memref_slice %arg8[%run_scoped3A_362, %dma_wait3A_395] : memref<8x128xi32, #tpu.memory_space<vmem>> -> memref<1x128xi32, #tpu.memory_space<vmem>>
        %dma_wait3A_397 = tpu.memref_squeeze %dma_wait3A_396 : memref<1x128xi32, #tpu.memory_space<vmem>> -> memref<128xi32, #tpu.memory_space<vmem>>
        %dma_wait3A_398 = arith.constant 0 : i32
        %dma_wait3A_399 = arith.constant 0 : i32
        %dma_wait3A_400 = tpu.memref_slice %arg11[%dma_wait3A_398, %dma_wait3A_399] : memref<10240x128xf32, #tpu.memory_space<vmem_shared>> -> memref<10240x128xf32, #tpu.memory_space<vmem_shared>>
        tpu.wait_indirect_dma semaphore(%run_scoped3A_388 : memref<!tpu.dma_semaphore, #tpu.memory_space<semaphore_mem>>) src(%arg9 : memref<128x128xf32, #tpu.memory_space<vmem>>) dst(%dma_wait3A_400 : memref<10240x128xf32, #tpu.memory_space<vmem_shared>>)
        tpu.yield
      }) : () -> ()
      %dma_wait3A_363 = arith.constant 0 : i32
      %dma_wait3A_364 = arith.constant 0 : i32
      %dma_wait3A_365 = tpu.memref_slice %arg10[%dma_wait3A_363, %dma_wait3A_364] : memref<128x128xf32, #tpu.memory_space<vmem>> -> memref<64x128xf32, #tpu.memory_space<vmem>>
      %dma_wait3A_366 = arith.constant 0 : i32
      %dma_wait3A_367 = arith.constant 0 : i32
      %dma_wait3A_368 = tpu.memref_slice %arg2[%dma_wait3A_366, %dma_wait3A_367] : memref<10000x128xf32, #tpu.memory_space<hbm>> -> memref<64x128xf32, #tpu.memory_space<hbm>>
      %dma_wait3A_369 = arith.constant 0 : i32
      %dma_wait3A_370 = arith.constant 0 : i32
      %dma_wait3A_371 = tpu.memref_slice %arg10[%dma_wait3A_369, %dma_wait3A_370] : memref<128x128xf32, #tpu.memory_space<vmem>> -> memref<64x128xf32, #tpu.memory_space<vmem>>
      %dma_wait3A_372 = arith.constant 0 : i32
      %dma_wait3A_373 = arith.constant 0 : i32
      %dma_wait3A_374 = tpu.memref_slice %arg2[%dma_wait3A_372, %dma_wait3A_373] : memref<10000x128xf32, #tpu.memory_space<hbm>> -> memref<64x128xf32, #tpu.memory_space<hbm>>
      tpu.wait_dma2 semaphore(%arg16 : memref<!tpu.dma_semaphore, #tpu.memory_space<semaphore_mem>>) src(%dma_wait3A_374 : memref<64x128xf32, #tpu.memory_space<hbm>>) dst(%dma_wait3A_371 : memref<64x128xf32, #tpu.memory_space<vmem>>)
      %dma_wait3A_375 = arith.constant 64 : i32
      %dma_wait3A_376 = arith.constant 0 : i32
      %dma_wait3A_377 = tpu.memref_slice %arg10[%dma_wait3A_375, %dma_wait3A_376] : memref<128x128xf32, #tpu.memory_space<vmem>> -> memref<64x128xf32, #tpu.memory_space<vmem>>
      %dma_wait3A_378 = arith.constant 0 : i32
      %dma_wait3A_379 = arith.constant 0 : i32
      %dma_wait3A_380 = tpu.memref_slice %arg2[%dma_wait3A_378, %dma_wait3A_379] : memref<10000x128xf32, #tpu.memory_space<hbm>> -> memref<64x128xf32, #tpu.memory_space<hbm>>
      %dma_wait3A_381 = arith.constant 64 : i32
      %dma_wait3A_382 = arith.constant 0 : i32
      %dma_wait3A_383 = tpu.memref_slice %arg10[%dma_wait3A_381, %dma_wait3A_382] : memref<128x128xf32, #tpu.memory_space<vmem>> -> memref<64x128xf32, #tpu.memory_space<vmem>>
      %dma_wait3A_384 = arith.constant 0 : i32
      %dma_wait3A_385 = arith.constant 0 : i32
      %dma_wait3A_386 = tpu.memref_slice %arg2[%dma_wait3A_384, %dma_wait3A_385] : memref<10000x128xf32, #tpu.memory_space<hbm>> -> memref<64x128xf32, #tpu.memory_space<hbm>>
      tpu.wait_dma2 semaphore(%arg17 : memref<!tpu.dma_semaphore, #tpu.memory_space<semaphore_mem>>) src(%dma_wait3A_386 : memref<64x128xf32, #tpu.memory_space<hbm>>) dst(%dma_wait3A_383 : memref<64x128xf32, #tpu.memory_space<vmem>>)
      %run_scoped3A_387 = arith.constant 7 : i32
      "tpu.region"() ({
        %run_scoped3A_388 = tpu.sem_alloc : memref<!tpu.dma_semaphore, #tpu.memory_space<semaphore_mem>>
        %dma_start3A_389 = arith.constant 0 : i32
        %dma_start3A_390 = tpu.memref_slice %arg8[%run_scoped3A_387, %dma_start3A_389] : memref<8x128xi32, #tpu.memory_space<vmem>> -> memref<1x128xi32, #tpu.memory_space<vmem>>
        %dma_start3A_391 = tpu.memref_squeeze %dma_start3A_390 : memref<1x128xi32, #tpu.memory_space<vmem>> -> memref<128xi32, #tpu.memory_space<vmem>>
        %dma_start3A_392 = arith.constant 0 : i32
        %dma_start3A_393 = arith.constant 0 : i32
        %dma_start3A_394 = tpu.memref_slice %arg11[%dma_start3A_392, %dma_start3A_393] : memref<10240x128xf32, #tpu.memory_space<vmem_shared>> -> memref<10240x128xf32, #tpu.memory_space<vmem_shared>>
        tpu.enqueue_indirect_dma source(%arg10 : memref<128x128xf32, #tpu.memory_space<vmem>>) target(%dma_start3A_394 : memref<10240x128xf32, #tpu.memory_space<vmem_shared>>) offsets(%dma_start3A_391 : memref<128xi32, #tpu.memory_space<vmem>>) semaphore(%run_scoped3A_388 : memref<!tpu.dma_semaphore, #tpu.memory_space<semaphore_mem>>) {add = true}
        %dma_wait3A_395 = arith.constant 0 : i32
        %dma_wait3A_396 = tpu.memref_slice %arg8[%run_scoped3A_387, %dma_wait3A_395] : memref<8x128xi32, #tpu.memory_space<vmem>> -> memref<1x128xi32, #tpu.memory_space<vmem>>
        %dma_wait3A_397 = tpu.memref_squeeze %dma_wait3A_396 : memref<1x128xi32, #tpu.memory_space<vmem>> -> memref<128xi32, #tpu.memory_space<vmem>>
        %dma_wait3A_398 = arith.constant 0 : i32
        %dma_wait3A_399 = arith.constant 0 : i32
        %dma_wait3A_400 = tpu.memref_slice %arg11[%dma_wait3A_398, %dma_wait3A_399] : memref<10240x128xf32, #tpu.memory_space<vmem_shared>> -> memref<10240x128xf32, #tpu.memory_space<vmem_shared>>
        tpu.wait_indirect_dma semaphore(%run_scoped3A_388 : memref<!tpu.dma_semaphore, #tpu.memory_space<semaphore_mem>>) src(%arg10 : memref<128x128xf32, #tpu.memory_space<vmem>>) dst(%dma_wait3A_400 : memref<10240x128xf32, #tpu.memory_space<vmem_shared>>)
        tpu.yield
      }) : () -> ()
    }
    %scan3A_7 = arith.constant 10 : i32
    %barrier3A_8 = arith.constant 0 : index
    tpu.barrier barrier_id(%barrier3A_8)
    "tpu.region"() ({
      %run_scoped3A = tpu.sem_alloc : memref<!tpu.dma_semaphore, #tpu.memory_space<semaphore_mem>>
      %dma_start3A = arith.constant 0 : i32
      %dma_start3A_9 = tpu.memref_slice %arg6[%arg0, %mul3A_2, %dma_start3A] : memref<2x10240x128xf32, #tpu.memory_space<hbm>> -> memref<1x640x128xf32, #tpu.memory_space<hbm>>
      %dma_start3A_10 = tpu.memref_squeeze %dma_start3A_9 : memref<1x640x128xf32, #tpu.memory_space<hbm>> -> memref<640x128xf32, #tpu.memory_space<hbm>>
      %dma_start3A_11 = arith.constant 0 : i32
      %dma_start3A_12 = tpu.memref_slice %arg11[%mul3A_2, %dma_start3A_11] : memref<10240x128xf32, #tpu.memory_space<vmem_shared>> -> memref<640x128xf32, #tpu.memory_space<vmem_shared>>
      tpu.enqueue_dma source(%dma_start3A_12 : memref<640x128xf32, #tpu.memory_space<vmem_shared>>) target(%dma_start3A_10 : memref<640x128xf32, #tpu.memory_space<hbm>>) target_semaphore(%run_scoped3A : memref<!tpu.dma_semaphore, #tpu.memory_space<semaphore_mem>>)
      %dma_wait3A = arith.constant 0 : i32
      %dma_wait3A_13 = tpu.memref_slice %arg6[%arg0, %mul3A_2, %dma_wait3A] : memref<2x10240x128xf32, #tpu.memory_space<hbm>> -> memref<1x640x128xf32, #tpu.memory_space<hbm>>
      %dma_wait3A_14 = tpu.memref_squeeze %dma_wait3A_13 : memref<1x640x128xf32, #tpu.memory_space<hbm>> -> memref<640x128xf32, #tpu.memory_space<hbm>>
      %dma_wait3A_15 = arith.constant 0 : i32
      %dma_wait3A_16 = tpu.memref_slice %arg11[%mul3A_2, %dma_wait3A_15] : memref<10240x128xf32, #tpu.memory_space<vmem_shared>> -> memref<640x128xf32, #tpu.memory_space<vmem_shared>>
      tpu.wait_dma2 semaphore(%run_scoped3A : memref<!tpu.dma_semaphore, #tpu.memory_space<semaphore_mem>>) src(%dma_wait3A_16 : memref<640x128xf32, #tpu.memory_space<vmem_shared>>) dst(%dma_wait3A_14 : memref<640x128xf32, #tpu.memory_space<hbm>>)
      tpu.yield
    }) : () -> ()
    return
  }
}

module attributes {stable_mosaic.version = 14 : i64} {
  func.func @_tc2_body(%arg0: i32, %arg1: memref<1000x32xf32, #tpu.memory_space<vmem>>, %arg2: memref<2x1000x128xf32, #tpu.memory_space<vmem>>, %arg3: memref<2x1000x128xf32, #tpu.memory_space<vmem>>, %arg4: memref<128x32xf32, #tpu.memory_space<vmem>>, %arg5: memref<1x32xf32, #tpu.memory_space<vmem>>, %arg6: memref<1000x32xf32, #tpu.memory_space<vmem>>) attributes {dimension_semantics = [#tpu.dimension_semantics<arbitrary>], iteration_bounds = array<i64: 10>, scalar_prefetch = 0 : i64, scratch_operands = 0 : i64, tpu.core_type = #tpu.core_type<tc>, window_params = [{transform_indices = @transform_0, window_bounds = array<i64: 1000, 32>}, {transform_indices = @transform_1, window_bounds = array<i64: 2, 1000, 128>}, {transform_indices = @transform_2, window_bounds = array<i64: 2, 1000, 128>}, {pipeline_mode = #tpu.pipeline_mode<synchronous>, transform_indices = @transform_3, window_bounds = array<i64: 128, 32>}, {pipeline_mode = #tpu.pipeline_mode<synchronous>, transform_indices = @transform_4, window_bounds = array<i64: 1, 32>}, {transform_indices = @transform_5, window_bounds = array<i64: 1000, 32>}]} {
    %get3A = arith.constant 0 : index
    %get3A_0 = arith.constant 0 : index
    %get3A_1 = arith.constant 0 : index
    %get3A_2 = vector.load %arg2[%get3A, %get3A_0, %get3A_1] : memref<2x1000x128xf32, #tpu.memory_space<vmem>>, vector<1x1000x128xf32>
    %get3A_3 = vector.shape_cast %get3A_2 : vector<1x1000x128xf32> to vector<1000x128xf32>
    %get3A_4 = arith.constant 1 : index
    %get3A_5 = arith.constant 0 : index
    %get3A_6 = arith.constant 0 : index
    %get3A_7 = vector.load %arg2[%get3A_4, %get3A_5, %get3A_6] : memref<2x1000x128xf32, #tpu.memory_space<vmem>>, vector<1x1000x128xf32>
    %get3A_8 = vector.shape_cast %get3A_7 : vector<1x1000x128xf32> to vector<1000x128xf32>
    %add3A = arith.addf %get3A_3, %get3A_8 : vector<1000x128xf32>
    %get3A_9 = arith.constant 0 : index
    %get3A_10 = arith.constant 0 : index
    %get3A_11 = arith.constant 0 : index
    %get3A_12 = vector.load %arg3[%get3A_9, %get3A_10, %get3A_11] : memref<2x1000x128xf32, #tpu.memory_space<vmem>>, vector<1x1000x128xf32>
    %get3A_13 = vector.shape_cast %get3A_12 : vector<1x1000x128xf32> to vector<1000x128xf32>
    %get3A_14 = arith.constant 1 : index
    %get3A_15 = arith.constant 0 : index
    %get3A_16 = arith.constant 0 : index
    %get3A_17 = vector.load %arg3[%get3A_14, %get3A_15, %get3A_16] : memref<2x1000x128xf32, #tpu.memory_space<vmem>>, vector<1x1000x128xf32>
    %get3A_18 = vector.shape_cast %get3A_17 : vector<1x1000x128xf32> to vector<1000x128xf32>
    %add3A_19 = arith.addf %get3A_13, %get3A_18 : vector<1000x128xf32>
    %max3A = arith.constant 1.000000e+00 : f32
    %max3A_20 = vector.broadcast %max3A : f32 to vector<1000x128xf32>
    %max3A_21 = arith.maximumf %add3A_19, %max3A_20 : vector<1000x128xf32>
    %div3A = arith.divf %add3A, %max3A_21 : vector<1000x128xf32>
    %get3A_22 = arith.constant 0 : index
    %get3A_23 = arith.constant 0 : index
    %get3A_24 = vector.load %arg1[%get3A_22, %get3A_23] : memref<1000x32xf32, #tpu.memory_space<vmem>>, vector<1000x32xf32>
    %get3A_25 = arith.constant 0 : index
    %get3A_26 = arith.constant 0 : index
    %get3A_27 = vector.load %arg4[%get3A_25, %get3A_26] : memref<128x32xf32, #tpu.memory_space<vmem>>, vector<128x32xf32>
    %dot_general3A = arith.constant dense<0.000000e+00> : vector<1000x32xf32>
    %dot_general3A_28 = tpu.matmul %div3A, %get3A_27, %dot_general3A {dimension_numbers = #tpu.dot_dimension_numbers<[1], [0], [0], [1], [0, 0, 1, 1], [], []>, transpose_lhs_hint = false} : vector<1000x128xf32>, vector<128x32xf32>, vector<1000x32xf32> -> vector<1000x32xf32>
    %add3A_29 = arith.addf %get3A_24, %dot_general3A_28 : vector<1000x32xf32>
    %get3A_30 = arith.constant 0 : index
    %get3A_31 = arith.constant 0 : index
    %get3A_32 = vector.load %arg5[%get3A_30, %get3A_31] : memref<1x32xf32, #tpu.memory_space<vmem>>, vector<1x32xf32>
    %add3A_33 = vector.broadcast %get3A_32 : vector<1x32xf32> to vector<1000x32xf32>
    %add3A_34 = arith.addf %add3A_29, %add3A_33 : vector<1000x32xf32>
    %logistic3A = arith.negf %add3A_34 : vector<1000x32xf32>
    %logistic3A_35 = math.exp %logistic3A : vector<1000x32xf32>
    %logistic3A_36 = arith.constant 1.000000e+00 : f32
    %logistic3A_37 = vector.broadcast %logistic3A_36 : f32 to vector<1000x32xf32>
    %logistic3A_38 = arith.addf %logistic3A_37, %logistic3A_35 : vector<1000x32xf32>
    %logistic3A_39 = arith.divf %logistic3A_37, %logistic3A_38 : vector<1000x32xf32>
    %swap3A = arith.constant 0 : index
    %swap3A_40 = arith.constant 0 : index
    %swap3A_41 = vector.load %arg6[%swap3A, %swap3A_40] : memref<1000x32xf32, #tpu.memory_space<vmem>>, vector<1000x32xf32>
    tpu.vector_store %arg6[%swap3A, %swap3A_40], %logistic3A_39 {strides = array<i32>} : memref<1000x32xf32, #tpu.memory_space<vmem>>, vector<1000x32xf32>,
    return
  }
  func.func @transform_0(%arg0: i32) -> (i32, i32) {
    %c0_i32 = arith.constant 0 : i32
    %c0_i32_0 = arith.constant 0 : i32
    return %arg0, %c0_i32 : i32, i32
  }
  func.func @transform_1(%arg0: i32) -> (i32, i32, i32) {
    %c0_i32 = arith.constant 0 : i32
    %c0_i32_0 = arith.constant 0 : i32
    %c0_i32_1 = arith.constant 0 : i32
    return %c0_i32, %arg0, %c0_i32_0 : i32, i32, i32
  }
  func.func @transform_2(%arg0: i32) -> (i32, i32, i32) {
    %c0_i32 = arith.constant 0 : i32
    %c0_i32_0 = arith.constant 0 : i32
    %c0_i32_1 = arith.constant 0 : i32
    return %c0_i32, %arg0, %c0_i32_0 : i32, i32, i32
  }
  func.func @transform_3(%arg0: i32) -> (i32, i32) {
    %c0_i32 = arith.constant 0 : i32
    %c0_i32_0 = arith.constant 0 : i32
    %c0_i32_1 = arith.constant 0 : i32
    return %c0_i32, %c0_i32_0 : i32, i32
  }
  func.func @transform_4(%arg0: i32) -> (i32, i32) {
    %c0_i32 = arith.constant 0 : i32
    %c0_i32_0 = arith.constant 0 : i32
    %c0_i32_1 = arith.constant 0 : i32
    return %c0_i32, %c0_i32_0 : i32, i32
  }
  func.func @transform_5(%arg0: i32) -> (i32, i32) {
    %c0_i32 = arith.constant 0 : i32
    %c0_i32_0 = arith.constant 0 : i32
    return %arg0, %c0_i32 : i32, i32
  }
}

module attributes {stable_mosaic.version = 14 : i64} {
  func.func @_tc1_body(%arg0: i32, %arg1: memref<1000x128xf32, #tpu.memory_space<vmem>>, %arg2: memref<2x1000x128xf32, #tpu.memory_space<vmem>>, %arg3: memref<2x1000x128xf32, #tpu.memory_space<vmem>>, %arg4: memref<128x128xf32, #tpu.memory_space<vmem>>, %arg5: memref<128x128xf32, #tpu.memory_space<vmem>>, %arg6: memref<1x128xf32, #tpu.memory_space<vmem>>, %arg7: memref<128x32xf32, #tpu.memory_space<vmem>>, %arg8: memref<1000x128xf32, #tpu.memory_space<vmem>>, %arg9: memref<1000x32xf32, #tpu.memory_space<vmem>>) attributes {dimension_semantics = [#tpu.dimension_semantics<arbitrary>], iteration_bounds = array<i64: 10>, scalar_prefetch = 0 : i64, scratch_operands = 0 : i64, tpu.core_type = #tpu.core_type<tc>, window_params = [{transform_indices = @transform_0, window_bounds = array<i64: 1000, 128>}, {transform_indices = @transform_1, window_bounds = array<i64: 2, 1000, 128>}, {transform_indices = @transform_2, window_bounds = array<i64: 2, 1000, 128>}, {pipeline_mode = #tpu.pipeline_mode<synchronous>, transform_indices = @transform_3, window_bounds = array<i64: 128, 128>}, {pipeline_mode = #tpu.pipeline_mode<synchronous>, transform_indices = @transform_4, window_bounds = array<i64: 128, 128>}, {pipeline_mode = #tpu.pipeline_mode<synchronous>, transform_indices = @transform_5, window_bounds = array<i64: 1, 128>}, {pipeline_mode = #tpu.pipeline_mode<synchronous>, transform_indices = @transform_6, window_bounds = array<i64: 128, 32>}, {transform_indices = @transform_7, window_bounds = array<i64: 1000, 128>}, {transform_indices = @transform_8, window_bounds = array<i64: 1000, 32>}]} {
    %get3A = arith.constant 0 : index
    %get3A_0 = arith.constant 0 : index
    %get3A_1 = arith.constant 0 : index
    %get3A_2 = vector.load %arg2[%get3A, %get3A_0, %get3A_1] : memref<2x1000x128xf32, #tpu.memory_space<vmem>>, vector<1x1000x128xf32>
    %get3A_3 = vector.shape_cast %get3A_2 : vector<1x1000x128xf32> to vector<1000x128xf32>
    %get3A_4 = arith.constant 1 : index
    %get3A_5 = arith.constant 0 : index
    %get3A_6 = arith.constant 0 : index
    %get3A_7 = vector.load %arg2[%get3A_4, %get3A_5, %get3A_6] : memref<2x1000x128xf32, #tpu.memory_space<vmem>>, vector<1x1000x128xf32>
    %get3A_8 = vector.shape_cast %get3A_7 : vector<1x1000x128xf32> to vector<1000x128xf32>
    %add3A = arith.addf %get3A_3, %get3A_8 : vector<1000x128xf32>
    %get3A_9 = arith.constant 0 : index
    %get3A_10 = arith.constant 0 : index
    %get3A_11 = arith.constant 0 : index
    %get3A_12 = vector.load %arg3[%get3A_9, %get3A_10, %get3A_11] : memref<2x1000x128xf32, #tpu.memory_space<vmem>>, vector<1x1000x128xf32>
    %get3A_13 = vector.shape_cast %get3A_12 : vector<1x1000x128xf32> to vector<1000x128xf32>
    %get3A_14 = arith.constant 1 : index
    %get3A_15 = arith.constant 0 : index
    %get3A_16 = arith.constant 0 : index
    %get3A_17 = vector.load %arg3[%get3A_14, %get3A_15, %get3A_16] : memref<2x1000x128xf32, #tpu.memory_space<vmem>>, vector<1x1000x128xf32>
    %get3A_18 = vector.shape_cast %get3A_17 : vector<1x1000x128xf32> to vector<1000x128xf32>
    %add3A_19 = arith.addf %get3A_13, %get3A_18 : vector<1000x128xf32>
    %max3A = arith.constant 1.000000e+00 : f32
    %max3A_20 = vector.broadcast %max3A : f32 to vector<1000x128xf32>
    %max3A_21 = arith.maximumf %add3A_19, %max3A_20 : vector<1000x128xf32>
    %div3A = arith.divf %add3A, %max3A_21 : vector<1000x128xf32>
    %get3A_22 = arith.constant 0 : index
    %get3A_23 = arith.constant 0 : index
    %get3A_24 = vector.load %arg1[%get3A_22, %get3A_23] : memref<1000x128xf32, #tpu.memory_space<vmem>>, vector<1000x128xf32>
    %get3A_25 = arith.constant 0 : index
    %get3A_26 = arith.constant 0 : index
    %get3A_27 = vector.load %arg4[%get3A_25, %get3A_26] : memref<128x128xf32, #tpu.memory_space<vmem>>, vector<128x128xf32>
    %dot_general3A = arith.constant dense<0.000000e+00> : vector<1000x128xf32>
    %dot_general3A_28 = tpu.matmul %get3A_24, %get3A_27, %dot_general3A {dimension_numbers = #tpu.dot_dimension_numbers<[1], [0], [0], [1], [0, 0, 1, 1], [], []>, transpose_lhs_hint = false} : vector<1000x128xf32>, vector<128x128xf32>, vector<1000x128xf32> -> vector<1000x128xf32>
    %get3A_29 = arith.constant 0 : index
    %get3A_30 = arith.constant 0 : index
    %get3A_31 = vector.load %arg5[%get3A_29, %get3A_30] : memref<128x128xf32, #tpu.memory_space<vmem>>, vector<128x128xf32>
    %dot_general3A_32 = arith.constant dense<0.000000e+00> : vector<1000x128xf32>
    %dot_general3A_33 = tpu.matmul %div3A, %get3A_31, %dot_general3A_32 {dimension_numbers = #tpu.dot_dimension_numbers<[1], [0], [0], [1], [0, 0, 1, 1], [], []>, transpose_lhs_hint = false} : vector<1000x128xf32>, vector<128x128xf32>, vector<1000x128xf32> -> vector<1000x128xf32>
    %add3A_34 = arith.addf %dot_general3A_28, %dot_general3A_33 : vector<1000x128xf32>
    %get3A_35 = arith.constant 0 : index
    %get3A_36 = arith.constant 0 : index
    %get3A_37 = vector.load %arg6[%get3A_35, %get3A_36] : memref<1x128xf32, #tpu.memory_space<vmem>>, vector<1x128xf32>
    %add3A_38 = vector.broadcast %get3A_37 : vector<1x128xf32> to vector<1000x128xf32>
    %add3A_39 = arith.addf %add3A_34, %add3A_38 : vector<1000x128xf32>
    %max3A_40 = arith.constant 0.000000e+00 : f32
    %max3A_41 = vector.broadcast %max3A_40 : f32 to vector<1000x128xf32>
    %max3A_42 = arith.maximumf %add3A_39, %max3A_41 : vector<1000x128xf32>
    %swap3A = arith.constant 0 : index
    %swap3A_43 = arith.constant 0 : index
    %swap3A_44 = vector.load %arg8[%swap3A, %swap3A_43] : memref<1000x128xf32, #tpu.memory_space<vmem>>, vector<1000x128xf32>
    tpu.vector_store %arg8[%swap3A, %swap3A_43], %max3A_42 {strides = array<i32>} : memref<1000x128xf32, #tpu.memory_space<vmem>>, vector<1000x128xf32>,
    %get3A_45 = arith.constant 0 : index
    %get3A_46 = arith.constant 0 : index
    %get3A_47 = vector.load %arg7[%get3A_45, %get3A_46] : memref<128x32xf32, #tpu.memory_space<vmem>>, vector<128x32xf32>
    %dot_general3A_48 = arith.constant dense<0.000000e+00> : vector<1000x32xf32>
    %dot_general3A_49 = tpu.matmul %max3A_42, %get3A_47, %dot_general3A_48 {dimension_numbers = #tpu.dot_dimension_numbers<[1], [0], [0], [1], [0, 0, 1, 1], [], []>, transpose_lhs_hint = false} : vector<1000x128xf32>, vector<128x32xf32>, vector<1000x32xf32> -> vector<1000x32xf32>
    %swap3A_50 = arith.constant 0 : index
    %swap3A_51 = arith.constant 0 : index
    %swap3A_52 = vector.load %arg9[%swap3A_50, %swap3A_51] : memref<1000x32xf32, #tpu.memory_space<vmem>>, vector<1000x32xf32>
    tpu.vector_store %arg9[%swap3A_50, %swap3A_51], %dot_general3A_49 {strides = array<i32>} : memref<1000x32xf32, #tpu.memory_space<vmem>>, vector<1000x32xf32>,
    return
  }
  func.func @transform_0(%arg0: i32) -> (i32, i32) {
    %c0_i32 = arith.constant 0 : i32
    %c0_i32_0 = arith.constant 0 : i32
    return %arg0, %c0_i32 : i32, i32
  }
  func.func @transform_1(%arg0: i32) -> (i32, i32, i32) {
    %c0_i32 = arith.constant 0 : i32
    %c0_i32_0 = arith.constant 0 : i32
    %c0_i32_1 = arith.constant 0 : i32
    return %c0_i32, %arg0, %c0_i32_0 : i32, i32, i32
  }
  func.func @transform_2(%arg0: i32) -> (i32, i32, i32) {
    %c0_i32 = arith.constant 0 : i32
    %c0_i32_0 = arith.constant 0 : i32
    %c0_i32_1 = arith.constant 0 : i32
    return %c0_i32, %arg0, %c0_i32_0 : i32, i32, i32
  }
  func.func @transform_3(%arg0: i32) -> (i32, i32) {
    %c0_i32 = arith.constant 0 : i32
    %c0_i32_0 = arith.constant 0 : i32
    %c0_i32_1 = arith.constant 0 : i32
    return %c0_i32, %c0_i32_0 : i32, i32
  }
  func.func @transform_4(%arg0: i32) -> (i32, i32) {
    %c0_i32 = arith.constant 0 : i32
    %c0_i32_0 = arith.constant 0 : i32
    %c0_i32_1 = arith.constant 0 : i32
    return %c0_i32, %c0_i32_0 : i32, i32
  }
  func.func @transform_5(%arg0: i32) -> (i32, i32) {
    %c0_i32 = arith.constant 0 : i32
    %c0_i32_0 = arith.constant 0 : i32
    %c0_i32_1 = arith.constant 0 : i32
    return %c0_i32, %c0_i32_0 : i32, i32
  }
  func.func @transform_6(%arg0: i32) -> (i32, i32) {
    %c0_i32 = arith.constant 0 : i32
    %c0_i32_0 = arith.constant 0 : i32
    %c0_i32_1 = arith.constant 0 : i32
    return %c0_i32, %c0_i32_0 : i32, i32
  }
  func.func @transform_7(%arg0: i32) -> (i32, i32) {
    %c0_i32 = arith.constant 0 : i32
    %c0_i32_0 = arith.constant 0 : i32
    return %arg0, %c0_i32 : i32, i32
  }
  func.func @transform_8(%arg0: i32) -> (i32, i32) {
    %c0_i32 = arith.constant 0 : i32
    %c0_i32_0 = arith.constant 0 : i32
    return %arg0, %c0_i32 : i32, i32
  }
}

</mosaic_0001>

<sc_bundles>
// kernel: kernel.10.cloned.1.call-start
scs
__scs_entry_jumppad:
0x0: {  	(pc) =	sbr.rel $0x88, $3  }
0x1: {  	(tag) =	ssettag $0x0;
	lr =	simm.s32 $0x1  }
0x2: {  	[smem:$0x3F99] =	sst lr;
	_ =	strace $0xD0000000  }
0x3: {  	_ = 	snop  }
0x4: {  	_ = 	snop  }
0x5: {  	_ = 	snop  }
0x6: {  	_ = 	snop  }
0x7: {  	_ = 	snop  }
__scs_overlays_trampoline_lowered:
0x8: {  	[smem:$0x3FA8] =	sst s0  }
0x9: {  	[smem:$0x3FA9] =	sst s1  }
0xa: {  	[smem:$0x3FAA] =	sst s2  }
0xb: {  	[smem:$0x3FAB] =	sst s3  }
0xc: {  	[smem:$0x3FAC] =	sst s4  }
0xd: {  	[smem:$0x3FAD] =	sst s5  }
0xe: {  	[smem:$0x3FAE] =	sst s6  }
0xf: {  	[smem:$0x3FAF] =	sst s7  }
0x10: {  	[smem:$0x3FB0] =	sst s8  }
0x11: {  	[smem:$0x3FB1] =	sst s9;
	s0 =	simm.s32 @!p0 $0x0  }
0x12: {  	s1 =	sld [smem:$0x3F97];
	s0 =	simm.s32 @p0 $0x1  }
0x13: {  	[smem:$0x3FB2] =	sst s0;
	s0 =	simm.s32 @!p1 $0x0  }
0x14: {  	s2 =	sld [smem:$0x3F96];
	s0 =	simm.s32 @p1 $0x1  }
0x15: {  	[smem:$0x3FB3] =	sst s0;
	s0 =	simm.s32 @!p2 $0x0  }
0x16: {  	s3 =	sld [smem:$0x3FDB];
	s0 =	simm.s32 @p2 $0x1  }
0x17: {  	s4 =	simm.s32 $0x1BF5;
	[smem:$0x3FB5] =	sst s0  }
0x18: {  	s0 =	sld [smem:$0x3F98];
	_ =	swait.ge [sflag:s4], $0x0  }
0x19: {  	s7 =	sld [smem:$0x3F99]  }
0x1a: {  	s8 =	sadd.s32 $0xFFFFE003, lr  }
0x1b: {  	s9 =	sadd.s32 $0xFFFFFEF7, lr;
	s5 =	simm.s32 $0xFFFFFFFF;
	p2 =	slt.u32 s8, $0xFFFFF086  }
0x1c: {  	p1 =	slt.u32 s9, $0xF7A;
	s5 =	simm.s32 @!p2 $0x0  }
0x1d: {  	s5 =	simm.s32 @p1 $0x1;
	p0 =	seq.s32 s7, s2  }
0x1e: {  	s7 =	smul.u32 @!p0 $0xF7A, s2;
	p2 =	seq.s32 @!p0 s5, $0x0  }
0x1f: {  	s9 =	smul.u32 $0xF7A, s1;
	s8 =	simm.s32 @!p0 $0x1BF5;
	p2 =	por !p2, p0  }
0x20: {  	[sflag:s8] =	ssyncset.s32 @!p0 $0xFFFFF086;
	s6 =	sadd.s32 @!p0 s3, s7;
	s7 =	simm.s32 @!p0 $0x108  }
0x21: {  	s3 =	sadd.s32 s3, s9;
	s6 =	sadd.s32 @!p0 $0x88, s6;
	s7 =	simm.s32 @p2 $0x1082  }
0x22: {  	[simem:s7], [sflag:s8] =	dma.local @!p0 [hbm:s6], $0xF7A  }
0x23: {  	s9 =	sor.u32 $0xD0000000, s2;
	s6 =	simm.s32 $0x108;
	_ =	swait.ge @!p0 [sflag:s8], $0x0  }
0x24: {  	s3 =	sadd.s32 $0x88, s3;
	s6 =	simm.s32 @!p1 $0x1082;
	[sflag:s4] =	ssyncset.s32 $0xFFFFF086  }
0x25: {  	[simem:s6], [sflag:s4] =	dma.local [hbm:s3], $0xF7A  }
0x26: {  	[smem:$0x3F99] =	sst s1;
	(tag) =	ssettag s2;
	_ =	strace s9  }
0x27: {  	s1 =	sld [smem:$0x3FA9]  }
0x28: {  	s2 =	sld [smem:$0x3FAA]  }
0x29: {  	s4 =	sld [smem:$0x3FAC]  }
0x2a: {  	p0 =	seq.s32 s5, $0x0;
	s5 =	sld [smem:$0x3FAD]  }
0x2b: {  	s6 =	sld [smem:$0x3FAE]  }
0x2c: {  	s7 =	sld [smem:$0x3FAF]  }
0x2d: {  	s3 =	simm.s32 $0x108;
	s8 =	sld [smem:$0x3FB0]  }
0x2e: {  	s3 =	simm.s32 @!p0 $0x1082;
	s9 =	sld [smem:$0x3FB1]  }
0x2f: {  	lr =	sadd.s32 s0, s3;
	s0 =	sld [smem:$0x3FA8]  }
0x30: {  	s3 =	sld [smem:$0x3FAB]  }
0x31: {  	[smem:$0x3FB4] =	sst s10  }
0x32: {  	s10 =	sld [smem:$0x3FB2];
	_ =	sdelay $0x3  }
0x33: {  	p0 =	seq.s32 s10, $0x1;
	s10 =	sld [smem:$0x3FB4];
	_ =	sdelay $0x3  }
0x34: {  	[smem:$0x3FB4] =	sst s10  }
0x35: {  	s10 =	sld [smem:$0x3FB3];
	_ =	sdelay $0x3  }
0x36: {  	p1 =	seq.s32 s10, $0x1;
	s10 =	sld [smem:$0x3FB4];
	_ =	sdelay $0x3  }
0x37: {  	[smem:$0x3FB4] =	sst s10  }
0x38: {  	s10 =	sld [smem:$0x3FB5]  }
0x39: {  	_ = 	snop;
	(pc) =	sbr.ind lr, $3  }
0x3a: {  	_ = 	snop  }
0x3b: {  	_ = 	snop  }
0x3c: {  	p2 =	seq.s32 s10, $0x1;
	s10 =	sld [smem:$0x3FB4]  }
0x3d: {  	_ =	shalt  }
0x3e: {  	_ =	shalt  }
0x3f: {  	_ =	shalt  }
0x40: {  	_ =	shalt  }
0x41: {  	_ =	shalt  }
0x42: {  	_ =	shalt  }
0x43: {  	_ =	shalt  }
0x44: {  	_ =	shalt  }
0x45: {  	_ =	shalt  }
0x46: {  	_ =	shalt  }
0x47: {  	_ =	shalt  }
0x48: {  	_ =	shalt  }
0x49: {  	_ =	shalt  }
0x4a: {  	_ =	shalt  }
0x4b: {  	_ =	shalt  }
0x4c: {  	_ =	shalt  }
0x4d: {  	_ =	shalt  }
0x4e: {  	_ =	shalt  }
0x4f: {  	_ =	shalt  }
0x50: {  	_ =	shalt  }
0x51: {  	_ =	shalt  }
0x52: {  	_ =	shalt  }
0x53: {  	_ =	shalt  }
0x54: {  	_ =	shalt  }
0x55: {  	_ =	shalt  }
0x56: {  	_ =	shalt  }
0x57: {  	_ =	shalt  }
0x58: {  	_ =	shalt  }
0x59: {  	_ =	shalt  }
0x5a: {  	_ =	shalt  }
0x5b: {  	_ =	shalt  }
0x5c: {  	_ =	shalt  }
0x5d: {  	_ =	shalt  }
0x5e: {  	_ =	shalt  }
0x5f: {  	_ =	shalt  }
0x60: {  	_ =	shalt  }
0x61: {  	_ =	shalt  }
0x62: {  	_ =	shalt  }
0x63: {  	_ =	shalt  }
0x64: {  	_ =	shalt  }
0x65: {  	_ =	shalt  }
0x66: {  	_ =	shalt  }
0x67: {  	_ =	shalt  }
0x68: {  	_ =	shalt  }
0x69: {  	_ =	shalt  }
0x6a: {  	_ =	shalt  }
0x6b: {  	_ =	shalt  }
0x6c: {  	_ =	shalt  }
0x6d: {  	_ =	shalt  }
0x6e: {  	_ =	shalt  }
0x6f: {  	_ =	shalt  }
0x70: {  	_ =	shalt  }
0x71: {  	_ =	shalt  }
0x72: {  	_ =	shalt  }
0x73: {  	_ =	shalt  }
0x74: {  	_ =	shalt  }
0x75: {  	_ =	shalt  }
0x76: {  	_ =	shalt  }
0x77: {  	_ =	shalt  }
0x78: {  	_ =	shalt  }
0x79: {  	_ =	shalt  }
0x7a: {  	_ =	shalt  }
0x7b: {  	_ =	shalt  }
0x7c: {  	_ =	shalt  }
0x7d: {  	_ =	shalt  }
0x7e: {  	_ =	shalt  }
0x7f: {  	_ =	shalt  }
0x80: {  	_ =	shalt  }
0x81: {  	_ =	shalt  }
0x82: {  	_ =	shalt  }
0x83: {  	_ =	shalt  }
0x84: {  	_ =	shalt  }
0x85: {  	_ =	shalt  }
0x86: {  	_ =	shalt  }
0x87: {  	_ =	shalt  }
.Lfunc_end0:
.L_simem_size_0:
called_computation.1_lowered:
.L_overlay_start_0:
0x88: {  	s2 =	sld [smem:$0x3FD9]  }
0x89: {  	s3 =	sld [smem:$0x3FFE];
	_ =	sdelay $0x1  }
0x8a: {  	s1 =	srdreg.scid  }
0x8b: {  	s0 =	sand.u32 $0x1, s1  }
0x8c: {  	s17 =	sshll.u32 s0, $0xA;
	s2 =	sadd.s32 s3, s2  }
0x8d: {  	s2 =	sadd.s32 s2, s17  }
0x8e: {  	[smem:$0x3FC0] =	sst s2  }
0x8f: {  	_ = 	snop  }
0x90: {  	s2 =	sld [smem:$0x3FC9]  }
0x91: {  	s18 =	sld [smem:$0x3FD0];
	(tm) =	ssettm $0x1  }
0x92: {  	s4 =	sld [smem:$0x3FFB];
	_ =	sdelay $0x3  }
0x93: {  	_ =	strace s4  }
0x94: {  	s4 =	sld [smem:$0x3FFC];
	_ =	sdelay $0x3  }
0x95: {  	_ =	strace s4  }
0x96: {  	s4 =	sld [smem:$0x3FFD];
	_ =	sdelay $0x3  }
0x97: {  	_ =	strace s4  }
0x98: {  	_ =	strace $0x8FFFFFFF  }
0x99: {  	s19 =	sld [smem:$0x3FDB];
	_ =	sdelay $0x1  }
0x9a: {  	s5 =	simm.s32 $_scs_section_size  }
0x9b: {  	s6 =	simm.s32 $_size__tile_overlayer_lowered;
	s7 =	simm.s32 $_tile_overlayer_lowered  }
0x9c: {  	s22 =	simm.s32 $0x1BFF;
	s21 =	sshll.u32 s7, $0x1;
	s4 =	sadd.s32 s5, s19  }
0x9d: {  	s8 =	simm.s32 $0x0;
	s20 =	sshll.u32 s6, $0x1;
	s6 =	sadd.s32 s21, s4  }
0x9e: {  	[timem:s8], [sflag:s22] =	dma.local [hbm:s6], s20  }
0x9f: {  	_ =	swait.ge [sflag:s22], s20  }
0xa0: {  	s5 =	ssub.s32 $0x0, s20;
	[sflag:s22] =	ssyncset.done $0x0  }
0xa1: {  	[sflag:s22] =	ssyncadd.s32 s5;
	_ =	sdelay $0x1  }
0xa2: {  	s23 =	simm.s32 $0x1B8B  }
0xa3: {  	_ =	swait.ge [sflag:s23], $0x1  }
0xa4: {  	[sflag:s23] =	ssyncset.done $0x0  }
0xa5: {  	s25 =	simm.s32 $0x1B8E;
	s24 =	sld [smem:$0x3FFE];
	[sflag:s23] =	ssyncadd.s32 $0xFFFFFFFF  }
0xa6: {  	s26 =	simm.s32 $execute0_lowered;
	[smem:$0x3FD2] =	sst s25  }
0xa7: {  	s6 =	sshll.u32 s26, $0x1;
	_ =	strace $0x80000046;
	[dreg:$0x1] =	wrdreg $0xFFFFFFFF  }
0xa8: {  	s28 =	simm.s32 $_size_execute0_lowered;
	s4 =	sadd.s32 s4, s6;
	[dreg:$0x0] =	wrdreg $0x0  }
0xa9: {  	s6 =	sshll.u32 s28, $0x1;
	[dreg:$0x2] =	wrdreg s4  }
0xaa: {  	[dreg:$0x3] =	wrdreg s6  }
0xab: {  	[dreg:$0x4] =	wrdreg $0xC0  }
0xac: {  	_ =	task [dreg:s8], $0x5FFFF  }
0xad: {  	[dreg:$0x1] =	wrdreg $0xFFFFFFFF  }
0xae: {  	[dreg:$0x0] =	wrdreg $0x60  }
0xaf: {  	[dreg:$0x2] =	wrdreg s2  }
0xb0: {  	[dreg:$0x3] =	wrdreg s24  }
0xb1: {  	[dreg:$0x4] =	wrdreg s18  }
0xb2: {  	[dreg:$0x5] =	wrdreg $0x88000  }
0xb3: {  	[dreg:$0x6] =	wrdreg $0xA  }
0xb4: {  	_ =	task.clear_ibuf [dreg:s8], $0x7FFFF;
	_ =	strace $0x90000046  }
0xb5: {  	s29 =	simm.s32 $0xA;
	_ =	strace $0x80000048  }
0xb6: {  	_ =	swait.ge [sflag:s29], $0x1  }
0xb7: {  	[sflag:s29] =	ssyncadd.s32 $0xFFFFFFFF  }
0xb8: {  	_ =	strace $0x90000048  }
0xb9: {  	_ =	sfence  }
0xba: {  	s30 =	sld [smem:$0x0];
	_ =	sdelay $0x2  }
0xbb: {  	s31 =	sshll.u32 s1, $0xD;
	s1 =	sshrl.u32 s1, $0x2  }
0xbc: {  	s3 =	sand.u32 $0x4000, s31;
	s1 =	sadd.s32 s1, s30  }
0xbd: {  	s0 =	sor.u32 s3, s0;
	s1 =	sshll.u32 s1, $0x11  }
0xbe: {  	s0 =	sor.u32 s1, s0  }
0xbf: {  	s0 =	sadd.s32 $0x8F2B, s0  }
0xc0: {  	[sflag:s0] =	ssyncadd.remote.s32 $0x1  }
0xc1: {  	_ =	sfence.sel $0xFFFF  }
0xc2: {  	[dreg:$0x0] =	wrdreg $0xFFFFFFFF;
	(pc) =	sbr.abs _section_cstart, $3  }
0xc3: {  	[dreg:$0x1] =	wrdreg $0xFFFFFFFF  }
0xc4: {  	_ =	task.clear_ibuf [dreg:s8], $0x2FFFF;
	_ =	strace $0x9FFFFFFF  }
0xc5: {  	(tm) =	ssettm $0x7FFFFFFF  }
tec
execute0_lowered:
.L_overlay_start_1:
0x0: {  	(tag) =	ssettag $0x1  }
0x1: {  	s1 =	rddreg [dreg:$0x0]  }
0x2: {  	s0 =	rddreg [dreg:$0x1]  }
0x3: {  	s3 =	rddreg [dreg:$0x3]  }
0x4: {  	s2 =	srdreg.scid;
	s5 =	simm.s32 $0x0;
	s10 =	stileid.u32  }
0x5: {  	s11 =	simm.s32 $0x400;
	s17 =	simm.s32 $0xC0;
	s18 =	simm.s32 $0x100  }
0x6: {  	s19 =	simm.s32 $0x140;
	s20 =	simm.s32 $0x480;
	s21 =	simm.s32 $0x180  }
0x7: {  	s22 =	simm.s32 $0x1C0;
	s23 =	simm.s32 $0x500;
	s24 =	simm.s32 $0x200  }
0x8: {  	s25 =	simm.s32 $0x240;
	s26 =	simm.s32 $0x580;
	s28 =	simm.s32 $0x300  }
0x9: {  	s29 =	simm.s32 $0x340;
	s30 =	simm.s32 $0x680;
	[smem:$0x7FF] =	sst s5  }
0xa: {  	s6 =	smul.u32 $0x14000, s10;
	_ =	strace $0x80000047;
	[dreg:$0x7] =	wrdreg s17  }
0xb: {  	s31 =	simm.s32 $0x380;
	s12 =	smul.u32 $0x50000, s10;
	[dreg:$0x8] =	wrdreg s18  }
0xc: {  	s2 =	sand.u32 $0x1, s2;
	s9 =	smul.u32 $0x500, s10;
	[dreg:$0x9] =	wrdreg s19  }
0xd: {  	s14 =	sshll.u32 s10, $0x6;
	s4 =	smul.u32 $0x140000, s2;
	[dreg:$0xa] =	wrdreg s20  }
0xe: {  	s10 =	simm.s32 $0x7;
	s7 =	smul.u32 $0x5000, s2;
	[dreg:$0xb] =	wrdreg s21  }
0xf: {  	s2 =	ssub.s32 $0x2, s2;
	s17 =	simm.s32 $0x80;
	[dreg:$0xc] =	wrdreg s22  }
0x10: {  	s18 =	simm.s32 $0x4800;
	s19 =	simm.s32 $0x6800;
	[dreg:$0xd] =	wrdreg s23  }
0x11: {  	s20 =	simm.s32 $0x3;
	s21 =	simm.s32 $0x4;
	[dreg:$0xe] =	wrdreg s24  }
0x12: {  	s22 =	simm.s32 $0x5;
	s23 =	simm.s32 $0x6;
	[dreg:$0xf] =	wrdreg s25  }
0x13: {  	[dreg:$0x10] =	wrdreg s26;
	s25 =	simm.s32 $0x2C0;
	s26 =	simm.s32 $0x600  }
0x14: {  	s8 =	sshrl.u32 s2, $0x1;
	s13 =	sshrl.u32 s12, $0x2;
	s12 =	simm.s32 $0x1  }
0x15: {  	s4 =	sadd.s32 s6, s4;
	s7 =	sadd.s32 s7, s0;
	s2 =	ssub.s32 s2, s8  }
0x16: {  	s8 =	sor.u32 $0x1C07, s14;
	s14 =	simm.s32 $0x40;
	s4 =	sshrl.u32 s4, $0x3  }
0x17: {  	s7 =	sadd.s32 s9, s7;
	s2 =	smax.u32 s2, $0x1;
	s9 =	simm.s32 $0x0  }
0x18: {  	[dreg:$0x11] =	wrdreg s8;
	s0 =	sadd.s32 s4, s0;
	s4 =	sadd.s32 s13, s3  }
0x19: {  	s15 =	sadd.s32 $0x2000, s7;
	s16 =	sadd.s32 $0xC000, s7;
	[dreg:$0x13] =	wrdreg s2  }
0x1a: {  	s13 =	simm.s32 $0x2;
	s2 =	simm.s32 $0x780;
	[dreg:$0x5] =	wrdreg s15  }
0x1b: {  	s0 =	sadd.s32 $0x16000, s0;
	[dreg:$0x6] =	wrdreg s16;
	s7 =	sshrl.u32 s4, $0x3  }
0x1c: {  	s15 =	simm.s32 $0x800;
	s16 =	simm.s32 $0x2800;
	[dreg:$0x12] =	wrdreg s0  }
0x1d: {  	s4 =	simm.s32 $0x700;
	s0 =	simm.s32 $0x3C0;
	[dreg:$0x14] =	wrdreg s7  }
.LBB2_1:
0x1e: {  	[dreg:$0x15] =	wrdreg s9  }
0x1f: {  	s6 =	rddreg [dreg:$0x2]  }
0x20: {  	[spmem:s7], [sflag:s8] =	dma.local [hbm:s6], $0x2800  }
0x21: {  	_ =	swait.ge [sflag:s10], $0x2800  }
0x22: {  	[sflag:s10] =	ssyncset.done $0x0  }
0x23: {  	[sflag:s10] =	ssyncadd.s32 $0xFFFFD800  }
0x24: {  	[bflag:$0x0] =	sbarrier.arrive $0xFFFF  }
0x25: {  	s24 =	rddreg [dreg:$0x6]  }
0x26: {  	s7 =	rddreg [dreg:$0x5];
	s6 =	sadd.s32 $0x0, s24  }
0x27: {  	[tilespmem:s5], [sflag:$0x1] =	stream.linear.gather [hbm4b:s6+s5], $0x400, $0x38;
	[tilespmem:$0x1C800] =	vst v63  }
0x28: {  	s8 =	sadd.s32 $0x0, s7  }
0x29: {  	[tilespmem:s11], [sflag:$0x2] =	stream.linear.gather [hbm4b:s8+s5], $0x400, $0x38;
	[tilespmem:$0x1C800] =	vst v63  }
0x2a: {  	_ =	swait.ge [sflag:s12], $0x400  }
0x2b: {  	[sflag:s12] =	ssyncset.done $0x0  }
0x2c: {  	[sflag:s12] =	ssyncadd.s32 $0xFFFFFC00  }
0x2d: {  	_ =	swait.ge [sflag:s13], $0x400  }
0x2e: {  	[sflag:s13] =	ssyncset.done $0x0  }
0x2f: {  	[sflag:s13] =	ssyncadd.s32 $0xFFFFFC00  }
0x30: {  	[tilespmem:s15], [sflag:$0x3] =	stream.indirect.gather [hbm4b:s1+s14], $0x80, s5, s14, $0xb8;
	[tilespmem:$0x1C800] =	vst v63  }
0x31: {  	_ = 	snop  }
0x32: {  	[tilespmem:s16], [sflag:$0x4] =	stream.indirect.gather [hbm4b:s1+s14], $0x80, s14, s14, $0xb8;
	[tilespmem:$0x1C800] =	vst v63  }
0x33: {  	_ = 	snop  }
0x34: {  	[tilespmem:s18], [sflag:$0x5] =	stream.indirect.gather [hbm4b:s1+s14], $0x80, s17, s14, $0xb8;
	[tilespmem:$0x1C800] =	vst v63  }
0x35: {  	s9 =	rddreg [dreg:$0x7]  }
0x36: {  	[tilespmem:s19], [sflag:$0x6] =	stream.indirect.gather [hbm4b:s1+s14], $0x80, s9, s14, $0xb8;
	[tilespmem:$0x1C800] =	vst v63  }
0x37: {  	_ =	swait.ge [sflag:s20], $0x2000  }
0x38: {  	[sflag:s20] =	ssyncset.done $0x0  }
0x39: {  	[sflag:s20] =	ssyncadd.s32 $0xFFFFE000  }
0x3a: {  	_ =	swait.ge [sflag:s21], $0x2000  }
0x3b: {  	[sflag:s21] =	ssyncset.done $0x0  }
0x3c: {  	[sflag:s21] =	ssyncadd.s32 $0xFFFFE000  }
0x3d: {  	[spmem:s3] =	stream.indirect.scatter.add.f32 [tilespmem:s15], [sflag:$0x7], $0x80, s11, s17, $0xb8;
	[tilespmem:$0x1C800] =	vst v63  }
0x3e: {  	_ =	swait.ge [sflag:s10], $0x4000  }
0x3f: {  	[sflag:s10] =	ssyncset.done $0x0  }
0x40: {  	s24 =	rddreg [dreg:$0x8];
	[sflag:s10] =	ssyncadd.s32 $0xFFFFC000  }
0x41: {  	[tilespmem:s15], [sflag:$0x3] =	stream.indirect.gather [hbm4b:s1+s14], $0x80, s24, s14, $0xb8;
	[tilespmem:$0x1C800] =	vst v63  }
0x42: {  	s7 =	rddreg [dreg:$0x9]  }
0x43: {  	[tilespmem:s16], [sflag:$0x4] =	stream.indirect.gather [hbm4b:s1+s14], $0x80, s7, s14, $0xb8;
	[tilespmem:$0x1C800] =	vst v63  }
0x44: {  	_ =	swait.ge [sflag:s22], $0x2000  }
0x45: {  	[sflag:s22] =	ssyncset.done $0x0  }
0x46: {  	[sflag:s22] =	ssyncadd.s32 $0xFFFFE000  }
0x47: {  	_ =	swait.ge [sflag:s23], $0x2000  }
0x48: {  	[sflag:s23] =	ssyncset.done $0x0  }
0x49: {  	s9 =	rddreg [dreg:$0xa];
	[sflag:s23] =	ssyncadd.s32 $0xFFFFE000  }
0x4a: {  	[spmem:s3] =	stream.indirect.scatter.add.f32 [tilespmem:s18], [sflag:$0x7], $0x80, s9, s17, $0xb8;
	[tilespmem:$0x1C800] =	vst v63  }
0x4b: {  	_ =	swait.ge [sflag:s10], $0x4000  }
0x4c: {  	[sflag:s10] =	ssyncset.done $0x0  }
0x4d: {  	s24 =	rddreg [dreg:$0xb];
	[sflag:s10] =	ssyncadd.s32 $0xFFFFC000  }
0x4e: {  	[tilespmem:s18], [sflag:$0x5] =	stream.indirect.gather [hbm4b:s1+s14], $0x80, s24, s14, $0xb8;
	[tilespmem:$0x1C800] =	vst v63  }
0x4f: {  	s7 =	rddreg [dreg:$0xc]  }
0x50: {  	[tilespmem:s19], [sflag:$0x6] =	stream.indirect.gather [hbm4b:s1+s14], $0x80, s7, s14, $0xb8;
	[tilespmem:$0x1C800] =	vst v63  }
0x51: {  	_ =	swait.ge [sflag:s20], $0x2000  }
0x52: {  	[sflag:s20] =	ssyncset.done $0x0  }
0x53: {  	[sflag:s20] =	ssyncadd.s32 $0xFFFFE000  }
0x54: {  	_ =	swait.ge [sflag:s21], $0x2000  }
0x55: {  	[sflag:s21] =	ssyncset.done $0x0  }
0x56: {  	s9 =	rddreg [dreg:$0xd];
	[sflag:s21] =	ssyncadd.s32 $0xFFFFE000  }
0x57: {  	[spmem:s3] =	stream.indirect.scatter.add.f32 [tilespmem:s15], [sflag:$0x7], $0x80, s9, s17, $0xb8;
	[tilespmem:$0x1C800] =	vst v63  }
0x58: {  	_ =	swait.ge [sflag:s10], $0x4000  }
0x59: {  	[sflag:s10] =	ssyncset.done $0x0  }
0x5a: {  	s24 =	rddreg [dreg:$0xe];
	[sflag:s10] =	ssyncadd.s32 $0xFFFFC000  }
0x5b: {  	[tilespmem:s15], [sflag:$0x3] =	stream.indirect.gather [hbm4b:s1+s14], $0x80, s24, s14, $0xb8;
	[tilespmem:$0x1C800] =	vst v63  }
0x5c: {  	s7 =	rddreg [dreg:$0xf]  }
0x5d: {  	[tilespmem:s16], [sflag:$0x4] =	stream.indirect.gather [hbm4b:s1+s14], $0x80, s7, s14, $0xb8;
	[tilespmem:$0x1C800] =	vst v63  }
0x5e: {  	_ =	swait.ge [sflag:s22], $0x2000  }
0x5f: {  	[sflag:s22] =	ssyncset.done $0x0  }
0x60: {  	[sflag:s22] =	ssyncadd.s32 $0xFFFFE000  }
0x61: {  	_ =	swait.ge [sflag:s23], $0x2000  }
0x62: {  	[sflag:s23] =	ssyncset.done $0x0  }
0x63: {  	s9 =	rddreg [dreg:$0x10];
	[sflag:s23] =	ssyncadd.s32 $0xFFFFE000  }
0x64: {  	[spmem:s3] =	stream.indirect.scatter.add.f32 [tilespmem:s18], [sflag:$0x7], $0x80, s9, s17, $0xb8;
	[tilespmem:$0x1C800] =	vst v63  }
0x65: {  	_ =	swait.ge [sflag:s10], $0x4000  }
0x66: {  	[sflag:s10] =	ssyncset.done $0x0  }
0x67: {  	s24 =	simm.s32 $0x280;
	[sflag:s10] =	ssyncadd.s32 $0xFFFFC000  }
0x68: {  	[tilespmem:s18], [sflag:$0x5] =	stream.indirect.gather [hbm4b:s1+s14], $0x80, s24, s14, $0xb8;
	[tilespmem:$0x1C800] =	vst v63  }
0x69: {  	_ = 	snop  }
0x6a: {  	[tilespmem:s19], [sflag:$0x6] =	stream.indirect.gather [hbm4b:s1+s14], $0x80, s25, s14, $0xb8;
	[tilespmem:$0x1C800] =	vst v63  }
0x6b: {  	_ =	swait.ge [sflag:s20], $0x2000  }
0x6c: {  	[sflag:s20] =	ssyncset.done $0x0  }
0x6d: {  	[sflag:s20] =	ssyncadd.s32 $0xFFFFE000  }
0x6e: {  	_ =	swait.ge [sflag:s21], $0x2000  }
0x6f: {  	[sflag:s21] =	ssyncset.done $0x0  }
0x70: {  	[sflag:s21] =	ssyncadd.s32 $0xFFFFE000  }
0x71: {  	[spmem:s3] =	stream.indirect.scatter.add.f32 [tilespmem:s15], [sflag:$0x7], $0x80, s26, s17, $0xb8;
	[tilespmem:$0x1C800] =	vst v63  }
0x72: {  	_ =	swait.ge [sflag:s10], $0x4000  }
0x73: {  	[sflag:s10] =	ssyncset.done $0x0  }
0x74: {  	[sflag:s10] =	ssyncadd.s32 $0xFFFFC000  }
0x75: {  	[tilespmem:s15], [sflag:$0x3] =	stream.indirect.gather [hbm4b:s1+s14], $0x80, s28, s14, $0xb8;
	[tilespmem:$0x1C800] =	vst v63  }
0x76: {  	_ = 	snop  }
0x77: {  	[tilespmem:s16], [sflag:$0x4] =	stream.indirect.gather [hbm4b:s1+s14], $0x80, s29, s14, $0xb8;
	[tilespmem:$0x1C800] =	vst v63  }
0x78: {  	_ =	swait.ge [sflag:s22], $0x2000  }
0x79: {  	[sflag:s22] =	ssyncset.done $0x0  }
0x7a: {  	[sflag:s22] =	ssyncadd.s32 $0xFFFFE000  }
0x7b: {  	_ =	swait.ge [sflag:s23], $0x2000  }
0x7c: {  	[sflag:s23] =	ssyncset.done $0x0  }
0x7d: {  	[sflag:s23] =	ssyncadd.s32 $0xFFFFE000  }
0x7e: {  	[spmem:s3] =	stream.indirect.scatter.add.f32 [tilespmem:s18], [sflag:$0x7], $0x80, s30, s17, $0xb8;
	[tilespmem:$0x1C800] =	vst v63  }
0x7f: {  	_ =	swait.ge [sflag:s10], $0x4000  }
0x80: {  	[sflag:s10] =	ssyncset.done $0x0  }
0x81: {  	[sflag:s10] =	ssyncadd.s32 $0xFFFFC000  }
0x82: {  	[tilespmem:s18], [sflag:$0x5] =	stream.indirect.gather [hbm4b:s1+s14], $0x80, s31, s14, $0xb8;
	[tilespmem:$0x1C800] =	vst v63  }
0x83: {  	_ = 	snop  }
0x84: {  	[tilespmem:s19], [sflag:$0x6] =	stream.indirect.gather [hbm4b:s1+s14], $0x80, s0, s14, $0xb8;
	[tilespmem:$0x1C800] =	vst v63  }
0x85: {  	_ =	swait.ge [sflag:s20], $0x2000  }
0x86: {  	[sflag:s20] =	ssyncset.done $0x0  }
0x87: {  	[sflag:s20] =	ssyncadd.s32 $0xFFFFE000  }
0x88: {  	_ =	swait.ge [sflag:s21], $0x2000  }
0x89: {  	[sflag:s21] =	ssyncset.done $0x0  }
0x8a: {  	[sflag:s21] =	ssyncadd.s32 $0xFFFFE000  }
0x8b: {  	[spmem:s3] =	stream.indirect.scatter.add.f32 [tilespmem:s15], [sflag:$0x7], $0x80, s4, s17, $0xb8;
	[tilespmem:$0x1C800] =	vst v63  }
0x8c: {  	_ =	swait.ge [sflag:s10], $0x4000  }
0x8d: {  	[sflag:s10] =	ssyncset.done $0x0  }
0x8e: {  	[sflag:s10] =	ssyncadd.s32 $0xFFFFC000  }
0x8f: {  	_ =	swait.ge [sflag:s22], $0x2000  }
0x90: {  	[sflag:s22] =	ssyncset.done $0x0  }
0x91: {  	[sflag:s22] =	ssyncadd.s32 $0xFFFFE000  }
0x92: {  	_ =	swait.ge [sflag:s23], $0x2000  }
0x93: {  	[sflag:s23] =	ssyncset.done $0x0  }
0x94: {  	[sflag:s23] =	ssyncadd.s32 $0xFFFFE000  }
0x95: {  	[spmem:s3] =	stream.indirect.scatter.add.f32 [tilespmem:s18], [sflag:$0x7], $0x80, s2, s17, $0xb8;
	[tilespmem:$0x1C800] =	vst v63  }
0x96: {  	s6 =	simm.s32 $0x100;
	_ =	swait.ge [sflag:s10], $0x4000  }
0x97: {  	s8 =	simm.s32 $0x80;
	s9 =	rddreg [dreg:$0x6];
	[sflag:s10] =	ssyncset.done $0x0  }
.LBB2_2:
0x98: {  	[sflag:s10] =	ssyncadd.s32 $0xFFFFC000;
	s24 =	rddreg [dreg:$0x5];
	s9 =	sadd.s32 s8, s9  }
0x99: {  	[tilespmem:s5], [sflag:$0x1] =	stream.linear.gather [hbm4b:s9+s5], $0x400, $0x38;
	[tilespmem:$0x1C800] =	vst v63  }
0x9a: {  	s24 =	sadd.s32 s8, s24  }
0x9b: {  	[tilespmem:s11], [sflag:$0x2] =	stream.linear.gather [hbm4b:s24+s5], $0x400, $0x38;
	[tilespmem:$0x1C800] =	vst v63  }
0x9c: {  	_ =	swait.ge [sflag:s12], $0x400  }
0x9d: {  	[sflag:s12] =	ssyncset.done $0x0  }
0x9e: {  	[sflag:s12] =	ssyncadd.s32 $0xFFFFFC00  }
0x9f: {  	_ =	swait.ge [sflag:s13], $0x400  }
0xa0: {  	[sflag:s13] =	ssyncset.done $0x0  }
0xa1: {  	[sflag:s13] =	ssyncadd.s32 $0xFFFFFC00  }
0xa2: {  	[tilespmem:s15], [sflag:$0x3] =	stream.indirect.gather [hbm4b:s1+s14], $0x80, s5, s14, $0xb8;
	[tilespmem:$0x1C800] =	vst v63  }
0xa3: {  	_ = 	snop  }
0xa4: {  	[tilespmem:s16], [sflag:$0x4] =	stream.indirect.gather [hbm4b:s1+s14], $0x80, s14, s14, $0xb8;
	[tilespmem:$0x1C800] =	vst v63  }
0xa5: {  	_ = 	snop  }
0xa6: {  	[tilespmem:s18], [sflag:$0x5] =	stream.indirect.gather [hbm4b:s1+s14], $0x80, s17, s14, $0xb8;
	[tilespmem:$0x1C800] =	vst v63  }
0xa7: {  	s24 =	rddreg [dreg:$0x7]  }
0xa8: {  	[tilespmem:s19], [sflag:$0x6] =	stream.indirect.gather [hbm4b:s1+s14], $0x80, s24, s14, $0xb8;
	[tilespmem:$0x1C800] =	vst v63  }
0xa9: {  	_ =	swait.ge [sflag:s20], $0x2000  }
0xaa: {  	[sflag:s20] =	ssyncset.done $0x0  }
0xab: {  	[sflag:s20] =	ssyncadd.s32 $0xFFFFE000  }
0xac: {  	_ =	swait.ge [sflag:s21], $0x2000  }
0xad: {  	[sflag:s21] =	ssyncset.done $0x0  }
0xae: {  	[sflag:s21] =	ssyncadd.s32 $0xFFFFE000  }
0xaf: {  	[spmem:s3] =	stream.indirect.scatter.add.f32 [tilespmem:s15], [sflag:$0x7], $0x80, s11, s17, $0xb8;
	[tilespmem:$0x1C800] =	vst v63  }
0xb0: {  	_ =	swait.ge [sflag:s10], $0x4000  }
0xb1: {  	[sflag:s10] =	ssyncset.done $0x0  }
0xb2: {  	s9 =	rddreg [dreg:$0x8];
	[sflag:s10] =	ssyncadd.s32 $0xFFFFC000  }
0xb3: {  	[tilespmem:s15], [sflag:$0x3] =	stream.indirect.gather [hbm4b:s1+s14], $0x80, s9, s14, $0xb8;
	[tilespmem:$0x1C800] =	vst v63  }
0xb4: {  	s24 =	rddreg [dreg:$0x9]  }
0xb5: {  	[tilespmem:s16], [sflag:$0x4] =	stream.indirect.gather [hbm4b:s1+s14], $0x80, s24, s14, $0xb8;
	[tilespmem:$0x1C800] =	vst v63  }
0xb6: {  	_ =	swait.ge [sflag:s22], $0x2000  }
0xb7: {  	[sflag:s22] =	ssyncset.done $0x0  }
0xb8: {  	[sflag:s22] =	ssyncadd.s32 $0xFFFFE000  }
0xb9: {  	_ =	swait.ge [sflag:s23], $0x2000  }
0xba: {  	[sflag:s23] =	ssyncset.done $0x0  }
0xbb: {  	s24 =	rddreg [dreg:$0xa];
	[sflag:s23] =	ssyncadd.s32 $0xFFFFE000  }
0xbc: {  	[spmem:s3] =	stream.indirect.scatter.add.f32 [tilespmem:s18], [sflag:$0x7], $0x80, s24, s17, $0xb8;
	[tilespmem:$0x1C800] =	vst v63  }
0xbd: {  	_ =	swait.ge [sflag:s10], $0x4000  }
0xbe: {  	[sflag:s10] =	ssyncset.done $0x0  }
0xbf: {  	s9 =	rddreg [dreg:$0xb];
	[sflag:s10] =	ssyncadd.s32 $0xFFFFC000  }
0xc0: {  	[tilespmem:s18], [sflag:$0x5] =	stream.indirect.gather [hbm4b:s1+s14], $0x80, s9, s14, $0xb8;
	[tilespmem:$0x1C800] =	vst v63  }
0xc1: {  	s24 =	rddreg [dreg:$0xc]  }
0xc2: {  	[tilespmem:s19], [sflag:$0x6] =	stream.indirect.gather [hbm4b:s1+s14], $0x80, s24, s14, $0xb8;
	[tilespmem:$0x1C800] =	vst v63  }
0xc3: {  	_ =	swait.ge [sflag:s20], $0x2000  }
0xc4: {  	[sflag:s20] =	ssyncset.done $0x0  }
0xc5: {  	[sflag:s20] =	ssyncadd.s32 $0xFFFFE000  }
0xc6: {  	_ =	swait.ge [sflag:s21], $0x2000  }
0xc7: {  	[sflag:s21] =	ssyncset.done $0x0  }
0xc8: {  	s24 =	rddreg [dreg:$0xd];
	[sflag:s21] =	ssyncadd.s32 $0xFFFFE000  }
0xc9: {  	[spmem:s3] =	stream.indirect.scatter.add.f32 [tilespmem:s15], [sflag:$0x7], $0x80, s24, s17, $0xb8;
	[tilespmem:$0x1C800] =	vst v63  }
0xca: {  	_ =	swait.ge [sflag:s10], $0x4000  }
0xcb: {  	[sflag:s10] =	ssyncset.done $0x0  }
0xcc: {  	s9 =	rddreg [dreg:$0xe];
	[sflag:s10] =	ssyncadd.s32 $0xFFFFC000  }
0xcd: {  	[tilespmem:s15], [sflag:$0x3] =	stream.indirect.gather [hbm4b:s1+s14], $0x80, s9, s14, $0xb8;
	[tilespmem:$0x1C800] =	vst v63  }
0xce: {  	s24 =	rddreg [dreg:$0xf]  }
0xcf: {  	[tilespmem:s16], [sflag:$0x4] =	stream.indirect.gather [hbm4b:s1+s14], $0x80, s24, s14, $0xb8;
	[tilespmem:$0x1C800] =	vst v63  }
0xd0: {  	_ =	swait.ge [sflag:s22], $0x2000  }
0xd1: {  	[sflag:s22] =	ssyncset.done $0x0  }
0xd2: {  	[sflag:s22] =	ssyncadd.s32 $0xFFFFE000  }
0xd3: {  	_ =	swait.ge [sflag:s23], $0x2000  }
0xd4: {  	[sflag:s23] =	ssyncset.done $0x0  }
0xd5: {  	s9 =	rddreg [dreg:$0x10];
	[sflag:s23] =	ssyncadd.s32 $0xFFFFE000  }
0xd6: {  	[spmem:s3] =	stream.indirect.scatter.add.f32 [tilespmem:s18], [sflag:$0x7], $0x80, s9, s17, $0xb8;
	[tilespmem:$0x1C800] =	vst v63  }
0xd7: {  	_ =	swait.ge [sflag:s10], $0x4000  }
0xd8: {  	[sflag:s10] =	ssyncset.done $0x0  }
0xd9: {  	s24 =	simm.s32 $0x280;
	[sflag:s10] =	ssyncadd.s32 $0xFFFFC000  }
0xda: {  	[tilespmem:s18], [sflag:$0x5] =	stream.indirect.gather [hbm4b:s1+s14], $0x80, s24, s14, $0xb8;
	[tilespmem:$0x1C800] =	vst v63  }
0xdb: {  	_ = 	snop  }
0xdc: {  	[tilespmem:s19], [sflag:$0x6] =	stream.indirect.gather [hbm4b:s1+s14], $0x80, s25, s14, $0xb8;
	[tilespmem:$0x1C800] =	vst v63  }
0xdd: {  	_ =	swait.ge [sflag:s20], $0x2000  }
0xde: {  	[sflag:s20] =	ssyncset.done $0x0  }
0xdf: {  	[sflag:s20] =	ssyncadd.s32 $0xFFFFE000  }
0xe0: {  	_ =	swait.ge [sflag:s21], $0x2000  }
0xe1: {  	[sflag:s21] =	ssyncset.done $0x0  }
0xe2: {  	[sflag:s21] =	ssyncadd.s32 $0xFFFFE000  }
0xe3: {  	[spmem:s3] =	stream.indirect.scatter.add.f32 [tilespmem:s15], [sflag:$0x7], $0x80, s26, s17, $0xb8;
	[tilespmem:$0x1C800] =	vst v63  }
0xe4: {  	_ =	swait.ge [sflag:s10], $0x4000  }
0xe5: {  	[sflag:s10] =	ssyncset.done $0x0  }
0xe6: {  	[sflag:s10] =	ssyncadd.s32 $0xFFFFC000  }
0xe7: {  	[tilespmem:s15], [sflag:$0x3] =	stream.indirect.gather [hbm4b:s1+s14], $0x80, s28, s14, $0xb8;
	[tilespmem:$0x1C800] =	vst v63  }
0xe8: {  	_ = 	snop  }
0xe9: {  	[tilespmem:s16], [sflag:$0x4] =	stream.indirect.gather [hbm4b:s1+s14], $0x80, s29, s14, $0xb8;
	[tilespmem:$0x1C800] =	vst v63  }
0xea: {  	_ =	swait.ge [sflag:s22], $0x2000  }
0xeb: {  	[sflag:s22] =	ssyncset.done $0x0  }
0xec: {  	[sflag:s22] =	ssyncadd.s32 $0xFFFFE000  }
0xed: {  	_ =	swait.ge [sflag:s23], $0x2000  }
0xee: {  	[sflag:s23] =	ssyncset.done $0x0  }
0xef: {  	[sflag:s23] =	ssyncadd.s32 $0xFFFFE000  }
0xf0: {  	[spmem:s3] =	stream.indirect.scatter.add.f32 [tilespmem:s18], [sflag:$0x7], $0x80, s30, s17, $0xb8;
	[tilespmem:$0x1C800] =	vst v63  }
0xf1: {  	_ =	swait.ge [sflag:s10], $0x4000  }
0xf2: {  	[sflag:s10] =	ssyncset.done $0x0  }
0xf3: {  	[sflag:s10] =	ssyncadd.s32 $0xFFFFC000  }
0xf4: {  	[tilespmem:s18], [sflag:$0x5] =	stream.indirect.gather [hbm4b:s1+s14], $0x80, s31, s14, $0xb8;
	[tilespmem:$0x1C800] =	vst v63  }
0xf5: {  	_ = 	snop  }
0xf6: {  	[tilespmem:s19], [sflag:$0x6] =	stream.indirect.gather [hbm4b:s1+s14], $0x80, s0, s14, $0xb8;
	[tilespmem:$0x1C800] =	vst v63  }
0xf7: {  	_ =	swait.ge [sflag:s20], $0x2000  }
0xf8: {  	[sflag:s20] =	ssyncset.done $0x0  }
0xf9: {  	[sflag:s20] =	ssyncadd.s32 $0xFFFFE000  }
0xfa: {  	_ =	swait.ge [sflag:s21], $0x2000  }
0xfb: {  	[sflag:s21] =	ssyncset.done $0x0  }
0xfc: {  	[sflag:s21] =	ssyncadd.s32 $0xFFFFE000  }
0xfd: {  	[spmem:s3] =	stream.indirect.scatter.add.f32 [tilespmem:s15], [sflag:$0x7], $0x80, s4, s17, $0xb8;
	[tilespmem:$0x1C800] =	vst v63  }
0xfe: {  	_ =	swait.ge [sflag:s10], $0x4000  }
0xff: {  	[sflag:s10] =	ssyncset.done $0x0  }
0x100: {  	[sflag:s10] =	ssyncadd.s32 $0xFFFFC000  }
0x101: {  	_ =	swait.ge [sflag:s22], $0x2000  }
0x102: {  	[sflag:s22] =	ssyncset.done $0x0  }
0x103: {  	[sflag:s22] =	ssyncadd.s32 $0xFFFFE000  }
0x104: {  	p0 =	sne.s32 s6, $0x480;
	_ =	swait.ge [sflag:s23], $0x2000  }
.Ltmp0:
0x105: {  	[sflag:s23] =	ssyncset.done $0x0;
	(pc) =	sbr.rel @p0 .LBB2_2-.Ltmp0, $4  }
0x106: {  	[sflag:s23] =	ssyncadd.s32 $0xFFFFE000  }
0x107: {  	[spmem:s3] =	stream.indirect.scatter.add.f32 [tilespmem:s18], [sflag:$0x7], $0x80, s2, s17, $0xb8;
	[tilespmem:$0x1C800] =	vst v63  }
0x108: {  	s7 =	smov.u32 s6;
	s6 =	sadd.s32 $0x80, s6;
	_ =	swait.ge [sflag:s10], $0x4000  }
0x109: {  	s8 =	smov.u32 s7;
	s9 =	rddreg [dreg:$0x6];
	[sflag:s10] =	ssyncset.done $0x0  }
0x10a: {  	s6 =	rddreg [dreg:$0x5];
	[sflag:s10] =	ssyncadd.s32 $0xFFFFC000;
	s7 =	sadd.s32 s8, s9  }
0x10b: {  	[tilespmem:s5], [sflag:$0x1] =	stream.linear.gather [hbm4b:s7+s5], $0x400, $0x38;
	[tilespmem:$0x1C800] =	vst v63  }
0x10c: {  	s6 =	sadd.s32 s8, s6  }
0x10d: {  	[tilespmem:s11], [sflag:$0x2] =	stream.linear.gather [hbm4b:s6+s5], $0x400, $0x38;
	[tilespmem:$0x1C800] =	vst v63  }
0x10e: {  	_ =	swait.ge [sflag:s12], $0x400  }
0x10f: {  	[sflag:s12] =	ssyncset.done $0x0  }
0x110: {  	[sflag:s12] =	ssyncadd.s32 $0xFFFFFC00  }
0x111: {  	_ =	swait.ge [sflag:s13], $0x400  }
0x112: {  	[sflag:s13] =	ssyncset.done $0x0  }
0x113: {  	[sflag:s13] =	ssyncadd.s32 $0xFFFFFC00  }
0x114: {  	[tilespmem:s15], [sflag:$0x3] =	stream.indirect.gather [hbm4b:s1+s14], $0x80, s5, s14, $0xb8;
	[tilespmem:$0x1C800] =	vst v63  }
0x115: {  	_ = 	snop  }
0x116: {  	[tilespmem:s16], [sflag:$0x4] =	stream.indirect.gather [hbm4b:s1+s14], $0x80, s14, s14, $0xb8;
	[tilespmem:$0x1C800] =	vst v63  }
0x117: {  	_ = 	snop  }
0x118: {  	[tilespmem:s18], [sflag:$0x5] =	stream.indirect.gather [hbm4b:s1+s14], $0x80, s17, s14, $0xb8;
	[tilespmem:$0x1C800] =	vst v63  }
0x119: {  	s8 =	rddreg [dreg:$0x7]  }
0x11a: {  	[tilespmem:s19], [sflag:$0x6] =	stream.indirect.gather [hbm4b:s1+s14], $0x80, s8, s14, $0xb8;
	[tilespmem:$0x1C800] =	vst v63  }
0x11b: {  	_ =	swait.ge [sflag:s20], $0x2000  }
0x11c: {  	[sflag:s20] =	ssyncset.done $0x0  }
0x11d: {  	[sflag:s20] =	ssyncadd.s32 $0xFFFFE000  }
0x11e: {  	_ =	swait.ge [sflag:s21], $0x2000  }
0x11f: {  	[sflag:s21] =	ssyncset.done $0x0  }
0x120: {  	[sflag:s21] =	ssyncadd.s32 $0xFFFFE000  }
0x121: {  	[spmem:s3] =	stream.indirect.scatter.add.f32 [tilespmem:s15], [sflag:$0x7], $0x80, s11, s17, $0xb8;
	[tilespmem:$0x1C800] =	vst v63  }
0x122: {  	_ =	swait.ge [sflag:s10], $0x4000  }
0x123: {  	[sflag:s10] =	ssyncset.done $0x0  }
0x124: {  	s9 =	rddreg [dreg:$0x8];
	[sflag:s10] =	ssyncadd.s32 $0xFFFFC000  }
0x125: {  	[tilespmem:s15], [sflag:$0x3] =	stream.indirect.gather [hbm4b:s1+s14], $0x80, s9, s14, $0xb8;
	[tilespmem:$0x1C800] =	vst v63  }
0x126: {  	s24 =	rddreg [dreg:$0x9]  }
0x127: {  	[tilespmem:s16], [sflag:$0x4] =	stream.indirect.gather [hbm4b:s1+s14], $0x80, s24, s14, $0xb8;
	[tilespmem:$0x1C800] =	vst v63  }
0x128: {  	_ =	swait.ge [sflag:s22], $0x2000  }
0x129: {  	[sflag:s22] =	ssyncset.done $0x0  }
0x12a: {  	[sflag:s22] =	ssyncadd.s32 $0xFFFFE000  }
0x12b: {  	_ =	swait.ge [sflag:s23], $0x2000  }
0x12c: {  	[sflag:s23] =	ssyncset.done $0x0  }
0x12d: {  	s8 =	rddreg [dreg:$0xa];
	[sflag:s23] =	ssyncadd.s32 $0xFFFFE000  }
0x12e: {  	[spmem:s3] =	stream.indirect.scatter.add.f32 [tilespmem:s18], [sflag:$0x7], $0x80, s8, s17, $0xb8;
	[tilespmem:$0x1C800] =	vst v63  }
0x12f: {  	_ =	swait.ge [sflag:s10], $0x4000  }
0x130: {  	[sflag:s10] =	ssyncset.done $0x0  }
0x131: {  	s9 =	rddreg [dreg:$0xb];
	[sflag:s10] =	ssyncadd.s32 $0xFFFFC000  }
0x132: {  	[tilespmem:s18], [sflag:$0x5] =	stream.indirect.gather [hbm4b:s1+s14], $0x80, s9, s14, $0xb8;
	[tilespmem:$0x1C800] =	vst v63  }
0x133: {  	s24 =	rddreg [dreg:$0xc]  }
0x134: {  	[tilespmem:s19], [sflag:$0x6] =	stream.indirect.gather [hbm4b:s1+s14], $0x80, s24, s14, $0xb8;
	[tilespmem:$0x1C800] =	vst v63  }
0x135: {  	_ =	swait.ge [sflag:s20], $0x2000  }
0x136: {  	[sflag:s20] =	ssyncset.done $0x0  }
0x137: {  	[sflag:s20] =	ssyncadd.s32 $0xFFFFE000  }
0x138: {  	_ =	swait.ge [sflag:s21], $0x2000  }
0x139: {  	[sflag:s21] =	ssyncset.done $0x0  }
0x13a: {  	s8 =	rddreg [dreg:$0xd];
	[sflag:s21] =	ssyncadd.s32 $0xFFFFE000  }
0x13b: {  	[spmem:s3] =	stream.indirect.scatter.add.f32 [tilespmem:s15], [sflag:$0x7], $0x80, s8, s17, $0xb8;
	[tilespmem:$0x1C800] =	vst v63  }
0x13c: {  	_ =	swait.ge [sflag:s10], $0x4000  }
0x13d: {  	[sflag:s10] =	ssyncset.done $0x0  }
0x13e: {  	s9 =	rddreg [dreg:$0xe];
	[sflag:s10] =	ssyncadd.s32 $0xFFFFC000  }
0x13f: {  	[tilespmem:s15], [sflag:$0x3] =	stream.indirect.gather [hbm4b:s1+s14], $0x80, s9, s14, $0xb8;
	[tilespmem:$0x1C800] =	vst v63  }
0x140: {  	s24 =	rddreg [dreg:$0xf]  }
0x141: {  	[tilespmem:s16], [sflag:$0x4] =	stream.indirect.gather [hbm4b:s1+s14], $0x80, s24, s14, $0xb8;
	[tilespmem:$0x1C800] =	vst v63  }
0x142: {  	_ =	swait.ge [sflag:s22], $0x2000  }
0x143: {  	[sflag:s22] =	ssyncset.done $0x0  }
0x144: {  	[sflag:s22] =	ssyncadd.s32 $0xFFFFE000  }
0x145: {  	_ =	swait.ge [sflag:s23], $0x2000  }
0x146: {  	[sflag:s23] =	ssyncset.done $0x0  }
0x147: {  	s8 =	rddreg [dreg:$0x10];
	[sflag:s23] =	ssyncadd.s32 $0xFFFFE000  }
0x148: {  	[spmem:s3] =	stream.indirect.scatter.add.f32 [tilespmem:s18], [sflag:$0x7], $0x80, s8, s17, $0xb8;
	[tilespmem:$0x1C800] =	vst v63  }
0x149: {  	_ =	swait.ge [sflag:s10], $0x4000  }
0x14a: {  	[sflag:s10] =	ssyncset.done $0x0  }
0x14b: {  	s9 =	simm.s32 $0x280;
	[sflag:s10] =	ssyncadd.s32 $0xFFFFC000  }
0x14c: {  	[tilespmem:s18], [sflag:$0x5] =	stream.indirect.gather [hbm4b:s1+s14], $0x80, s9, s14, $0xb8;
	[tilespmem:$0x1C800] =	vst v63  }
0x14d: {  	_ = 	snop  }
0x14e: {  	[tilespmem:s19], [sflag:$0x6] =	stream.indirect.gather [hbm4b:s1+s14], $0x80, s25, s14, $0xb8;
	[tilespmem:$0x1C800] =	vst v63  }
0x14f: {  	_ =	swait.ge [sflag:s20], $0x2000  }
0x150: {  	[sflag:s20] =	ssyncset.done $0x0  }
0x151: {  	[sflag:s20] =	ssyncadd.s32 $0xFFFFE000  }
0x152: {  	_ =	swait.ge [sflag:s21], $0x2000  }
0x153: {  	[sflag:s21] =	ssyncset.done $0x0  }
0x154: {  	[sflag:s21] =	ssyncadd.s32 $0xFFFFE000  }
0x155: {  	[spmem:s3] =	stream.indirect.scatter.add.f32 [tilespmem:s15], [sflag:$0x7], $0x80, s26, s17, $0xb8;
	[tilespmem:$0x1C800] =	vst v63  }
0x156: {  	_ =	swait.ge [sflag:s10], $0x4000  }
0x157: {  	[sflag:s10] =	ssyncset.done $0x0  }
0x158: {  	[sflag:s10] =	ssyncadd.s32 $0xFFFFC000  }
0x159: {  	[tilespmem:s15], [sflag:$0x3] =	stream.indirect.gather [hbm4b:s1+s14], $0x80, s28, s14, $0xb8;
	[tilespmem:$0x1C800] =	vst v63  }
0x15a: {  	_ = 	snop  }
0x15b: {  	[tilespmem:s16], [sflag:$0x4] =	stream.indirect.gather [hbm4b:s1+s14], $0x80, s29, s14, $0xb8;
	[tilespmem:$0x1C800] =	vst v63  }
0x15c: {  	_ =	swait.ge [sflag:s22], $0x2000  }
0x15d: {  	[sflag:s22] =	ssyncset.done $0x0  }
0x15e: {  	[sflag:s22] =	ssyncadd.s32 $0xFFFFE000  }
0x15f: {  	_ =	swait.ge [sflag:s23], $0x2000  }
0x160: {  	[sflag:s23] =	ssyncset.done $0x0  }
0x161: {  	[sflag:s23] =	ssyncadd.s32 $0xFFFFE000  }
0x162: {  	[spmem:s3] =	stream.indirect.scatter.add.f32 [tilespmem:s18], [sflag:$0x7], $0x80, s30, s17, $0xb8;
	[tilespmem:$0x1C800] =	vst v63  }
0x163: {  	_ =	swait.ge [sflag:s10], $0x4000  }
0x164: {  	[sflag:s10] =	ssyncset.done $0x0  }
0x165: {  	[sflag:s10] =	ssyncadd.s32 $0xFFFFC000  }
0x166: {  	[tilespmem:s18], [sflag:$0x5] =	stream.indirect.gather [hbm4b:s1+s14], $0x80, s31, s14, $0xb8;
	[tilespmem:$0x1C800] =	vst v63  }
0x167: {  	_ = 	snop  }
0x168: {  	[tilespmem:s19], [sflag:$0x6] =	stream.indirect.gather [hbm4b:s1+s14], $0x80, s0, s14, $0xb8;
	[tilespmem:$0x1C800] =	vst v63  }
0x169: {  	_ =	swait.ge [sflag:s20], $0x2000  }
0x16a: {  	[sflag:s20] =	ssyncset.done $0x0  }
0x16b: {  	[sflag:s20] =	ssyncadd.s32 $0xFFFFE000  }
0x16c: {  	_ =	swait.ge [sflag:s21], $0x2000  }
0x16d: {  	[sflag:s21] =	ssyncset.done $0x0  }
0x16e: {  	[sflag:s21] =	ssyncadd.s32 $0xFFFFE000  }
0x16f: {  	[spmem:s3] =	stream.indirect.scatter.add.f32 [tilespmem:s15], [sflag:$0x7], $0x80, s4, s17, $0xb8;
	[tilespmem:$0x1C800] =	vst v63  }
0x170: {  	_ =	swait.ge [sflag:s10], $0x4000  }
0x171: {  	[sflag:s10] =	ssyncset.done $0x0  }
0x172: {  	[sflag:s10] =	ssyncadd.s32 $0xFFFFC000  }
0x173: {  	_ =	swait.ge [sflag:s22], $0x2000  }
0x174: {  	[sflag:s22] =	ssyncset.done $0x0  }
0x175: {  	[sflag:s22] =	ssyncadd.s32 $0xFFFFE000  }
0x176: {  	_ =	swait.ge [sflag:s23], $0x2000  }
0x177: {  	[sflag:s23] =	ssyncset.done $0x0  }
0x178: {  	[sflag:s23] =	ssyncadd.s32 $0xFFFFE000  }
0x179: {  	[spmem:s3] =	stream.indirect.scatter.add.f32 [tilespmem:s18], [sflag:$0x7], $0x80, s2, s17, $0xb8;
	[tilespmem:$0x1C800] =	vst v63  }
0x17a: {  	_ =	swait.ge [sflag:s10], $0x4000  }
0x17b: {  	[sflag:s10] =	ssyncset.done $0x0  }
0x17c: {  	[sflag:s10] =	ssyncadd.s32 $0xFFFFC000  }
0x17d: {  	[bflag:$0x0] =	sbarrier.arrive $0xFFFF  }
0x17e: {  	s8 =	rddreg [dreg:$0x11]  }
0x17f: {  	s24 =	rddreg [dreg:$0x12]  }
0x180: {  	s7 =	rddreg [dreg:$0x14]  }
0x181: {  	[hbm:s24], [sflag:s8] =	dma.local [spmem:s7], $0x2800  }
0x182: {  	_ =	swait.ge [sflag:s10], $0x2800  }
0x183: {  	s6 =	rddreg [dreg:$0x15]  }
0x184: {  	s24 =	rddreg [dreg:$0x13];
	s9 =	sadd.s32 $0x1, s6  }
0x185: {  	p0 =	sne.s32 s9, s24  }
.Ltmp1:
0x186: {  	_ = 	snop;
	(pc) =	sbr.rel @p0 .LBB2_1-.Ltmp1, $3  }
0x187: {  	_ =	sdelay $0x1  }
0x188: {  	[sflag:s10] =	ssyncset.done $0x0  }
0x189: {  	[sflag:s10] =	ssyncadd.s32 $0xFFFFD800  }
0x18a: {  	_ =	sfence.sel $0x180000  }
0x18b: {  	[bflag:$0x0] =	sbarrier.arrive $0xFFFF  }
0x18c: {  	_ =	strace $0x90000047  }
0x18d: {  	s0 =	stileid.u32;
	[bflag:$0x2] =	sbarrier.arrive $0xFFFF  }
0x18e: {  	p0 =	sne.s32 s0, $0x0;
	s0 =	rddreg [dreg:$0x4]  }
0x18f: {  	s0 =	sadd.s32 @!p0 $0x100000, s0  }
0x190: {  	[sflag:s0] =	ssyncadd.tile.s32 @!p0 $0x1;
	_ =	shalt  }
.Lfunc_end2:
_tile_overlayer_lowered:
.L_overlay_start_2:
0x191: {  	(tag) =	ssettag $0x2  }
0x192: {  	s0 =	rddreg [dreg:$0x0];
	s2 =	stileid.u32  }
0x193: {  	s1 =	rddreg [dreg:$0x1];
	p0 =	sne.s32 s2, $0x0  }
0x194: {  	s3 =	rddreg [dreg:$0x2];
	[bflag:$0x3] =	sbarrier.arrive $0xFFFF;
	s2 =	simm.s32 @!p0 $0x1C07  }
0x195: {  	[timem:s3], [sflag:s2] =	dma.local @!p0 [hbm:s0], s1  }
0x196: {  	s0 =	simm.s32 @!p0 $0x7  }
0x197: {  	_ =	swait.ge @!p0 [sflag:s0], s1  }
0x198: {  	s1 =	ssub.s32 @!p0 $0x0, s1;
	[sflag:s0] =	ssyncset.done @!p0 $0x0  }
0x199: {  	[sflag:s0] =	ssyncadd.s32 @!p0 s1  }
0x19a: {  	[bflag:$0x3] =	sbarrier.arrive $0xFFFF  }
0x19b: {  	_ =	shalt  }

// kernel: kernel.13.cloned.1.call-start
scs
__scs_entry_jumppad:
0x0: {  	(pc) =	sbr.rel $0x88, $3  }
0x1: {  	(tag) =	ssettag $0x0;
	lr =	simm.s32 $0x1  }
0x2: {  	[smem:$0x3F99] =	sst lr;
	_ =	strace $0xD0000000  }
0x3: {  	_ = 	snop  }
0x4: {  	_ = 	snop  }
0x5: {  	_ = 	snop  }
0x6: {  	_ = 	snop  }
0x7: {  	_ = 	snop  }
__scs_overlays_trampoline_lowered:
0x8: {  	[smem:$0x3FA8] =	sst s0  }
0x9: {  	[smem:$0x3FA9] =	sst s1  }
0xa: {  	[smem:$0x3FAA] =	sst s2  }
0xb: {  	[smem:$0x3FAB] =	sst s3  }
0xc: {  	[smem:$0x3FAC] =	sst s4  }
0xd: {  	[smem:$0x3FAD] =	sst s5  }
0xe: {  	[smem:$0x3FAE] =	sst s6  }
0xf: {  	[smem:$0x3FAF] =	sst s7  }
0x10: {  	[smem:$0x3FB0] =	sst s8  }
0x11: {  	[smem:$0x3FB1] =	sst s9;
	s0 =	simm.s32 @!p0 $0x0  }
0x12: {  	s1 =	sld [smem:$0x3F97];
	s0 =	simm.s32 @p0 $0x1  }
0x13: {  	[smem:$0x3FB2] =	sst s0;
	s0 =	simm.s32 @!p1 $0x0  }
0x14: {  	s2 =	sld [smem:$0x3F96];
	s0 =	simm.s32 @p1 $0x1  }
0x15: {  	[smem:$0x3FB3] =	sst s0;
	s0 =	simm.s32 @!p2 $0x0  }
0x16: {  	s3 =	sld [smem:$0x3FDB];
	s0 =	simm.s32 @p2 $0x1  }
0x17: {  	s4 =	simm.s32 $0x1BF5;
	[smem:$0x3FB5] =	sst s0  }
0x18: {  	s0 =	sld [smem:$0x3F98];
	_ =	swait.ge [sflag:s4], $0x0  }
0x19: {  	s7 =	sld [smem:$0x3F99]  }
0x1a: {  	s8 =	sadd.s32 $0xFFFFE003, lr  }
0x1b: {  	s9 =	sadd.s32 $0xFFFFFEF7, lr;
	s5 =	simm.s32 $0xFFFFFFFF;
	p2 =	slt.u32 s8, $0xFFFFF086  }
0x1c: {  	p1 =	slt.u32 s9, $0xF7A;
	s5 =	simm.s32 @!p2 $0x0  }
0x1d: {  	s5 =	simm.s32 @p1 $0x1;
	p0 =	seq.s32 s7, s2  }
0x1e: {  	s7 =	smul.u32 @!p0 $0xF7A, s2;
	p2 =	seq.s32 @!p0 s5, $0x0  }
0x1f: {  	s9 =	smul.u32 $0xF7A, s1;
	s8 =	simm.s32 @!p0 $0x1BF5;
	p2 =	por !p2, p0  }
0x20: {  	[sflag:s8] =	ssyncset.s32 @!p0 $0xFFFFF086;
	s6 =	sadd.s32 @!p0 s3, s7;
	s7 =	simm.s32 @!p0 $0x108  }
0x21: {  	s3 =	sadd.s32 s3, s9;
	s6 =	sadd.s32 @!p0 $0x88, s6;
	s7 =	simm.s32 @p2 $0x1082  }
0x22: {  	[simem:s7], [sflag:s8] =	dma.local @!p0 [hbm:s6], $0xF7A  }
0x23: {  	s9 =	sor.u32 $0xD0000000, s2;
	s6 =	simm.s32 $0x108;
	_ =	swait.ge @!p0 [sflag:s8], $0x0  }
0x24: {  	s3 =	sadd.s32 $0x88, s3;
	s6 =	simm.s32 @!p1 $0x1082;
	[sflag:s4] =	ssyncset.s32 $0xFFFFF086  }
0x25: {  	[simem:s6], [sflag:s4] =	dma.local [hbm:s3], $0xF7A  }
0x26: {  	[smem:$0x3F99] =	sst s1;
	(tag) =	ssettag s2;
	_ =	strace s9  }
0x27: {  	s1 =	sld [smem:$0x3FA9]  }
0x28: {  	s2 =	sld [smem:$0x3FAA]  }
0x29: {  	s4 =	sld [smem:$0x3FAC]  }
0x2a: {  	p0 =	seq.s32 s5, $0x0;
	s5 =	sld [smem:$0x3FAD]  }
0x2b: {  	s6 =	sld [smem:$0x3FAE]  }
0x2c: {  	s7 =	sld [smem:$0x3FAF]  }
0x2d: {  	s3 =	simm.s32 $0x108;
	s8 =	sld [smem:$0x3FB0]  }
0x2e: {  	s3 =	simm.s32 @!p0 $0x1082;
	s9 =	sld [smem:$0x3FB1]  }
0x2f: {  	lr =	sadd.s32 s0, s3;
	s0 =	sld [smem:$0x3FA8]  }
0x30: {  	s3 =	sld [smem:$0x3FAB]  }
0x31: {  	[smem:$0x3FB4] =	sst s10  }
0x32: {  	s10 =	sld [smem:$0x3FB2];
	_ =	sdelay $0x3  }
0x33: {  	p0 =	seq.s32 s10, $0x1;
	s10 =	sld [smem:$0x3FB4];
	_ =	sdelay $0x3  }
0x34: {  	[smem:$0x3FB4] =	sst s10  }
0x35: {  	s10 =	sld [smem:$0x3FB3];
	_ =	sdelay $0x3  }
0x36: {  	p1 =	seq.s32 s10, $0x1;
	s10 =	sld [smem:$0x3FB4];
	_ =	sdelay $0x3  }
0x37: {  	[smem:$0x3FB4] =	sst s10  }
0x38: {  	s10 =	sld [smem:$0x3FB5]  }
0x39: {  	_ = 	snop;
	(pc) =	sbr.ind lr, $3  }
0x3a: {  	_ = 	snop  }
0x3b: {  	_ = 	snop  }
0x3c: {  	p2 =	seq.s32 s10, $0x1;
	s10 =	sld [smem:$0x3FB4]  }
0x3d: {  	_ =	shalt  }
0x3e: {  	_ =	shalt  }
0x3f: {  	_ =	shalt  }
0x40: {  	_ =	shalt  }
0x41: {  	_ =	shalt  }
0x42: {  	_ =	shalt  }
0x43: {  	_ =	shalt  }
0x44: {  	_ =	shalt  }
0x45: {  	_ =	shalt  }
0x46: {  	_ =	shalt  }
0x47: {  	_ =	shalt  }
0x48: {  	_ =	shalt  }
0x49: {  	_ =	shalt  }
0x4a: {  	_ =	shalt  }
0x4b: {  	_ =	shalt  }
0x4c: {  	_ =	shalt  }
0x4d: {  	_ =	shalt  }
0x4e: {  	_ =	shalt  }
0x4f: {  	_ =	shalt  }
0x50: {  	_ =	shalt  }
0x51: {  	_ =	shalt  }
0x52: {  	_ =	shalt  }
0x53: {  	_ =	shalt  }
0x54: {  	_ =	shalt  }
0x55: {  	_ =	shalt  }
0x56: {  	_ =	shalt  }
0x57: {  	_ =	shalt  }
0x58: {  	_ =	shalt  }
0x59: {  	_ =	shalt  }
0x5a: {  	_ =	shalt  }
0x5b: {  	_ =	shalt  }
0x5c: {  	_ =	shalt  }
0x5d: {  	_ =	shalt  }
0x5e: {  	_ =	shalt  }
0x5f: {  	_ =	shalt  }
0x60: {  	_ =	shalt  }
0x61: {  	_ =	shalt  }
0x62: {  	_ =	shalt  }
0x63: {  	_ =	shalt  }
0x64: {  	_ =	shalt  }
0x65: {  	_ =	shalt  }
0x66: {  	_ =	shalt  }
0x67: {  	_ =	shalt  }
0x68: {  	_ =	shalt  }
0x69: {  	_ =	shalt  }
0x6a: {  	_ =	shalt  }
0x6b: {  	_ =	shalt  }
0x6c: {  	_ =	shalt  }
0x6d: {  	_ =	shalt  }
0x6e: {  	_ =	shalt  }
0x6f: {  	_ =	shalt  }
0x70: {  	_ =	shalt  }
0x71: {  	_ =	shalt  }
0x72: {  	_ =	shalt  }
0x73: {  	_ =	shalt  }
0x74: {  	_ =	shalt  }
0x75: {  	_ =	shalt  }
0x76: {  	_ =	shalt  }
0x77: {  	_ =	shalt  }
0x78: {  	_ =	shalt  }
0x79: {  	_ =	shalt  }
0x7a: {  	_ =	shalt  }
0x7b: {  	_ =	shalt  }
0x7c: {  	_ =	shalt  }
0x7d: {  	_ =	shalt  }
0x7e: {  	_ =	shalt  }
0x7f: {  	_ =	shalt  }
0x80: {  	_ =	shalt  }
0x81: {  	_ =	shalt  }
0x82: {  	_ =	shalt  }
0x83: {  	_ =	shalt  }
0x84: {  	_ =	shalt  }
0x85: {  	_ =	shalt  }
0x86: {  	_ =	shalt  }
0x87: {  	_ =	shalt  }
.Lfunc_end0:
.L_simem_size_0:
called_computation.2_lowered:
.L_overlay_start_0:
0x88: {  	s2 =	sld [smem:$0x3FD9]  }
0x89: {  	s3 =	sld [smem:$0x3FFE];
	_ =	sdelay $0x1  }
0x8a: {  	s1 =	srdreg.scid  }
0x8b: {  	s0 =	sand.u32 $0x1, s1  }
0x8c: {  	s17 =	sshll.u32 s0, $0xA;
	s2 =	sadd.s32 s3, s2  }
0x8d: {  	s2 =	sadd.s32 s2, s17  }
0x8e: {  	[smem:$0x3FC0] =	sst s2  }
0x8f: {  	_ = 	snop  }
0x90: {  	s2 =	sld [smem:$0x3FD0];
	(tm) =	ssettm $0x1  }
0x91: {  	s18 =	sld [smem:$0x3FFB];
	_ =	sdelay $0x3  }
0x92: {  	_ =	strace s18  }
0x93: {  	s3 =	sld [smem:$0x3FFC];
	_ =	sdelay $0x3  }
0x94: {  	_ =	strace s3  }
0x95: {  	s3 =	sld [smem:$0x3FFD];
	_ =	sdelay $0x3  }
0x96: {  	_ =	strace s3  }
0x97: {  	_ =	strace $0x8FFFFFFF  }
0x98: {  	s19 =	sld [smem:$0x3FDB];
	_ =	sdelay $0x1  }
0x99: {  	s4 =	simm.s32 $_scs_section_size  }
0x9a: {  	s5 =	simm.s32 $_size__tile_overlayer_lowered;
	s6 =	simm.s32 $_tile_overlayer_lowered  }
0x9b: {  	s22 =	simm.s32 $0x1BFF;
	s21 =	sshll.u32 s6, $0x1;
	s3 =	sadd.s32 s4, s19  }
0x9c: {  	s7 =	simm.s32 $0x0;
	s20 =	sshll.u32 s5, $0x1;
	s5 =	sadd.s32 s21, s3  }
0x9d: {  	[timem:s7], [sflag:s22] =	dma.local [hbm:s5], s20  }
0x9e: {  	_ =	swait.ge [sflag:s22], s20  }
0x9f: {  	s4 =	ssub.s32 $0x0, s20;
	[sflag:s22] =	ssyncset.done $0x0  }
0xa0: {  	[sflag:s22] =	ssyncadd.s32 s4;
	_ =	sdelay $0x1  }
0xa1: {  	s23 =	simm.s32 $0x1B8B  }
0xa2: {  	_ =	swait.ge [sflag:s23], $0x1  }
0xa3: {  	[sflag:s23] =	ssyncset.done $0x0  }
0xa4: {  	s25 =	simm.s32 $0x1B8E;
	s24 =	sld [smem:$0x3FFE];
	[sflag:s23] =	ssyncadd.s32 $0xFFFFFFFF  }
0xa5: {  	s26 =	simm.s32 $execute0_lowered;
	[smem:$0x3FD2] =	sst s25  }
0xa6: {  	s5 =	sshll.u32 s26, $0x1;
	_ =	strace $0x8000004C;
	[dreg:$0x1] =	wrdreg $0xFFFFFFFF  }
0xa7: {  	s28 =	simm.s32 $_size_execute0_lowered;
	s3 =	sadd.s32 s3, s5;
	[dreg:$0x0] =	wrdreg $0x0  }
0xa8: {  	s5 =	sshll.u32 s28, $0x1;
	[dreg:$0x2] =	wrdreg s3  }
0xa9: {  	[dreg:$0x3] =	wrdreg s5  }
0xaa: {  	[dreg:$0x4] =	wrdreg $0xC0  }
0xab: {  	_ =	task [dreg:s7], $0x5FFFF  }
0xac: {  	[dreg:$0x1] =	wrdreg $0xFFFFFFFF  }
0xad: {  	[dreg:$0x0] =	wrdreg $0x60  }
0xae: {  	[dreg:$0x2] =	wrdreg s24  }
0xaf: {  	[dreg:$0x3] =	wrdreg s2  }
0xb0: {  	[dreg:$0x4] =	wrdreg $0x88000  }
0xb1: {  	[dreg:$0x5] =	wrdreg $0x9  }
0xb2: {  	_ =	task.clear_ibuf [dreg:s7], $0x6FFFF;
	_ =	strace $0x9000004C  }
0xb3: {  	s29 =	simm.s32 $0x9;
	_ =	strace $0x8000004E  }
0xb4: {  	_ =	swait.ge [sflag:s29], $0x1  }
0xb5: {  	[sflag:s29] =	ssyncadd.s32 $0xFFFFFFFF  }
0xb6: {  	_ =	strace $0x9000004E  }
0xb7: {  	_ =	sfence  }
0xb8: {  	s30 =	sld [smem:$0x0];
	_ =	sdelay $0x2  }
0xb9: {  	s31 =	sshll.u32 s1, $0xD;
	s1 =	sshrl.u32 s1, $0x2  }
0xba: {  	s3 =	sand.u32 $0x4000, s31;
	s1 =	sadd.s32 s1, s30  }
0xbb: {  	s0 =	sor.u32 s3, s0;
	s1 =	sshll.u32 s1, $0x11  }
0xbc: {  	s0 =	sor.u32 s1, s0  }
0xbd: {  	s0 =	sadd.s32 $0x8F2B, s0  }
0xbe: {  	[sflag:s0] =	ssyncadd.remote.s32 $0x1  }
0xbf: {  	_ =	sfence.sel $0xFFFF  }
0xc0: {  	[dreg:$0x0] =	wrdreg $0xFFFFFFFF;
	(pc) =	sbr.abs _section_cstart, $3  }
0xc1: {  	[dreg:$0x1] =	wrdreg $0xFFFFFFFF  }
0xc2: {  	_ =	task.clear_ibuf [dreg:s7], $0x2FFFF;
	_ =	strace $0x9FFFFFFF  }
0xc3: {  	(tm) =	ssettm $0x7FFFFFFF  }
tec
execute0_lowered:
.L_overlay_start_1:
0x0: {  	(tag) =	ssettag $0x1  }
0x1: {  	s0 =	rddreg [dreg:$0x0]  }
0x2: {  	s2 =	rddreg [dreg:$0x2];
	s1 =	srdreg.scid  }
0x3: {  	s4 =	simm.s32 $0x0;
	s10 =	stileid.u32;
	s11 =	simm.s32 $0x400  }
0x4: {  	s17 =	simm.s32 $0xC0;
	s18 =	simm.s32 $0x100;
	s19 =	simm.s32 $0x140  }
0x5: {  	s20 =	simm.s32 $0x480;
	s21 =	simm.s32 $0x180;
	s22 =	simm.s32 $0x1C0  }
0x6: {  	s23 =	simm.s32 $0x500;
	s24 =	simm.s32 $0x200;
	s25 =	simm.s32 $0x240  }
0x7: {  	s26 =	simm.s32 $0x580;
	s28 =	simm.s32 $0x300;
	s29 =	simm.s32 $0x340  }
0x8: {  	s30 =	simm.s32 $0x680;
	s31 =	simm.s32 $0x380;
	[smem:$0x7FF] =	sst s4  }
0x9: {  	s6 =	smul.u32 $0x14000, s10;
	_ =	strace $0x8000004D;
	[dreg:$0x6] =	wrdreg s17  }
0xa: {  	s1 =	sand.u32 $0x1, s1;
	s12 =	smul.u32 $0x50000, s10;
	[dreg:$0x7] =	wrdreg s18  }
0xb: {  	s5 =	sadd.s32 $0x16000, s0;
	s9 =	smul.u32 $0x500, s10;
	[dreg:$0x8] =	wrdreg s19  }
0xc: {  	s14 =	sshll.u32 s10, $0x6;
	s3 =	smul.u32 $0x140000, s1;
	[dreg:$0x9] =	wrdreg s20  }
0xd: {  	s10 =	simm.s32 $0x7;
	s7 =	smul.u32 $0x5000, s1;
	[dreg:$0xa] =	wrdreg s21  }
0xe: {  	s1 =	ssub.s32 $0x2, s1;
	s17 =	simm.s32 $0x80;
	[dreg:$0xb] =	wrdreg s22  }
0xf: {  	s18 =	simm.s32 $0x4800;
	s19 =	simm.s32 $0x6800;
	[dreg:$0xc] =	wrdreg s23  }
0x10: {  	s20 =	simm.s32 $0x3;
	s21 =	simm.s32 $0x4;
	[dreg:$0xd] =	wrdreg s24  }
0x11: {  	s22 =	simm.s32 $0x5;
	s23 =	simm.s32 $0x6;
	[dreg:$0xe] =	wrdreg s25  }
0x12: {  	[dreg:$0xf] =	wrdreg s26;
	s25 =	simm.s32 $0x2C0;
	s26 =	simm.s32 $0x600  }
0x13: {  	s8 =	sshrl.u32 s1, $0x1;
	s13 =	sshrl.u32 s12, $0x2;
	s12 =	simm.s32 $0x1  }
0x14: {  	s3 =	sadd.s32 s6, s3;
	s7 =	sadd.s32 s7, s0;
	s1 =	ssub.s32 s1, s8  }
0x15: {  	s8 =	sor.u32 $0x1C07, s14;
	s14 =	simm.s32 $0x40;
	s3 =	sshrl.u32 s3, $0x3  }
0x16: {  	s7 =	sadd.s32 s9, s7;
	s1 =	smax.u32 s1, $0x1;
	s9 =	simm.s32 $0x0  }
0x17: {  	[dreg:$0x10] =	wrdreg s8;
	s0 =	sadd.s32 s3, s0;
	s3 =	sadd.s32 s13, s2  }
0x18: {  	s15 =	sadd.s32 $0x2000, s7;
	s16 =	sadd.s32 $0xC000, s7;
	[dreg:$0x12] =	wrdreg s1  }
0x19: {  	s13 =	simm.s32 $0x2;
	s1 =	simm.s32 $0x780;
	[dreg:$0x4] =	wrdreg s15  }
0x1a: {  	s0 =	sadd.s32 $0xB6800, s0;
	[dreg:$0x5] =	wrdreg s16;
	s7 =	sshrl.u32 s3, $0x3  }
0x1b: {  	s15 =	simm.s32 $0x800;
	s16 =	simm.s32 $0x2800;
	[dreg:$0x11] =	wrdreg s0  }
0x1c: {  	s3 =	simm.s32 $0x700;
	s0 =	simm.s32 $0x3C0;
	[dreg:$0x13] =	wrdreg s7  }
.LBB2_1:
0x1d: {  	[dreg:$0x14] =	wrdreg s9  }
0x1e: {  	s6 =	rddreg [dreg:$0x1]  }
0x1f: {  	[spmem:s7], [sflag:s8] =	dma.local [hbm:s6], $0x2800  }
0x20: {  	_ =	swait.ge [sflag:s10], $0x2800  }
0x21: {  	[sflag:s10] =	ssyncset.done $0x0  }
0x22: {  	[sflag:s10] =	ssyncadd.s32 $0xFFFFD800  }
0x23: {  	[bflag:$0x0] =	sbarrier.arrive $0xFFFF  }
0x24: {  	s24 =	rddreg [dreg:$0x5]  }
0x25: {  	s7 =	rddreg [dreg:$0x4];
	s6 =	sadd.s32 $0x0, s24  }
0x26: {  	[tilespmem:s4], [sflag:$0x1] =	stream.linear.gather [hbm4b:s6+s4], $0x400, $0x38;
	[tilespmem:$0x1C800] =	vst v63  }
0x27: {  	s8 =	sadd.s32 $0x0, s7  }
0x28: {  	[tilespmem:s11], [sflag:$0x2] =	stream.linear.gather [hbm4b:s8+s4], $0x400, $0x38;
	[tilespmem:$0x1C800] =	vst v63  }
0x29: {  	_ =	swait.ge [sflag:s12], $0x400  }
0x2a: {  	[sflag:s12] =	ssyncset.done $0x0  }
0x2b: {  	[sflag:s12] =	ssyncadd.s32 $0xFFFFFC00  }
0x2c: {  	_ =	swait.ge [sflag:s13], $0x400  }
0x2d: {  	[sflag:s13] =	ssyncset.done $0x0  }
0x2e: {  	[sflag:s13] =	ssyncadd.s32 $0xFFFFFC00  }
0x2f: {  	[tilespmem:s15], [sflag:$0x3] =	stream.indirect.gather [hbm4b:s5+s14], $0x80, s4, s14, $0xb8;
	[tilespmem:$0x1C800] =	vst v63  }
0x30: {  	_ = 	snop  }
0x31: {  	[tilespmem:s16], [sflag:$0x4] =	stream.indirect.gather [hbm4b:s5+s14], $0x80, s14, s14, $0xb8;
	[tilespmem:$0x1C800] =	vst v63  }
0x32: {  	_ = 	snop  }
0x33: {  	[tilespmem:s18], [sflag:$0x5] =	stream.indirect.gather [hbm4b:s5+s14], $0x80, s17, s14, $0xb8;
	[tilespmem:$0x1C800] =	vst v63  }
0x34: {  	s9 =	rddreg [dreg:$0x6]  }
0x35: {  	[tilespmem:s19], [sflag:$0x6] =	stream.indirect.gather [hbm4b:s5+s14], $0x80, s9, s14, $0xb8;
	[tilespmem:$0x1C800] =	vst v63  }
0x36: {  	_ =	swait.ge [sflag:s20], $0x2000  }
0x37: {  	[sflag:s20] =	ssyncset.done $0x0  }
0x38: {  	[sflag:s20] =	ssyncadd.s32 $0xFFFFE000  }
0x39: {  	_ =	swait.ge [sflag:s21], $0x2000  }
0x3a: {  	[sflag:s21] =	ssyncset.done $0x0  }
0x3b: {  	[sflag:s21] =	ssyncadd.s32 $0xFFFFE000  }
0x3c: {  	[spmem:s2] =	stream.indirect.scatter.add.f32 [tilespmem:s15], [sflag:$0x7], $0x80, s11, s17, $0xb8;
	[tilespmem:$0x1C800] =	vst v63  }
0x3d: {  	_ =	swait.ge [sflag:s10], $0x4000  }
0x3e: {  	[sflag:s10] =	ssyncset.done $0x0  }
0x3f: {  	s24 =	rddreg [dreg:$0x7];
	[sflag:s10] =	ssyncadd.s32 $0xFFFFC000  }
0x40: {  	[tilespmem:s15], [sflag:$0x3] =	stream.indirect.gather [hbm4b:s5+s14], $0x80, s24, s14, $0xb8;
	[tilespmem:$0x1C800] =	vst v63  }
0x41: {  	s7 =	rddreg [dreg:$0x8]  }
0x42: {  	[tilespmem:s16], [sflag:$0x4] =	stream.indirect.gather [hbm4b:s5+s14], $0x80, s7, s14, $0xb8;
	[tilespmem:$0x1C800] =	vst v63  }
0x43: {  	_ =	swait.ge [sflag:s22], $0x2000  }
0x44: {  	[sflag:s22] =	ssyncset.done $0x0  }
0x45: {  	[sflag:s22] =	ssyncadd.s32 $0xFFFFE000  }
0x46: {  	_ =	swait.ge [sflag:s23], $0x2000  }
0x47: {  	[sflag:s23] =	ssyncset.done $0x0  }
0x48: {  	s9 =	rddreg [dreg:$0x9];
	[sflag:s23] =	ssyncadd.s32 $0xFFFFE000  }
0x49: {  	[spmem:s2] =	stream.indirect.scatter.add.f32 [tilespmem:s18], [sflag:$0x7], $0x80, s9, s17, $0xb8;
	[tilespmem:$0x1C800] =	vst v63  }
0x4a: {  	_ =	swait.ge [sflag:s10], $0x4000  }
0x4b: {  	[sflag:s10] =	ssyncset.done $0x0  }
0x4c: {  	s24 =	rddreg [dreg:$0xa];
	[sflag:s10] =	ssyncadd.s32 $0xFFFFC000  }
0x4d: {  	[tilespmem:s18], [sflag:$0x5] =	stream.indirect.gather [hbm4b:s5+s14], $0x80, s24, s14, $0xb8;
	[tilespmem:$0x1C800] =	vst v63  }
0x4e: {  	s7 =	rddreg [dreg:$0xb]  }
0x4f: {  	[tilespmem:s19], [sflag:$0x6] =	stream.indirect.gather [hbm4b:s5+s14], $0x80, s7, s14, $0xb8;
	[tilespmem:$0x1C800] =	vst v63  }
0x50: {  	_ =	swait.ge [sflag:s20], $0x2000  }
0x51: {  	[sflag:s20] =	ssyncset.done $0x0  }
0x52: {  	[sflag:s20] =	ssyncadd.s32 $0xFFFFE000  }
0x53: {  	_ =	swait.ge [sflag:s21], $0x2000  }
0x54: {  	[sflag:s21] =	ssyncset.done $0x0  }
0x55: {  	s9 =	rddreg [dreg:$0xc];
	[sflag:s21] =	ssyncadd.s32 $0xFFFFE000  }
0x56: {  	[spmem:s2] =	stream.indirect.scatter.add.f32 [tilespmem:s15], [sflag:$0x7], $0x80, s9, s17, $0xb8;
	[tilespmem:$0x1C800] =	vst v63  }
0x57: {  	_ =	swait.ge [sflag:s10], $0x4000  }
0x58: {  	[sflag:s10] =	ssyncset.done $0x0  }
0x59: {  	s24 =	rddreg [dreg:$0xd];
	[sflag:s10] =	ssyncadd.s32 $0xFFFFC000  }
0x5a: {  	[tilespmem:s15], [sflag:$0x3] =	stream.indirect.gather [hbm4b:s5+s14], $0x80, s24, s14, $0xb8;
	[tilespmem:$0x1C800] =	vst v63  }
0x5b: {  	s7 =	rddreg [dreg:$0xe]  }
0x5c: {  	[tilespmem:s16], [sflag:$0x4] =	stream.indirect.gather [hbm4b:s5+s14], $0x80, s7, s14, $0xb8;
	[tilespmem:$0x1C800] =	vst v63  }
0x5d: {  	_ =	swait.ge [sflag:s22], $0x2000  }
0x5e: {  	[sflag:s22] =	ssyncset.done $0x0  }
0x5f: {  	[sflag:s22] =	ssyncadd.s32 $0xFFFFE000  }
0x60: {  	_ =	swait.ge [sflag:s23], $0x2000  }
0x61: {  	[sflag:s23] =	ssyncset.done $0x0  }
0x62: {  	s9 =	rddreg [dreg:$0xf];
	[sflag:s23] =	ssyncadd.s32 $0xFFFFE000  }
0x63: {  	[spmem:s2] =	stream.indirect.scatter.add.f32 [tilespmem:s18], [sflag:$0x7], $0x80, s9, s17, $0xb8;
	[tilespmem:$0x1C800] =	vst v63  }
0x64: {  	_ =	swait.ge [sflag:s10], $0x4000  }
0x65: {  	[sflag:s10] =	ssyncset.done $0x0  }
0x66: {  	s24 =	simm.s32 $0x280;
	[sflag:s10] =	ssyncadd.s32 $0xFFFFC000  }
0x67: {  	[tilespmem:s18], [sflag:$0x5] =	stream.indirect.gather [hbm4b:s5+s14], $0x80, s24, s14, $0xb8;
	[tilespmem:$0x1C800] =	vst v63  }
0x68: {  	_ = 	snop  }
0x69: {  	[tilespmem:s19], [sflag:$0x6] =	stream.indirect.gather [hbm4b:s5+s14], $0x80, s25, s14, $0xb8;
	[tilespmem:$0x1C800] =	vst v63  }
0x6a: {  	_ =	swait.ge [sflag:s20], $0x2000  }
0x6b: {  	[sflag:s20] =	ssyncset.done $0x0  }
0x6c: {  	[sflag:s20] =	ssyncadd.s32 $0xFFFFE000  }
0x6d: {  	_ =	swait.ge [sflag:s21], $0x2000  }
0x6e: {  	[sflag:s21] =	ssyncset.done $0x0  }
0x6f: {  	[sflag:s21] =	ssyncadd.s32 $0xFFFFE000  }
0x70: {  	[spmem:s2] =	stream.indirect.scatter.add.f32 [tilespmem:s15], [sflag:$0x7], $0x80, s26, s17, $0xb8;
	[tilespmem:$0x1C800] =	vst v63  }
0x71: {  	_ =	swait.ge [sflag:s10], $0x4000  }
0x72: {  	[sflag:s10] =	ssyncset.done $0x0  }
0x73: {  	[sflag:s10] =	ssyncadd.s32 $0xFFFFC000  }
0x74: {  	[tilespmem:s15], [sflag:$0x3] =	stream.indirect.gather [hbm4b:s5+s14], $0x80, s28, s14, $0xb8;
	[tilespmem:$0x1C800] =	vst v63  }
0x75: {  	_ = 	snop  }
0x76: {  	[tilespmem:s16], [sflag:$0x4] =	stream.indirect.gather [hbm4b:s5+s14], $0x80, s29, s14, $0xb8;
	[tilespmem:$0x1C800] =	vst v63  }
0x77: {  	_ =	swait.ge [sflag:s22], $0x2000  }
0x78: {  	[sflag:s22] =	ssyncset.done $0x0  }
0x79: {  	[sflag:s22] =	ssyncadd.s32 $0xFFFFE000  }
0x7a: {  	_ =	swait.ge [sflag:s23], $0x2000  }
0x7b: {  	[sflag:s23] =	ssyncset.done $0x0  }
0x7c: {  	[sflag:s23] =	ssyncadd.s32 $0xFFFFE000  }
0x7d: {  	[spmem:s2] =	stream.indirect.scatter.add.f32 [tilespmem:s18], [sflag:$0x7], $0x80, s30, s17, $0xb8;
	[tilespmem:$0x1C800] =	vst v63  }
0x7e: {  	_ =	swait.ge [sflag:s10], $0x4000  }
0x7f: {  	[sflag:s10] =	ssyncset.done $0x0  }
0x80: {  	[sflag:s10] =	ssyncadd.s32 $0xFFFFC000  }
0x81: {  	[tilespmem:s18], [sflag:$0x5] =	stream.indirect.gather [hbm4b:s5+s14], $0x80, s31, s14, $0xb8;
	[tilespmem:$0x1C800] =	vst v63  }
0x82: {  	_ = 	snop  }
0x83: {  	[tilespmem:s19], [sflag:$0x6] =	stream.indirect.gather [hbm4b:s5+s14], $0x80, s0, s14, $0xb8;
	[tilespmem:$0x1C800] =	vst v63  }
0x84: {  	_ =	swait.ge [sflag:s20], $0x2000  }
0x85: {  	[sflag:s20] =	ssyncset.done $0x0  }
0x86: {  	[sflag:s20] =	ssyncadd.s32 $0xFFFFE000  }
0x87: {  	_ =	swait.ge [sflag:s21], $0x2000  }
0x88: {  	[sflag:s21] =	ssyncset.done $0x0  }
0x89: {  	[sflag:s21] =	ssyncadd.s32 $0xFFFFE000  }
0x8a: {  	[spmem:s2] =	stream.indirect.scatter.add.f32 [tilespmem:s15], [sflag:$0x7], $0x80, s3, s17, $0xb8;
	[tilespmem:$0x1C800] =	vst v63  }
0x8b: {  	_ =	swait.ge [sflag:s10], $0x4000  }
0x8c: {  	[sflag:s10] =	ssyncset.done $0x0  }
0x8d: {  	[sflag:s10] =	ssyncadd.s32 $0xFFFFC000  }
0x8e: {  	_ =	swait.ge [sflag:s22], $0x2000  }
0x8f: {  	[sflag:s22] =	ssyncset.done $0x0  }
0x90: {  	[sflag:s22] =	ssyncadd.s32 $0xFFFFE000  }
0x91: {  	_ =	swait.ge [sflag:s23], $0x2000  }
0x92: {  	[sflag:s23] =	ssyncset.done $0x0  }
0x93: {  	[sflag:s23] =	ssyncadd.s32 $0xFFFFE000  }
0x94: {  	[spmem:s2] =	stream.indirect.scatter.add.f32 [tilespmem:s18], [sflag:$0x7], $0x80, s1, s17, $0xb8;
	[tilespmem:$0x1C800] =	vst v63  }
0x95: {  	s6 =	simm.s32 $0x100;
	_ =	swait.ge [sflag:s10], $0x4000  }
0x96: {  	s8 =	simm.s32 $0x80;
	s9 =	rddreg [dreg:$0x5];
	[sflag:s10] =	ssyncset.done $0x0  }
.LBB2_2:
0x97: {  	[sflag:s10] =	ssyncadd.s32 $0xFFFFC000;
	s24 =	rddreg [dreg:$0x4];
	s9 =	sadd.s32 s8, s9  }
0x98: {  	[tilespmem:s4], [sflag:$0x1] =	stream.linear.gather [hbm4b:s9+s4], $0x400, $0x38;
	[tilespmem:$0x1C800] =	vst v63  }
0x99: {  	s24 =	sadd.s32 s8, s24  }
0x9a: {  	[tilespmem:s11], [sflag:$0x2] =	stream.linear.gather [hbm4b:s24+s4], $0x400, $0x38;
	[tilespmem:$0x1C800] =	vst v63  }
0x9b: {  	_ =	swait.ge [sflag:s12], $0x400  }
0x9c: {  	[sflag:s12] =	ssyncset.done $0x0  }
0x9d: {  	[sflag:s12] =	ssyncadd.s32 $0xFFFFFC00  }
0x9e: {  	_ =	swait.ge [sflag:s13], $0x400  }
0x9f: {  	[sflag:s13] =	ssyncset.done $0x0  }
0xa0: {  	[sflag:s13] =	ssyncadd.s32 $0xFFFFFC00  }
0xa1: {  	[tilespmem:s15], [sflag:$0x3] =	stream.indirect.gather [hbm4b:s5+s14], $0x80, s4, s14, $0xb8;
	[tilespmem:$0x1C800] =	vst v63  }
0xa2: {  	_ = 	snop  }
0xa3: {  	[tilespmem:s16], [sflag:$0x4] =	stream.indirect.gather [hbm4b:s5+s14], $0x80, s14, s14, $0xb8;
	[tilespmem:$0x1C800] =	vst v63  }
0xa4: {  	_ = 	snop  }
0xa5: {  	[tilespmem:s18], [sflag:$0x5] =	stream.indirect.gather [hbm4b:s5+s14], $0x80, s17, s14, $0xb8;
	[tilespmem:$0x1C800] =	vst v63  }
0xa6: {  	s24 =	rddreg [dreg:$0x6]  }
0xa7: {  	[tilespmem:s19], [sflag:$0x6] =	stream.indirect.gather [hbm4b:s5+s14], $0x80, s24, s14, $0xb8;
	[tilespmem:$0x1C800] =	vst v63  }
0xa8: {  	_ =	swait.ge [sflag:s20], $0x2000  }
0xa9: {  	[sflag:s20] =	ssyncset.done $0x0  }
0xaa: {  	[sflag:s20] =	ssyncadd.s32 $0xFFFFE000  }
0xab: {  	_ =	swait.ge [sflag:s21], $0x2000  }
0xac: {  	[sflag:s21] =	ssyncset.done $0x0  }
0xad: {  	[sflag:s21] =	ssyncadd.s32 $0xFFFFE000  }
0xae: {  	[spmem:s2] =	stream.indirect.scatter.add.f32 [tilespmem:s15], [sflag:$0x7], $0x80, s11, s17, $0xb8;
	[tilespmem:$0x1C800] =	vst v63  }
0xaf: {  	_ =	swait.ge [sflag:s10], $0x4000  }
0xb0: {  	[sflag:s10] =	ssyncset.done $0x0  }
0xb1: {  	s9 =	rddreg [dreg:$0x7];
	[sflag:s10] =	ssyncadd.s32 $0xFFFFC000  }
0xb2: {  	[tilespmem:s15], [sflag:$0x3] =	stream.indirect.gather [hbm4b:s5+s14], $0x80, s9, s14, $0xb8;
	[tilespmem:$0x1C800] =	vst v63  }
0xb3: {  	s24 =	rddreg [dreg:$0x8]  }
0xb4: {  	[tilespmem:s16], [sflag:$0x4] =	stream.indirect.gather [hbm4b:s5+s14], $0x80, s24, s14, $0xb8;
	[tilespmem:$0x1C800] =	vst v63  }
0xb5: {  	_ =	swait.ge [sflag:s22], $0x2000  }
0xb6: {  	[sflag:s22] =	ssyncset.done $0x0  }
0xb7: {  	[sflag:s22] =	ssyncadd.s32 $0xFFFFE000  }
0xb8: {  	_ =	swait.ge [sflag:s23], $0x2000  }
0xb9: {  	[sflag:s23] =	ssyncset.done $0x0  }
0xba: {  	s24 =	rddreg [dreg:$0x9];
	[sflag:s23] =	ssyncadd.s32 $0xFFFFE000  }
0xbb: {  	[spmem:s2] =	stream.indirect.scatter.add.f32 [tilespmem:s18], [sflag:$0x7], $0x80, s24, s17, $0xb8;
	[tilespmem:$0x1C800] =	vst v63  }
0xbc: {  	_ =	swait.ge [sflag:s10], $0x4000  }
0xbd: {  	[sflag:s10] =	ssyncset.done $0x0  }
0xbe: {  	s9 =	rddreg [dreg:$0xa];
	[sflag:s10] =	ssyncadd.s32 $0xFFFFC000  }
0xbf: {  	[tilespmem:s18], [sflag:$0x5] =	stream.indirect.gather [hbm4b:s5+s14], $0x80, s9, s14, $0xb8;
	[tilespmem:$0x1C800] =	vst v63  }
0xc0: {  	s24 =	rddreg [dreg:$0xb]  }
0xc1: {  	[tilespmem:s19], [sflag:$0x6] =	stream.indirect.gather [hbm4b:s5+s14], $0x80, s24, s14, $0xb8;
	[tilespmem:$0x1C800] =	vst v63  }
0xc2: {  	_ =	swait.ge [sflag:s20], $0x2000  }
0xc3: {  	[sflag:s20] =	ssyncset.done $0x0  }
0xc4: {  	[sflag:s20] =	ssyncadd.s32 $0xFFFFE000  }
0xc5: {  	_ =	swait.ge [sflag:s21], $0x2000  }
0xc6: {  	[sflag:s21] =	ssyncset.done $0x0  }
0xc7: {  	s24 =	rddreg [dreg:$0xc];
	[sflag:s21] =	ssyncadd.s32 $0xFFFFE000  }
0xc8: {  	[spmem:s2] =	stream.indirect.scatter.add.f32 [tilespmem:s15], [sflag:$0x7], $0x80, s24, s17, $0xb8;
	[tilespmem:$0x1C800] =	vst v63  }
0xc9: {  	_ =	swait.ge [sflag:s10], $0x4000  }
0xca: {  	[sflag:s10] =	ssyncset.done $0x0  }
0xcb: {  	s9 =	rddreg [dreg:$0xd];
	[sflag:s10] =	ssyncadd.s32 $0xFFFFC000  }
0xcc: {  	[tilespmem:s15], [sflag:$0x3] =	stream.indirect.gather [hbm4b:s5+s14], $0x80, s9, s14, $0xb8;
	[tilespmem:$0x1C800] =	vst v63  }
0xcd: {  	s24 =	rddreg [dreg:$0xe]  }
0xce: {  	[tilespmem:s16], [sflag:$0x4] =	stream.indirect.gather [hbm4b:s5+s14], $0x80, s24, s14, $0xb8;
	[tilespmem:$0x1C800] =	vst v63  }
0xcf: {  	_ =	swait.ge [sflag:s22], $0x2000  }
0xd0: {  	[sflag:s22] =	ssyncset.done $0x0  }
0xd1: {  	[sflag:s22] =	ssyncadd.s32 $0xFFFFE000  }
0xd2: {  	_ =	swait.ge [sflag:s23], $0x2000  }
0xd3: {  	[sflag:s23] =	ssyncset.done $0x0  }
0xd4: {  	s9 =	rddreg [dreg:$0xf];
	[sflag:s23] =	ssyncadd.s32 $0xFFFFE000  }
0xd5: {  	[spmem:s2] =	stream.indirect.scatter.add.f32 [tilespmem:s18], [sflag:$0x7], $0x80, s9, s17, $0xb8;
	[tilespmem:$0x1C800] =	vst v63  }
0xd6: {  	_ =	swait.ge [sflag:s10], $0x4000  }
0xd7: {  	[sflag:s10] =	ssyncset.done $0x0  }
0xd8: {  	s24 =	simm.s32 $0x280;
	[sflag:s10] =	ssyncadd.s32 $0xFFFFC000  }
0xd9: {  	[tilespmem:s18], [sflag:$0x5] =	stream.indirect.gather [hbm4b:s5+s14], $0x80, s24, s14, $0xb8;
	[tilespmem:$0x1C800] =	vst v63  }
0xda: {  	_ = 	snop  }
0xdb: {  	[tilespmem:s19], [sflag:$0x6] =	stream.indirect.gather [hbm4b:s5+s14], $0x80, s25, s14, $0xb8;
	[tilespmem:$0x1C800] =	vst v63  }
0xdc: {  	_ =	swait.ge [sflag:s20], $0x2000  }
0xdd: {  	[sflag:s20] =	ssyncset.done $0x0  }
0xde: {  	[sflag:s20] =	ssyncadd.s32 $0xFFFFE000  }
0xdf: {  	_ =	swait.ge [sflag:s21], $0x2000  }
0xe0: {  	[sflag:s21] =	ssyncset.done $0x0  }
0xe1: {  	[sflag:s21] =	ssyncadd.s32 $0xFFFFE000  }
0xe2: {  	[spmem:s2] =	stream.indirect.scatter.add.f32 [tilespmem:s15], [sflag:$0x7], $0x80, s26, s17, $0xb8;
	[tilespmem:$0x1C800] =	vst v63  }
0xe3: {  	_ =	swait.ge [sflag:s10], $0x4000  }
0xe4: {  	[sflag:s10] =	ssyncset.done $0x0  }
0xe5: {  	[sflag:s10] =	ssyncadd.s32 $0xFFFFC000  }
0xe6: {  	[tilespmem:s15], [sflag:$0x3] =	stream.indirect.gather [hbm4b:s5+s14], $0x80, s28, s14, $0xb8;
	[tilespmem:$0x1C800] =	vst v63  }
0xe7: {  	_ = 	snop  }
0xe8: {  	[tilespmem:s16], [sflag:$0x4] =	stream.indirect.gather [hbm4b:s5+s14], $0x80, s29, s14, $0xb8;
	[tilespmem:$0x1C800] =	vst v63  }
0xe9: {  	_ =	swait.ge [sflag:s22], $0x2000  }
0xea: {  	[sflag:s22] =	ssyncset.done $0x0  }
0xeb: {  	[sflag:s22] =	ssyncadd.s32 $0xFFFFE000  }
0xec: {  	_ =	swait.ge [sflag:s23], $0x2000  }
0xed: {  	[sflag:s23] =	ssyncset.done $0x0  }
0xee: {  	[sflag:s23] =	ssyncadd.s32 $0xFFFFE000  }
0xef: {  	[spmem:s2] =	stream.indirect.scatter.add.f32 [tilespmem:s18], [sflag:$0x7], $0x80, s30, s17, $0xb8;
	[tilespmem:$0x1C800] =	vst v63  }
0xf0: {  	_ =	swait.ge [sflag:s10], $0x4000  }
0xf1: {  	[sflag:s10] =	ssyncset.done $0x0  }
0xf2: {  	[sflag:s10] =	ssyncadd.s32 $0xFFFFC000  }
0xf3: {  	[tilespmem:s18], [sflag:$0x5] =	stream.indirect.gather [hbm4b:s5+s14], $0x80, s31, s14, $0xb8;
	[tilespmem:$0x1C800] =	vst v63  }
0xf4: {  	_ = 	snop  }
0xf5: {  	[tilespmem:s19], [sflag:$0x6] =	stream.indirect.gather [hbm4b:s5+s14], $0x80, s0, s14, $0xb8;
	[tilespmem:$0x1C800] =	vst v63  }
0xf6: {  	_ =	swait.ge [sflag:s20], $0x2000  }
0xf7: {  	[sflag:s20] =	ssyncset.done $0x0  }
0xf8: {  	[sflag:s20] =	ssyncadd.s32 $0xFFFFE000  }
0xf9: {  	_ =	swait.ge [sflag:s21], $0x2000  }
0xfa: {  	[sflag:s21] =	ssyncset.done $0x0  }
0xfb: {  	[sflag:s21] =	ssyncadd.s32 $0xFFFFE000  }
0xfc: {  	[spmem:s2] =	stream.indirect.scatter.add.f32 [tilespmem:s15], [sflag:$0x7], $0x80, s3, s17, $0xb8;
	[tilespmem:$0x1C800] =	vst v63  }
0xfd: {  	_ =	swait.ge [sflag:s10], $0x4000  }
0xfe: {  	[sflag:s10] =	ssyncset.done $0x0  }
0xff: {  	[sflag:s10] =	ssyncadd.s32 $0xFFFFC000  }
0x100: {  	_ =	swait.ge [sflag:s22], $0x2000  }
0x101: {  	[sflag:s22] =	ssyncset.done $0x0  }
0x102: {  	[sflag:s22] =	ssyncadd.s32 $0xFFFFE000  }
0x103: {  	p0 =	sne.s32 s6, $0x480;
	_ =	swait.ge [sflag:s23], $0x2000  }
.Ltmp0:
0x104: {  	[sflag:s23] =	ssyncset.done $0x0;
	(pc) =	sbr.rel @p0 .LBB2_2-.Ltmp0, $4  }
0x105: {  	[sflag:s23] =	ssyncadd.s32 $0xFFFFE000  }
0x106: {  	[spmem:s2] =	stream.indirect.scatter.add.f32 [tilespmem:s18], [sflag:$0x7], $0x80, s1, s17, $0xb8;
	[tilespmem:$0x1C800] =	vst v63  }
0x107: {  	s7 =	smov.u32 s6;
	s6 =	sadd.s32 $0x80, s6;
	_ =	swait.ge [sflag:s10], $0x4000  }
0x108: {  	s8 =	smov.u32 s7;
	s9 =	rddreg [dreg:$0x5];
	[sflag:s10] =	ssyncset.done $0x0  }
0x109: {  	s6 =	rddreg [dreg:$0x4];
	[sflag:s10] =	ssyncadd.s32 $0xFFFFC000;
	s7 =	sadd.s32 s8, s9  }
0x10a: {  	[tilespmem:s4], [sflag:$0x1] =	stream.linear.gather [hbm4b:s7+s4], $0x400, $0x38;
	[tilespmem:$0x1C800] =	vst v63  }
0x10b: {  	s6 =	sadd.s32 s8, s6  }
0x10c: {  	[tilespmem:s11], [sflag:$0x2] =	stream.linear.gather [hbm4b:s6+s4], $0x400, $0x38;
	[tilespmem:$0x1C800] =	vst v63  }
0x10d: {  	_ =	swait.ge [sflag:s12], $0x400  }
0x10e: {  	[sflag:s12] =	ssyncset.done $0x0  }
0x10f: {  	[sflag:s12] =	ssyncadd.s32 $0xFFFFFC00  }
0x110: {  	_ =	swait.ge [sflag:s13], $0x400  }
0x111: {  	[sflag:s13] =	ssyncset.done $0x0  }
0x112: {  	[sflag:s13] =	ssyncadd.s32 $0xFFFFFC00  }
0x113: {  	[tilespmem:s15], [sflag:$0x3] =	stream.indirect.gather [hbm4b:s5+s14], $0x80, s4, s14, $0xb8;
	[tilespmem:$0x1C800] =	vst v63  }
0x114: {  	_ = 	snop  }
0x115: {  	[tilespmem:s16], [sflag:$0x4] =	stream.indirect.gather [hbm4b:s5+s14], $0x80, s14, s14, $0xb8;
	[tilespmem:$0x1C800] =	vst v63  }
0x116: {  	_ = 	snop  }
0x117: {  	[tilespmem:s18], [sflag:$0x5] =	stream.indirect.gather [hbm4b:s5+s14], $0x80, s17, s14, $0xb8;
	[tilespmem:$0x1C800] =	vst v63  }
0x118: {  	s8 =	rddreg [dreg:$0x6]  }
0x119: {  	[tilespmem:s19], [sflag:$0x6] =	stream.indirect.gather [hbm4b:s5+s14], $0x80, s8, s14, $0xb8;
	[tilespmem:$0x1C800] =	vst v63  }
0x11a: {  	_ =	swait.ge [sflag:s20], $0x2000  }
0x11b: {  	[sflag:s20] =	ssyncset.done $0x0  }
0x11c: {  	[sflag:s20] =	ssyncadd.s32 $0xFFFFE000  }
0x11d: {  	_ =	swait.ge [sflag:s21], $0x2000  }
0x11e: {  	[sflag:s21] =	ssyncset.done $0x0  }
0x11f: {  	[sflag:s21] =	ssyncadd.s32 $0xFFFFE000  }
0x120: {  	[spmem:s2] =	stream.indirect.scatter.add.f32 [tilespmem:s15], [sflag:$0x7], $0x80, s11, s17, $0xb8;
	[tilespmem:$0x1C800] =	vst v63  }
0x121: {  	_ =	swait.ge [sflag:s10], $0x4000  }
0x122: {  	[sflag:s10] =	ssyncset.done $0x0  }
0x123: {  	s9 =	rddreg [dreg:$0x7];
	[sflag:s10] =	ssyncadd.s32 $0xFFFFC000  }
0x124: {  	[tilespmem:s15], [sflag:$0x3] =	stream.indirect.gather [hbm4b:s5+s14], $0x80, s9, s14, $0xb8;
	[tilespmem:$0x1C800] =	vst v63  }
0x125: {  	s24 =	rddreg [dreg:$0x8]  }
0x126: {  	[tilespmem:s16], [sflag:$0x4] =	stream.indirect.gather [hbm4b:s5+s14], $0x80, s24, s14, $0xb8;
	[tilespmem:$0x1C800] =	vst v63  }
0x127: {  	_ =	swait.ge [sflag:s22], $0x2000  }
0x128: {  	[sflag:s22] =	ssyncset.done $0x0  }
0x129: {  	[sflag:s22] =	ssyncadd.s32 $0xFFFFE000  }
0x12a: {  	_ =	swait.ge [sflag:s23], $0x2000  }
0x12b: {  	[sflag:s23] =	ssyncset.done $0x0  }
0x12c: {  	s8 =	rddreg [dreg:$0x9];
	[sflag:s23] =	ssyncadd.s32 $0xFFFFE000  }
0x12d: {  	[spmem:s2] =	stream.indirect.scatter.add.f32 [tilespmem:s18], [sflag:$0x7], $0x80, s8, s17, $0xb8;
	[tilespmem:$0x1C800] =	vst v63  }
0x12e: {  	_ =	swait.ge [sflag:s10], $0x4000  }
0x12f: {  	[sflag:s10] =	ssyncset.done $0x0  }
0x130: {  	s9 =	rddreg [dreg:$0xa];
	[sflag:s10] =	ssyncadd.s32 $0xFFFFC000  }
0x131: {  	[tilespmem:s18], [sflag:$0x5] =	stream.indirect.gather [hbm4b:s5+s14], $0x80, s9, s14, $0xb8;
	[tilespmem:$0x1C800] =	vst v63  }
0x132: {  	s24 =	rddreg [dreg:$0xb]  }
0x133: {  	[tilespmem:s19], [sflag:$0x6] =	stream.indirect.gather [hbm4b:s5+s14], $0x80, s24, s14, $0xb8;
	[tilespmem:$0x1C800] =	vst v63  }
0x134: {  	_ =	swait.ge [sflag:s20], $0x2000  }
0x135: {  	[sflag:s20] =	ssyncset.done $0x0  }
0x136: {  	[sflag:s20] =	ssyncadd.s32 $0xFFFFE000  }
0x137: {  	_ =	swait.ge [sflag:s21], $0x2000  }
0x138: {  	[sflag:s21] =	ssyncset.done $0x0  }
0x139: {  	s8 =	rddreg [dreg:$0xc];
	[sflag:s21] =	ssyncadd.s32 $0xFFFFE000  }
0x13a: {  	[spmem:s2] =	stream.indirect.scatter.add.f32 [tilespmem:s15], [sflag:$0x7], $0x80, s8, s17, $0xb8;
	[tilespmem:$0x1C800] =	vst v63  }
0x13b: {  	_ =	swait.ge [sflag:s10], $0x4000  }
0x13c: {  	[sflag:s10] =	ssyncset.done $0x0  }
0x13d: {  	s9 =	rddreg [dreg:$0xd];
	[sflag:s10] =	ssyncadd.s32 $0xFFFFC000  }
0x13e: {  	[tilespmem:s15], [sflag:$0x3] =	stream.indirect.gather [hbm4b:s5+s14], $0x80, s9, s14, $0xb8;
	[tilespmem:$0x1C800] =	vst v63  }
0x13f: {  	s24 =	rddreg [dreg:$0xe]  }
0x140: {  	[tilespmem:s16], [sflag:$0x4] =	stream.indirect.gather [hbm4b:s5+s14], $0x80, s24, s14, $0xb8;
	[tilespmem:$0x1C800] =	vst v63  }
0x141: {  	_ =	swait.ge [sflag:s22], $0x2000  }
0x142: {  	[sflag:s22] =	ssyncset.done $0x0  }
0x143: {  	[sflag:s22] =	ssyncadd.s32 $0xFFFFE000  }
0x144: {  	_ =	swait.ge [sflag:s23], $0x2000  }
0x145: {  	[sflag:s23] =	ssyncset.done $0x0  }
0x146: {  	s8 =	rddreg [dreg:$0xf];
	[sflag:s23] =	ssyncadd.s32 $0xFFFFE000  }
0x147: {  	[spmem:s2] =	stream.indirect.scatter.add.f32 [tilespmem:s18], [sflag:$0x7], $0x80, s8, s17, $0xb8;
	[tilespmem:$0x1C800] =	vst v63  }
0x148: {  	_ =	swait.ge [sflag:s10], $0x4000  }
0x149: {  	[sflag:s10] =	ssyncset.done $0x0  }
0x14a: {  	s9 =	simm.s32 $0x280;
	[sflag:s10] =	ssyncadd.s32 $0xFFFFC000  }
0x14b: {  	[tilespmem:s18], [sflag:$0x5] =	stream.indirect.gather [hbm4b:s5+s14], $0x80, s9, s14, $0xb8;
	[tilespmem:$0x1C800] =	vst v63  }
0x14c: {  	_ = 	snop  }
0x14d: {  	[tilespmem:s19], [sflag:$0x6] =	stream.indirect.gather [hbm4b:s5+s14], $0x80, s25, s14, $0xb8;
	[tilespmem:$0x1C800] =	vst v63  }
0x14e: {  	_ =	swait.ge [sflag:s20], $0x2000  }
0x14f: {  	[sflag:s20] =	ssyncset.done $0x0  }
0x150: {  	[sflag:s20] =	ssyncadd.s32 $0xFFFFE000  }
0x151: {  	_ =	swait.ge [sflag:s21], $0x2000  }
0x152: {  	[sflag:s21] =	ssyncset.done $0x0  }
0x153: {  	[sflag:s21] =	ssyncadd.s32 $0xFFFFE000  }
0x154: {  	[spmem:s2] =	stream.indirect.scatter.add.f32 [tilespmem:s15], [sflag:$0x7], $0x80, s26, s17, $0xb8;
	[tilespmem:$0x1C800] =	vst v63  }
0x155: {  	_ =	swait.ge [sflag:s10], $0x4000  }
0x156: {  	[sflag:s10] =	ssyncset.done $0x0  }
0x157: {  	[sflag:s10] =	ssyncadd.s32 $0xFFFFC000  }
0x158: {  	[tilespmem:s15], [sflag:$0x3] =	stream.indirect.gather [hbm4b:s5+s14], $0x80, s28, s14, $0xb8;
	[tilespmem:$0x1C800] =	vst v63  }
0x159: {  	_ = 	snop  }
0x15a: {  	[tilespmem:s16], [sflag:$0x4] =	stream.indirect.gather [hbm4b:s5+s14], $0x80, s29, s14, $0xb8;
	[tilespmem:$0x1C800] =	vst v63  }
0x15b: {  	_ =	swait.ge [sflag:s22], $0x2000  }
0x15c: {  	[sflag:s22] =	ssyncset.done $0x0  }
0x15d: {  	[sflag:s22] =	ssyncadd.s32 $0xFFFFE000  }
0x15e: {  	_ =	swait.ge [sflag:s23], $0x2000  }
0x15f: {  	[sflag:s23] =	ssyncset.done $0x0  }
0x160: {  	[sflag:s23] =	ssyncadd.s32 $0xFFFFE000  }
0x161: {  	[spmem:s2] =	stream.indirect.scatter.add.f32 [tilespmem:s18], [sflag:$0x7], $0x80, s30, s17, $0xb8;
	[tilespmem:$0x1C800] =	vst v63  }
0x162: {  	_ =	swait.ge [sflag:s10], $0x4000  }
0x163: {  	[sflag:s10] =	ssyncset.done $0x0  }
0x164: {  	[sflag:s10] =	ssyncadd.s32 $0xFFFFC000  }
0x165: {  	[tilespmem:s18], [sflag:$0x5] =	stream.indirect.gather [hbm4b:s5+s14], $0x80, s31, s14, $0xb8;
	[tilespmem:$0x1C800] =	vst v63  }
0x166: {  	_ = 	snop  }
0x167: {  	[tilespmem:s19], [sflag:$0x6] =	stream.indirect.gather [hbm4b:s5+s14], $0x80, s0, s14, $0xb8;
	[tilespmem:$0x1C800] =	vst v63  }
0x168: {  	_ =	swait.ge [sflag:s20], $0x2000  }
0x169: {  	[sflag:s20] =	ssyncset.done $0x0  }
0x16a: {  	[sflag:s20] =	ssyncadd.s32 $0xFFFFE000  }
0x16b: {  	_ =	swait.ge [sflag:s21], $0x2000  }
0x16c: {  	[sflag:s21] =	ssyncset.done $0x0  }
0x16d: {  	[sflag:s21] =	ssyncadd.s32 $0xFFFFE000  }
0x16e: {  	[spmem:s2] =	stream.indirect.scatter.add.f32 [tilespmem:s15], [sflag:$0x7], $0x80, s3, s17, $0xb8;
	[tilespmem:$0x1C800] =	vst v63  }
0x16f: {  	_ =	swait.ge [sflag:s10], $0x4000  }
0x170: {  	[sflag:s10] =	ssyncset.done $0x0  }
0x171: {  	[sflag:s10] =	ssyncadd.s32 $0xFFFFC000  }
0x172: {  	_ =	swait.ge [sflag:s22], $0x2000  }
0x173: {  	[sflag:s22] =	ssyncset.done $0x0  }
0x174: {  	[sflag:s22] =	ssyncadd.s32 $0xFFFFE000  }
0x175: {  	_ =	swait.ge [sflag:s23], $0x2000  }
0x176: {  	[sflag:s23] =	ssyncset.done $0x0  }
0x177: {  	[sflag:s23] =	ssyncadd.s32 $0xFFFFE000  }
0x178: {  	[spmem:s2] =	stream.indirect.scatter.add.f32 [tilespmem:s18], [sflag:$0x7], $0x80, s1, s17, $0xb8;
	[tilespmem:$0x1C800] =	vst v63  }
0x179: {  	_ =	swait.ge [sflag:s10], $0x4000  }
0x17a: {  	[sflag:s10] =	ssyncset.done $0x0  }
0x17b: {  	[sflag:s10] =	ssyncadd.s32 $0xFFFFC000  }
0x17c: {  	[bflag:$0x0] =	sbarrier.arrive $0xFFFF  }
0x17d: {  	s8 =	rddreg [dreg:$0x10]  }
0x17e: {  	s24 =	rddreg [dreg:$0x11]  }
0x17f: {  	s7 =	rddreg [dreg:$0x13]  }
0x180: {  	[hbm:s24], [sflag:s8] =	dma.local [spmem:s7], $0x2800  }
0x181: {  	_ =	swait.ge [sflag:s10], $0x2800  }
0x182: {  	s6 =	rddreg [dreg:$0x14]  }
0x183: {  	s24 =	rddreg [dreg:$0x12];
	s9 =	sadd.s32 $0x1, s6  }
0x184: {  	p0 =	sne.s32 s9, s24  }
.Ltmp1:
0x185: {  	_ = 	snop;
	(pc) =	sbr.rel @p0 .LBB2_1-.Ltmp1, $3  }
0x186: {  	_ =	sdelay $0x1  }
0x187: {  	[sflag:s10] =	ssyncset.done $0x0  }
0x188: {  	[sflag:s10] =	ssyncadd.s32 $0xFFFFD800  }
0x189: {  	_ =	sfence.sel $0x180000  }
0x18a: {  	[bflag:$0x0] =	sbarrier.arrive $0xFFFF  }
0x18b: {  	_ =	strace $0x9000004D  }
0x18c: {  	s0 =	stileid.u32;
	[bflag:$0x2] =	sbarrier.arrive $0xFFFF  }
0x18d: {  	p0 =	sne.s32 s0, $0x0;
	s0 =	rddreg [dreg:$0x3]  }
0x18e: {  	s0 =	sadd.s32 @!p0 $0x100000, s0  }
0x18f: {  	[sflag:s0] =	ssyncadd.tile.s32 @!p0 $0x1;
	_ =	shalt  }
.Lfunc_end2:
_tile_overlayer_lowered:
.L_overlay_start_2:
0x190: {  	(tag) =	ssettag $0x2  }
0x191: {  	s0 =	rddreg [dreg:$0x0];
	s2 =	stileid.u32  }
0x192: {  	s1 =	rddreg [dreg:$0x1];
	p0 =	sne.s32 s2, $0x0  }
0x193: {  	s3 =	rddreg [dreg:$0x2];
	[bflag:$0x3] =	sbarrier.arrive $0xFFFF;
	s2 =	simm.s32 @!p0 $0x1C07  }
0x194: {  	[timem:s3], [sflag:s2] =	dma.local @!p0 [hbm:s0], s1  }
0x195: {  	s0 =	simm.s32 @!p0 $0x7  }
0x196: {  	_ =	swait.ge @!p0 [sflag:s0], s1  }
0x197: {  	s1 =	ssub.s32 @!p0 $0x0, s1;
	[sflag:s0] =	ssyncset.done @!p0 $0x0  }
0x198: {  	[sflag:s0] =	ssyncadd.s32 @!p0 s1  }
0x199: {  	[bflag:$0x3] =	sbarrier.arrive $0xFFFF  }
0x19a: {  	_ =	shalt  }

// kernel: kernel.7.cloned.1.call-start
scs
__scs_entry_jumppad:
0x0: {  	(pc) =	sbr.rel $0x88, $3  }
0x1: {  	(tag) =	ssettag $0x0;
	lr =	simm.s32 $0x1  }
0x2: {  	[smem:$0x3F99] =	sst lr;
	_ =	strace $0xD0000000  }
0x3: {  	_ = 	snop  }
0x4: {  	_ = 	snop  }
0x5: {  	_ = 	snop  }
0x6: {  	_ = 	snop  }
0x7: {  	_ = 	snop  }
__scs_overlays_trampoline_lowered:
0x8: {  	[smem:$0x3FA8] =	sst s0  }
0x9: {  	[smem:$0x3FA9] =	sst s1  }
0xa: {  	[smem:$0x3FAA] =	sst s2  }
0xb: {  	[smem:$0x3FAB] =	sst s3  }
0xc: {  	[smem:$0x3FAC] =	sst s4  }
0xd: {  	[smem:$0x3FAD] =	sst s5  }
0xe: {  	[smem:$0x3FAE] =	sst s6  }
0xf: {  	[smem:$0x3FAF] =	sst s7  }
0x10: {  	[smem:$0x3FB0] =	sst s8  }
0x11: {  	[smem:$0x3FB1] =	sst s9;
	s0 =	simm.s32 @!p0 $0x0  }
0x12: {  	s1 =	sld [smem:$0x3F97];
	s0 =	simm.s32 @p0 $0x1  }
0x13: {  	[smem:$0x3FB2] =	sst s0;
	s0 =	simm.s32 @!p1 $0x0  }
0x14: {  	s2 =	sld [smem:$0x3F96];
	s0 =	simm.s32 @p1 $0x1  }
0x15: {  	[smem:$0x3FB3] =	sst s0;
	s0 =	simm.s32 @!p2 $0x0  }
0x16: {  	s3 =	sld [smem:$0x3FDB];
	s0 =	simm.s32 @p2 $0x1  }
0x17: {  	s4 =	simm.s32 $0x1BF5;
	[smem:$0x3FB5] =	sst s0  }
0x18: {  	s0 =	sld [smem:$0x3F98];
	_ =	swait.ge [sflag:s4], $0x0  }
0x19: {  	s7 =	sld [smem:$0x3F99]  }
0x1a: {  	s8 =	sadd.s32 $0xFFFFE003, lr  }
0x1b: {  	s9 =	sadd.s32 $0xFFFFFEF7, lr;
	s5 =	simm.s32 $0xFFFFFFFF;
	p2 =	slt.u32 s8, $0xFFFFF086  }
0x1c: {  	p1 =	slt.u32 s9, $0xF7A;
	s5 =	simm.s32 @!p2 $0x0  }
0x1d: {  	s5 =	simm.s32 @p1 $0x1;
	p0 =	seq.s32 s7, s2  }
0x1e: {  	s7 =	smul.u32 @!p0 $0xF7A, s2;
	p2 =	seq.s32 @!p0 s5, $0x0  }
0x1f: {  	s9 =	smul.u32 $0xF7A, s1;
	s8 =	simm.s32 @!p0 $0x1BF5;
	p2 =	por !p2, p0  }
0x20: {  	[sflag:s8] =	ssyncset.s32 @!p0 $0xFFFFF086;
	s6 =	sadd.s32 @!p0 s3, s7;
	s7 =	simm.s32 @!p0 $0x108  }
0x21: {  	s3 =	sadd.s32 s3, s9;
	s6 =	sadd.s32 @!p0 $0x88, s6;
	s7 =	simm.s32 @p2 $0x1082  }
0x22: {  	[simem:s7], [sflag:s8] =	dma.local @!p0 [hbm:s6], $0xF7A  }
0x23: {  	s9 =	sor.u32 $0xD0000000, s2;
	s6 =	simm.s32 $0x108;
	_ =	swait.ge @!p0 [sflag:s8], $0x0  }
0x24: {  	s3 =	sadd.s32 $0x88, s3;
	s6 =	simm.s32 @!p1 $0x1082;
	[sflag:s4] =	ssyncset.s32 $0xFFFFF086  }
0x25: {  	[simem:s6], [sflag:s4] =	dma.local [hbm:s3], $0xF7A  }
0x26: {  	[smem:$0x3F99] =	sst s1;
	(tag) =	ssettag s2;
	_ =	strace s9  }
0x27: {  	s1 =	sld [smem:$0x3FA9]  }
0x28: {  	s2 =	sld [smem:$0x3FAA]  }
0x29: {  	s4 =	sld [smem:$0x3FAC]  }
0x2a: {  	p0 =	seq.s32 s5, $0x0;
	s5 =	sld [smem:$0x3FAD]  }
0x2b: {  	s6 =	sld [smem:$0x3FAE]  }
0x2c: {  	s7 =	sld [smem:$0x3FAF]  }
0x2d: {  	s3 =	simm.s32 $0x108;
	s8 =	sld [smem:$0x3FB0]  }
0x2e: {  	s3 =	simm.s32 @!p0 $0x1082;
	s9 =	sld [smem:$0x3FB1]  }
0x2f: {  	lr =	sadd.s32 s0, s3;
	s0 =	sld [smem:$0x3FA8]  }
0x30: {  	s3 =	sld [smem:$0x3FAB]  }
0x31: {  	[smem:$0x3FB4] =	sst s10  }
0x32: {  	s10 =	sld [smem:$0x3FB2];
	_ =	sdelay $0x3  }
0x33: {  	p0 =	seq.s32 s10, $0x1;
	s10 =	sld [smem:$0x3FB4];
	_ =	sdelay $0x3  }
0x34: {  	[smem:$0x3FB4] =	sst s10  }
0x35: {  	s10 =	sld [smem:$0x3FB3];
	_ =	sdelay $0x3  }
0x36: {  	p1 =	seq.s32 s10, $0x1;
	s10 =	sld [smem:$0x3FB4];
	_ =	sdelay $0x3  }
0x37: {  	[smem:$0x3FB4] =	sst s10  }
0x38: {  	s10 =	sld [smem:$0x3FB5]  }
0x39: {  	_ = 	snop;
	(pc) =	sbr.ind lr, $3  }
0x3a: {  	_ = 	snop  }
0x3b: {  	_ = 	snop  }
0x3c: {  	p2 =	seq.s32 s10, $0x1;
	s10 =	sld [smem:$0x3FB4]  }
0x3d: {  	_ =	shalt  }
0x3e: {  	_ =	shalt  }
0x3f: {  	_ =	shalt  }
0x40: {  	_ =	shalt  }
0x41: {  	_ =	shalt  }
0x42: {  	_ =	shalt  }
0x43: {  	_ =	shalt  }
0x44: {  	_ =	shalt  }
0x45: {  	_ =	shalt  }
0x46: {  	_ =	shalt  }
0x47: {  	_ =	shalt  }
0x48: {  	_ =	shalt  }
0x49: {  	_ =	shalt  }
0x4a: {  	_ =	shalt  }
0x4b: {  	_ =	shalt  }
0x4c: {  	_ =	shalt  }
0x4d: {  	_ =	shalt  }
0x4e: {  	_ =	shalt  }
0x4f: {  	_ =	shalt  }
0x50: {  	_ =	shalt  }
0x51: {  	_ =	shalt  }
0x52: {  	_ =	shalt  }
0x53: {  	_ =	shalt  }
0x54: {  	_ =	shalt  }
0x55: {  	_ =	shalt  }
0x56: {  	_ =	shalt  }
0x57: {  	_ =	shalt  }
0x58: {  	_ =	shalt  }
0x59: {  	_ =	shalt  }
0x5a: {  	_ =	shalt  }
0x5b: {  	_ =	shalt  }
0x5c: {  	_ =	shalt  }
0x5d: {  	_ =	shalt  }
0x5e: {  	_ =	shalt  }
0x5f: {  	_ =	shalt  }
0x60: {  	_ =	shalt  }
0x61: {  	_ =	shalt  }
0x62: {  	_ =	shalt  }
0x63: {  	_ =	shalt  }
0x64: {  	_ =	shalt  }
0x65: {  	_ =	shalt  }
0x66: {  	_ =	shalt  }
0x67: {  	_ =	shalt  }
0x68: {  	_ =	shalt  }
0x69: {  	_ =	shalt  }
0x6a: {  	_ =	shalt  }
0x6b: {  	_ =	shalt  }
0x6c: {  	_ =	shalt  }
0x6d: {  	_ =	shalt  }
0x6e: {  	_ =	shalt  }
0x6f: {  	_ =	shalt  }
0x70: {  	_ =	shalt  }
0x71: {  	_ =	shalt  }
0x72: {  	_ =	shalt  }
0x73: {  	_ =	shalt  }
0x74: {  	_ =	shalt  }
0x75: {  	_ =	shalt  }
0x76: {  	_ =	shalt  }
0x77: {  	_ =	shalt  }
0x78: {  	_ =	shalt  }
0x79: {  	_ =	shalt  }
0x7a: {  	_ =	shalt  }
0x7b: {  	_ =	shalt  }
0x7c: {  	_ =	shalt  }
0x7d: {  	_ =	shalt  }
0x7e: {  	_ =	shalt  }
0x7f: {  	_ =	shalt  }
0x80: {  	_ =	shalt  }
0x81: {  	_ =	shalt  }
0x82: {  	_ =	shalt  }
0x83: {  	_ =	shalt  }
0x84: {  	_ =	shalt  }
0x85: {  	_ =	shalt  }
0x86: {  	_ =	shalt  }
0x87: {  	_ =	shalt  }
.Lfunc_end0:
.L_simem_size_0:
called_computation_lowered:
.L_overlay_start_0:
0x88: {  	s2 =	sld [smem:$0x3FD9]  }
0x89: {  	s3 =	sld [smem:$0x3FFE];
	_ =	sdelay $0x1  }
0x8a: {  	s1 =	srdreg.scid  }
0x8b: {  	s0 =	sand.u32 $0x1, s1  }
0x8c: {  	s17 =	sshll.u32 s0, $0xA;
	s2 =	sadd.s32 s3, s2  }
0x8d: {  	s2 =	sadd.s32 s2, s17  }
0x8e: {  	[smem:$0x3FC0] =	sst s2  }
0x8f: {  	_ = 	snop  }
0x90: {  	s18 =	sld [smem:$0x3FD0];
	(tm) =	ssettm $0x1  }
0x91: {  	s19 =	sld [smem:$0x3FFB];
	_ =	sdelay $0x3  }
0x92: {  	_ =	strace s19  }
0x93: {  	s2 =	sld [smem:$0x3FFC];
	_ =	sdelay $0x3  }
0x94: {  	_ =	strace s2  }
0x95: {  	s2 =	sld [smem:$0x3FFD];
	_ =	sdelay $0x3  }
0x96: {  	_ =	strace s2  }
0x97: {  	_ =	strace $0x8FFFFFFF  }
0x98: {  	s20 =	sld [smem:$0x3FDB];
	_ =	sdelay $0x1  }
0x99: {  	s4 =	simm.s32 $_scs_section_size  }
0x9a: {  	s5 =	simm.s32 $_size__tile_overlayer_lowered;
	s6 =	simm.s32 $_tile_overlayer_lowered  }
0x9b: {  	s7 =	simm.s32 $0x1BFF;
	s21 =	sshll.u32 s6, $0x1;
	s4 =	sadd.s32 s4, s20  }
0x9c: {  	s22 =	simm.s32 $0x0;
	s5 =	sshll.u32 s5, $0x1;
	s6 =	sadd.s32 s21, s4  }
0x9d: {  	[timem:s22], [sflag:s7] =	dma.local [hbm:s6], s5  }
0x9e: {  	_ =	swait.ge [sflag:s7], s5  }
0x9f: {  	s5 =	ssub.s32 $0x0, s5;
	[sflag:s7] =	ssyncset.done $0x0  }
0xa0: {  	[sflag:s7] =	ssyncadd.s32 s5;
	_ =	sdelay $0x1  }
0xa1: {  	s23 =	simm.s32 $0x1B8B  }
0xa2: {  	_ =	swait.ge [sflag:s23], $0x1  }
0xa3: {  	[sflag:s23] =	ssyncset.done $0x0  }
0xa4: {  	[sflag:s23] =	ssyncadd.s32 $0xFFFFFFFF  }
0xa5: {  	s5 =	sld [smem:$0x0]  }
0xa6: {  	s6 =	sand.u32 $0xFFFFFFFE, s1  }
0xa7: {  	p0 =	sne.s32 s1, s6  }
0xa8: {  	s6 =	sshll.u32 @p0 s6, $0xE  }
0xa9: {  	s6 =	sadd.s32 @p0 $0x11B8D, s6;
	s7 =	sshll.u32 @p0 s5, $0x11  }
0xaa: {  	s6 =	sor.u32 @p0 s7, s6  }
0xab: {  	[sflag:s6] =	ssyncadd.remote.s32 @p0 $0x1;
	_ =	sdelay $0x1  }
0xac: {  	s6 =	simm.s32 @p0 $0x1B8D  }
0xad: {  	_ =	swait.eq @p0 [sflag:s6], $0x1  }
0xae: {  	[sflag:s6] =	ssyncadd.s32 @p0 $0xFFFFFFFF  }
0xaf: {  	s7 =	sshll.u32 @!p0 s1, $0xE  }
0xb0: {  	s7 =	sor.u32 @!p0 $0x4000, s7;
	s6 =	simm.s32 @!p0 $0x1B8D  }
0xb1: {  	s5 =	sshll.u32 @!p0 s5, $0x11;
	s7 =	sadd.s32 @!p0 $0x11B8D, s7;
	_ =	swait.eq @!p0 [sflag:s6], $0x1  }
0xb2: {  	s5 =	sor.u32 @!p0 s5, s7;
	[sflag:s6] =	ssyncadd.s32 @!p0 $0xFFFFFFFF  }
0xb3: {  	s25 =	simm.s32 $0x1B8E;
	s24 =	sld [smem:$0x3FFE];
	[sflag:s5] =	ssyncadd.remote.s32 @!p0 $0x1  }
0xb4: {  	s26 =	simm.s32 $execute0_lowered;
	[smem:$0x3FD2] =	sst s25  }
0xb5: {  	s6 =	sshll.u32 s26, $0x1;
	_ =	strace $0x80000049;
	[dreg:$0x1] =	wrdreg $0xFFFFFFFF  }
0xb6: {  	s28 =	simm.s32 $_size_execute0_lowered;
	s4 =	sadd.s32 s4, s6;
	[dreg:$0x0] =	wrdreg $0x0  }
0xb7: {  	s6 =	sshll.u32 s28, $0x1;
	[dreg:$0x2] =	wrdreg s4  }
0xb8: {  	[dreg:$0x3] =	wrdreg s6  }
0xb9: {  	[dreg:$0x4] =	wrdreg $0xC0  }
0xba: {  	_ =	task [dreg:s22], $0x5FFFF  }
0xbb: {  	[dreg:$0x1] =	wrdreg $0xFFFFFFFF  }
0xbc: {  	[dreg:$0x0] =	wrdreg $0x60  }
0xbd: {  	[dreg:$0x2] =	wrdreg s24  }
0xbe: {  	[dreg:$0x3] =	wrdreg s18  }
0xbf: {  	[dreg:$0x4] =	wrdreg $0x44000  }
0xc0: {  	[dreg:$0x5] =	wrdreg $0x9  }
0xc1: {  	_ =	task.clear_ibuf [dreg:s22], $0x6FFFF;
	_ =	strace $0x90000049  }
0xc2: {  	s29 =	simm.s32 $0x9;
	_ =	strace $0x8000004B  }
0xc3: {  	_ =	swait.ge [sflag:s29], $0x1  }
0xc4: {  	[sflag:s29] =	ssyncadd.s32 $0xFFFFFFFF  }
0xc5: {  	_ =	strace $0x9000004B  }
0xc6: {  	_ =	sfence  }
0xc7: {  	s30 =	sld [smem:$0x0];
	_ =	sdelay $0x2  }
0xc8: {  	s31 =	sshll.u32 s1, $0xD;
	s1 =	sshrl.u32 s1, $0x2  }
0xc9: {  	s4 =	sand.u32 $0x4000, s31;
	s1 =	sadd.s32 s1, s30  }
0xca: {  	s0 =	sor.u32 s4, s0;
	s1 =	sshll.u32 s1, $0x11  }
0xcb: {  	s0 =	sor.u32 s1, s0  }
0xcc: {  	s0 =	sadd.s32 $0x8F2B, s0  }
0xcd: {  	[sflag:s0] =	ssyncadd.remote.s32 $0x1  }
0xce: {  	_ =	sfence.sel $0xFFFF  }
0xcf: {  	[dreg:$0x0] =	wrdreg $0xFFFFFFFF;
	(pc) =	sbr.abs _section_cstart, $3  }
0xd0: {  	[dreg:$0x1] =	wrdreg $0xFFFFFFFF  }
0xd1: {  	_ =	task.clear_ibuf [dreg:s22], $0x2FFFF;
	_ =	strace $0x9FFFFFFF  }
0xd2: {  	(tm) =	ssettm $0x7FFFFFFF  }
0xd3: {  	_ =	shalt  }
tec
execute0_lowered:
.L_overlay_start_1:
0x0: {  	(tag) =	ssettag $0x1  }
0x1: {  	s6 =	rddreg [dreg:$0x0]  }
0x2: {  	s0 =	srdreg.scid;
	s2 =	rddreg [dreg:$0x1]  }
0x3: {  	s3 =	rddreg [dreg:$0x2];
	s1 =	stileid.u32;
	s4 =	simm.s32 $0x0  }
0x4: {  	s14 =	simm.s32 $0x100;
	s15 =	simm.s32 $0x180;
	s16 =	simm.s32 $0x200  }
0x5: {  	s17 =	simm.s32 $0x280;
	s18 =	simm.s32 $0x300;
	s9 =	smul.u32 $0x14000, s1  }
0x6: {  	s19 =	simm.s32 $0x380;
	s20 =	simm.s32 $0x0;
	s29 =	smul.u32 $0x50000, s1  }
0x7: {  	s5 =	sand.u32 $0x1, s0;
	s0 =	rddreg [dreg:$0x3];
	s12 =	smul.u32 $0x500, s1  }
0x8: {  	[smem:$0x7FF] =	sst s4;
	s11 =	sshll.u32 s1, $0x6;
	s7 =	smul.u32 $0x5000, s5  }
0x9: {  	s8 =	smul.u32 $0x140000, s5;
	_ =	strace $0x8000004A;
	s28 =	ssub.s32 $0x2, s5  }
0xa: {  	s5 =	sadd.s32 $0x66000, s6;
	s30 =	sshrl.u32 s28, $0x1;
	s10 =	sadd.s32 s7, s6  }
0xb: {  	s26 =	sadd.s32 s9, s8;
	s9 =	sshrl.u32 s29, $0x2;
	s8 =	ssub.s32 s28, s30  }
0xc: {  	s7 =	sshrl.u32 s26, $0x3;
	s13 =	sadd.s32 s9, s3;
	s8 =	smax.u32 s8, $0x1  }
0xd: {  	s31 =	sadd.s32 s12, s10;
	s12 =	simm.s32 $0x400;
	s7 =	sadd.s32 s7, s6  }
0xe: {  	s6 =	sor.u32 $0x1C01, s11;
	s9 =	sadd.s32 $0x2000, s31;
	s10 =	sshrl.u32 s13, $0x3  }
0xf: {  	s11 =	simm.s32 $0x1;
	s13 =	simm.s32 $0x80;
	s7 =	sadd.s32 $0x66800, s7  }
.LBB2_1:
0x10: {  	[spmem:s10], [sflag:s6] =	dma.local [hbm:s2], $0x2800  }
0x11: {  	_ =	swait.ge [sflag:s11], $0x2800  }
0x12: {  	[sflag:s11] =	ssyncset.done $0x0  }
0x13: {  	[sflag:s11] =	ssyncadd.s32 $0xFFFFD800  }
0x14: {  	[tilespmem:s12], [sflag:$0x1] =	stream.linear.gather [hbm4b:s5+s4], $0x4000, $0x38;
	[tilespmem:$0x18400] =	vst v63  }
0x15: {  	_ =	swait.ge [sflag:s11], $0x4000  }
0x16: {  	[sflag:s11] =	ssyncset.done $0x0  }
0x17: {  	[sflag:s11] =	ssyncadd.s32 $0xFFFFC000  }
0x18: {  	s21 =	sadd.s32 $0x0, s9;
	[bflag:$0x0] =	sbarrier.arrive $0xFFFF  }
0x19: {  	[tilespmem:s4], [sflag:$0x1] =	stream.linear.gather [hbm4b:s21+s4], $0x400, $0x38;
	[tilespmem:$0x18400] =	vst v63  }
0x1a: {  	_ =	swait.ge [sflag:s11], $0x400  }
0x1b: {  	[sflag:s11] =	ssyncset.done $0x0  }
0x1c: {  	[sflag:s11] =	ssyncadd.s32 $0xFFFFFC00  }
0x1d: {  	[spmem:s3] =	stream.indirect.scatter.add.f32 [tilespmem:s12], [sflag:$0x1], $0x80, s4, s13, $0xb8;
	[tilespmem:$0x18400] =	vst v63  }
0x1e: {  	_ =	swait.ge [sflag:s11], $0x4000  }
0x1f: {  	[sflag:s11] =	ssyncset.done $0x0  }
0x20: {  	[sflag:s11] =	ssyncadd.s32 $0xFFFFC000  }
0x21: {  	[spmem:s3] =	stream.indirect.scatter.add.f32 [tilespmem:s12], [sflag:$0x1], $0x80, s13, s13, $0xb8;
	[tilespmem:$0x18400] =	vst v63  }
0x22: {  	_ =	swait.ge [sflag:s11], $0x4000  }
0x23: {  	[sflag:s11] =	ssyncset.done $0x0  }
0x24: {  	[sflag:s11] =	ssyncadd.s32 $0xFFFFC000  }
0x25: {  	[spmem:s3] =	stream.indirect.scatter.add.f32 [tilespmem:s12], [sflag:$0x1], $0x80, s14, s13, $0xb8;
	[tilespmem:$0x18400] =	vst v63  }
0x26: {  	_ =	swait.ge [sflag:s11], $0x4000  }
0x27: {  	[sflag:s11] =	ssyncset.done $0x0  }
0x28: {  	[sflag:s11] =	ssyncadd.s32 $0xFFFFC000  }
0x29: {  	[spmem:s3] =	stream.indirect.scatter.add.f32 [tilespmem:s12], [sflag:$0x1], $0x80, s15, s13, $0xb8;
	[tilespmem:$0x18400] =	vst v63  }
0x2a: {  	_ =	swait.ge [sflag:s11], $0x4000  }
0x2b: {  	[sflag:s11] =	ssyncset.done $0x0  }
0x2c: {  	[sflag:s11] =	ssyncadd.s32 $0xFFFFC000  }
0x2d: {  	[spmem:s3] =	stream.indirect.scatter.add.f32 [tilespmem:s12], [sflag:$0x1], $0x80, s16, s13, $0xb8;
	[tilespmem:$0x18400] =	vst v63  }
0x2e: {  	_ =	swait.ge [sflag:s11], $0x4000  }
0x2f: {  	[sflag:s11] =	ssyncset.done $0x0  }
0x30: {  	[sflag:s11] =	ssyncadd.s32 $0xFFFFC000  }
0x31: {  	[spmem:s3] =	stream.indirect.scatter.add.f32 [tilespmem:s12], [sflag:$0x1], $0x80, s17, s13, $0xb8;
	[tilespmem:$0x18400] =	vst v63  }
0x32: {  	_ =	swait.ge [sflag:s11], $0x4000  }
0x33: {  	[sflag:s11] =	ssyncset.done $0x0  }
0x34: {  	[sflag:s11] =	ssyncadd.s32 $0xFFFFC000  }
0x35: {  	[spmem:s3] =	stream.indirect.scatter.add.f32 [tilespmem:s12], [sflag:$0x1], $0x80, s18, s13, $0xb8;
	[tilespmem:$0x18400] =	vst v63  }
0x36: {  	_ =	swait.ge [sflag:s11], $0x4000  }
0x37: {  	[sflag:s11] =	ssyncset.done $0x0  }
0x38: {  	[sflag:s11] =	ssyncadd.s32 $0xFFFFC000  }
0x39: {  	[spmem:s3] =	stream.indirect.scatter.add.f32 [tilespmem:s12], [sflag:$0x1], $0x80, s19, s13, $0xb8;
	[tilespmem:$0x18400] =	vst v63  }
0x3a: {  	_ =	swait.ge [sflag:s11], $0x4000  }
0x3b: {  	s23 =	simm.s32 $0x100;
	s21 =	simm.s32 $0x80;
	[sflag:s11] =	ssyncset.done $0x0  }
.LBB2_2:
0x3c: {  	s24 =	sadd.s32 s21, s9  }
0x3d: {  	[sflag:s11] =	ssyncadd.s32 $0xFFFFC000;
	s21 =	smov.u32 s23;
	s22 =	sadd.s32 $0x80, s23  }
0x3e: {  	[tilespmem:s4], [sflag:$0x1] =	stream.linear.gather [hbm4b:s24+s4], $0x400, $0x38;
	[tilespmem:$0x18400] =	vst v63  }
0x3f: {  	p0 =	sne.s32 s23, $0x480;
	_ =	swait.ge [sflag:s11], $0x400  }
0x40: {  	[sflag:s11] =	ssyncset.done $0x0  }
0x41: {  	[sflag:s11] =	ssyncadd.s32 $0xFFFFFC00  }
0x42: {  	[spmem:s3] =	stream.indirect.scatter.add.f32 [tilespmem:s12], [sflag:$0x1], $0x80, s4, s13, $0xb8;
	[tilespmem:$0x18400] =	vst v63  }
0x43: {  	_ =	swait.ge [sflag:s11], $0x4000  }
0x44: {  	[sflag:s11] =	ssyncset.done $0x0  }
0x45: {  	[sflag:s11] =	ssyncadd.s32 $0xFFFFC000  }
0x46: {  	[spmem:s3] =	stream.indirect.scatter.add.f32 [tilespmem:s12], [sflag:$0x1], $0x80, s13, s13, $0xb8;
	[tilespmem:$0x18400] =	vst v63  }
0x47: {  	_ =	swait.ge [sflag:s11], $0x4000  }
0x48: {  	[sflag:s11] =	ssyncset.done $0x0  }
0x49: {  	[sflag:s11] =	ssyncadd.s32 $0xFFFFC000  }
0x4a: {  	[spmem:s3] =	stream.indirect.scatter.add.f32 [tilespmem:s12], [sflag:$0x1], $0x80, s14, s13, $0xb8;
	[tilespmem:$0x18400] =	vst v63  }
0x4b: {  	_ =	swait.ge [sflag:s11], $0x4000  }
0x4c: {  	[sflag:s11] =	ssyncset.done $0x0  }
0x4d: {  	[sflag:s11] =	ssyncadd.s32 $0xFFFFC000  }
0x4e: {  	[spmem:s3] =	stream.indirect.scatter.add.f32 [tilespmem:s12], [sflag:$0x1], $0x80, s15, s13, $0xb8;
	[tilespmem:$0x18400] =	vst v63  }
0x4f: {  	_ =	swait.ge [sflag:s11], $0x4000  }
0x50: {  	[sflag:s11] =	ssyncset.done $0x0  }
0x51: {  	[sflag:s11] =	ssyncadd.s32 $0xFFFFC000  }
0x52: {  	[spmem:s3] =	stream.indirect.scatter.add.f32 [tilespmem:s12], [sflag:$0x1], $0x80, s16, s13, $0xb8;
	[tilespmem:$0x18400] =	vst v63  }
0x53: {  	_ =	swait.ge [sflag:s11], $0x4000  }
0x54: {  	[sflag:s11] =	ssyncset.done $0x0  }
0x55: {  	[sflag:s11] =	ssyncadd.s32 $0xFFFFC000  }
0x56: {  	[spmem:s3] =	stream.indirect.scatter.add.f32 [tilespmem:s12], [sflag:$0x1], $0x80, s17, s13, $0xb8;
	[tilespmem:$0x18400] =	vst v63  }
0x57: {  	_ =	swait.ge [sflag:s11], $0x4000  }
0x58: {  	[sflag:s11] =	ssyncset.done $0x0  }
0x59: {  	[sflag:s11] =	ssyncadd.s32 $0xFFFFC000  }
0x5a: {  	[spmem:s3] =	stream.indirect.scatter.add.f32 [tilespmem:s12], [sflag:$0x1], $0x80, s18, s13, $0xb8;
	[tilespmem:$0x18400] =	vst v63  }
0x5b: {  	_ =	swait.ge [sflag:s11], $0x4000  }
.Ltmp0:
0x5c: {  	[sflag:s11] =	ssyncset.done $0x0;
	(pc) =	sbr.rel @p0 .LBB2_2-.Ltmp0, $4  }
0x5d: {  	[sflag:s11] =	ssyncadd.s32 $0xFFFFC000  }
0x5e: {  	[spmem:s3] =	stream.indirect.scatter.add.f32 [tilespmem:s12], [sflag:$0x1], $0x80, s19, s13, $0xb8;
	[tilespmem:$0x18400] =	vst v63  }
0x5f: {  	_ =	swait.ge [sflag:s11], $0x4000  }
0x60: {  	s23 =	smov.u32 s22;
	[sflag:s11] =	ssyncset.done $0x0  }
0x61: {  	s21 =	sadd.s32 s21, s9;
	[sflag:s11] =	ssyncadd.s32 $0xFFFFC000  }
0x62: {  	[tilespmem:s4], [sflag:$0x1] =	stream.linear.gather [hbm4b:s21+s4], $0x400, $0x38;
	[tilespmem:$0x18400] =	vst v63  }
0x63: {  	_ =	swait.ge [sflag:s11], $0x400  }
0x64: {  	[sflag:s11] =	ssyncset.done $0x0  }
0x65: {  	[sflag:s11] =	ssyncadd.s32 $0xFFFFFC00  }
0x66: {  	[spmem:s3] =	stream.indirect.scatter.add.f32 [tilespmem:s12], [sflag:$0x1], $0x80, s4, s13, $0xb8;
	[tilespmem:$0x18400] =	vst v63  }
0x67: {  	_ =	swait.ge [sflag:s11], $0x4000  }
0x68: {  	[sflag:s11] =	ssyncset.done $0x0  }
0x69: {  	[sflag:s11] =	ssyncadd.s32 $0xFFFFC000  }
0x6a: {  	[spmem:s3] =	stream.indirect.scatter.add.f32 [tilespmem:s12], [sflag:$0x1], $0x80, s13, s13, $0xb8;
	[tilespmem:$0x18400] =	vst v63  }
0x6b: {  	_ =	swait.ge [sflag:s11], $0x4000  }
0x6c: {  	[sflag:s11] =	ssyncset.done $0x0  }
0x6d: {  	[sflag:s11] =	ssyncadd.s32 $0xFFFFC000  }
0x6e: {  	[spmem:s3] =	stream.indirect.scatter.add.f32 [tilespmem:s12], [sflag:$0x1], $0x80, s14, s13, $0xb8;
	[tilespmem:$0x18400] =	vst v63  }
0x6f: {  	_ =	swait.ge [sflag:s11], $0x4000  }
0x70: {  	[sflag:s11] =	ssyncset.done $0x0  }
0x71: {  	[sflag:s11] =	ssyncadd.s32 $0xFFFFC000  }
0x72: {  	[spmem:s3] =	stream.indirect.scatter.add.f32 [tilespmem:s12], [sflag:$0x1], $0x80, s15, s13, $0xb8;
	[tilespmem:$0x18400] =	vst v63  }
0x73: {  	_ =	swait.ge [sflag:s11], $0x4000  }
0x74: {  	[sflag:s11] =	ssyncset.done $0x0  }
0x75: {  	[sflag:s11] =	ssyncadd.s32 $0xFFFFC000  }
0x76: {  	[spmem:s3] =	stream.indirect.scatter.add.f32 [tilespmem:s12], [sflag:$0x1], $0x80, s16, s13, $0xb8;
	[tilespmem:$0x18400] =	vst v63  }
0x77: {  	_ =	swait.ge [sflag:s11], $0x4000  }
0x78: {  	[sflag:s11] =	ssyncset.done $0x0  }
0x79: {  	[sflag:s11] =	ssyncadd.s32 $0xFFFFC000  }
0x7a: {  	[spmem:s3] =	stream.indirect.scatter.add.f32 [tilespmem:s12], [sflag:$0x1], $0x80, s17, s13, $0xb8;
	[tilespmem:$0x18400] =	vst v63  }
0x7b: {  	_ =	swait.ge [sflag:s11], $0x4000  }
0x7c: {  	[sflag:s11] =	ssyncset.done $0x0  }
0x7d: {  	[sflag:s11] =	ssyncadd.s32 $0xFFFFC000  }
0x7e: {  	[spmem:s3] =	stream.indirect.scatter.add.f32 [tilespmem:s12], [sflag:$0x1], $0x80, s18, s13, $0xb8;
	[tilespmem:$0x18400] =	vst v63  }
0x7f: {  	_ =	swait.ge [sflag:s11], $0x4000  }
0x80: {  	[sflag:s11] =	ssyncset.done $0x0  }
0x81: {  	[sflag:s11] =	ssyncadd.s32 $0xFFFFC000  }
0x82: {  	[spmem:s3] =	stream.indirect.scatter.add.f32 [tilespmem:s12], [sflag:$0x1], $0x80, s19, s13, $0xb8;
	[tilespmem:$0x18400] =	vst v63  }
0x83: {  	_ =	swait.ge [sflag:s11], $0x4000  }
0x84: {  	s20 =	sadd.s32 $0x1, s20;
	[sflag:s11] =	ssyncset.done $0x0  }
0x85: {  	p0 =	sne.s32 s20, s8;
	[sflag:s11] =	ssyncadd.s32 $0xFFFFC000  }
.Ltmp1:
0x86: {  	[bflag:$0x0] =	sbarrier.arrive $0xFFFF;
	(pc) =	sbr.rel @p0 .LBB2_1-.Ltmp1, $4  }
0x87: {  	[hbm:s7], [sflag:s6] =	dma.local [spmem:s10], $0x2800  }
0x88: {  	_ =	swait.ge [sflag:s11], $0x2800  }
0x89: {  	[sflag:s11] =	ssyncset.done $0x0  }
0x8a: {  	[sflag:s11] =	ssyncadd.s32 $0xFFFFD800  }
0x8b: {  	_ =	sfence.sel $0x180000  }
0x8c: {  	[bflag:$0x0] =	sbarrier.arrive $0xFFFF  }
0x8d: {  	p0 =	sne.s32 s1, $0x0;
	_ =	strace $0x9000004A  }
0x8e: {  	s0 =	sadd.s32 @!p0 $0x100000, s0;
	[bflag:$0x2] =	sbarrier.arrive $0xFFFF  }
0x8f: {  	[sflag:s0] =	ssyncadd.tile.s32 @!p0 $0x1;
	_ =	shalt  }
.Lfunc_end2:
_tile_overlayer_lowered:
.L_overlay_start_2:
0x90: {  	(tag) =	ssettag $0x2  }
0x91: {  	s0 =	rddreg [dreg:$0x0];
	s2 =	stileid.u32  }
0x92: {  	s1 =	rddreg [dreg:$0x1];
	p0 =	sne.s32 s2, $0x0  }
0x93: {  	s3 =	rddreg [dreg:$0x2];
	[bflag:$0x3] =	sbarrier.arrive $0xFFFF;
	s2 =	simm.s32 @!p0 $0x1C01  }
0x94: {  	[timem:s3], [sflag:s2] =	dma.local @!p0 [hbm:s0], s1  }
0x95: {  	s0 =	simm.s32 @!p0 $0x1  }
0x96: {  	_ =	swait.ge @!p0 [sflag:s0], s1  }
0x97: {  	s1 =	ssub.s32 @!p0 $0x0, s1;
	[sflag:s0] =	ssyncset.done @!p0 $0x0  }
0x98: {  	[sflag:s0] =	ssyncadd.s32 @!p0 s1  }
0x99: {  	[bflag:$0x3] =	sbarrier.arrive $0xFFFF  }
0x9a: {  	_ =	shalt  }

</sc_bundles>
